<compile_context>
chip_gen: v7x
topology: tpu7x:2x2x1
jax: 0.10.2.dev20260603
libtpu: 0.0.44.dev20260713+nightly
codegen_flags: <defaults>
</compile_context>

<pallas_src>
import functools

import jax
import jax.numpy as jnp
from jax import lax
from jax.experimental import pallas as pl
from jax.experimental.pallas import tpu as pltpu
from jax.experimental.pallas import tpu_sc as plsc

_EPS = 1e-09
_TPAD = 1024

_D = 8
_RR = 512


def _coef_rows(betas_ref, t_ref):
    t = t_ref[...]
    b = t.shape[1]
    acc_le = jnp.zeros((1, b), jnp.float32)
    acc_eql = jnp.zeros((1, b), jnp.float32)
    acc_eqb = jnp.zeros((1, b), jnp.float32)
    ck = 256
    for k in range(_TPAD // ck):
        beta_c = betas_ref[k * ck:(k + 1) * ck, 0:1]
        la_c = jnp.log(1.0 - beta_c)
        jg = k * ck + lax.broadcasted_iota(jnp.int32, (ck, b), 0)
        le = jg <= t
        eq = jg == t
        acc_le += jnp.sum(jnp.where(le, la_c, 0.0), axis=0, keepdims=True)
        acc_eql += jnp.sum(jnp.where(eq, la_c, 0.0), axis=0, keepdims=True)
        acc_eqb += jnp.sum(jnp.where(eq, beta_c, 0.0), axis=0, keepdims=True)

    ac = jnp.exp(acc_le)
    acp = jnp.exp(acc_le - acc_eql)
    beta_t = acc_eqb
    alpha_t = 1.0 - beta_t
    recip = 1.0 / ac
    a1 = jnp.sqrt(recip)
    a2 = jnp.sqrt(recip - 1.0)
    om_ac = 1.0 - ac
    pvm = (1.0 - acp) / om_ac
    c1 = beta_t * jnp.sqrt(ac) / om_ac
    c2 = jnp.sqrt(alpha_t) * pvm
    return a1, a2, c1, c2


def _table_rows(betas_ref, tab_ref):
    ck = 256
    for ki in range(_TPAD // ck):
        lac = jnp.zeros((1, ck), jnp.float32)
        la_eq = jnp.zeros((1, ck), jnp.float32)
        beta_eq = jnp.zeros((1, ck), jnp.float32)
        ig = ki * ck + lax.broadcasted_iota(jnp.int32, (ck, ck), 1)
        for kj in range(ki + 1):
            beta_c = betas_ref[kj * ck:(kj + 1) * ck, 0:1]
            la_c = jnp.log(1.0 - beta_c)
            if kj < ki:
                lac += jnp.sum(la_c)
            else:
                jg = kj * ck + lax.broadcasted_iota(jnp.int32, (ck, ck), 0)
                le = jg <= ig
                eq = jg == ig
                lac += jnp.sum(jnp.where(le, la_c, 0.0), axis=0, keepdims=True)
                la_eq += jnp.sum(jnp.where(eq, la_c, 0.0), axis=0,
                                 keepdims=True)
                beta_eq += jnp.sum(jnp.where(eq, beta_c, 0.0), axis=0,
                                   keepdims=True)
        ac = jnp.exp(lac)
        acp = jnp.exp(lac - la_eq)
        pvm = (1.0 - acp) / (1.0 - ac)
        pv_t = beta_eq * pvm
        plv_t = jnp.log(jnp.maximum(pv_t, _EPS))
        tab_ref[ki:ki + 1, :] = pv_t
        tab_ref[4 + ki:5 + ki, :] = plv_t


def _prep_body(betas_ref, t_ref, coef_ref, tab_ref):
    a1, a2, c1, c2 = _coef_rows(betas_ref, t_ref)
    coef_ref[0:1, :] = a1
    coef_ref[1:2, :] = a2
    coef_ref[2:3, :] = c1
    coef_ref[3:4, :] = c2
    coef_ref[4:8, :] = jnp.zeros((4, a1.shape[1]), jnp.float32)
    _table_rows(betas_ref, tab_ref)


def _dense_body(coef_ref, x_hbm, n_hbm,
                xs_hbm, pm_hbm,
                xb, nb, xsb, pmb, six, sin, sox, sop):
    D, RR, B = xb.shape
    G = xs_hbm.shape[0] // RR
    KO = G // D
    assert KO * D == G, (G, D)

    def in_x(g, d):
        return pltpu.make_async_copy(
            x_hbm.at[pl.ds(g * RR, RR), :], xb.at[d], six.at[d])

    def in_n(g, d):
        return pltpu.make_async_copy(
            n_hbm.at[pl.ds(g * RR, RR), :], nb.at[d], sin.at[d])

    def out_xs(g, d):
        return pltpu.make_async_copy(
            xsb.at[d], xs_hbm.at[pl.ds(g * RR, RR), :], sox.at[d])

    def out_pm(g, d):
        return pltpu.make_async_copy(
            pmb.at[d], pm_hbm.at[pl.ds(g * RR, RR), :], sop.at[d])

    for d in range(D):
        in_x(d, d).start()
        in_n(d, d).start()

    a1 = coef_ref[0:1, :]
    a2 = coef_ref[1:2, :]
    c1 = coef_ref[2:3, :]
    c2 = coef_ref[3:4, :]

    def outer(ko, carry):
        for d in range(D):
            g = ko * D + d
            in_x(g, d).wait()
            in_n(g, d).wait()

            @pl.when(ko > 0)
            def _():
                gp = (ko - 1) * D + d
                out_xs(gp, d).wait()
                out_pm(gp, d).wait()

            x = xb[d]
            n = nb[d]
            xs = a1 * x - a2 * n
            pm = c1 * xs + c2 * x
            xsb[d] = xs
            pmb[d] = pm
            out_xs(g, d).start()
            out_pm(g, d).start()

            @pl.when(ko < KO - 1)
            def _():
                gn = (ko + 1) * D + d
                in_x(gn, d).start()
                in_n(gn, d).start()
        return carry

    lax.fori_loop(0, KO, outer, 0)

    for d in range(D):
        gl = (KO - 1) * D + d
        out_xs(gl, d).wait()
        out_pm(gl, d).wait()


def _sc_gather_body(tab_hbm, t_hbm, pv_out, plv_out,
                    t_v, t2_v, pv_v, plv_v, sem):
    wid = lax.axis_index("c") * 16 + lax.axis_index("s")

    @pl.when(wid < 16)
    def _():
        base = wid * 16
        pltpu.sync_copy(t_hbm.at[pl.ds(base, 16)], t_v)
        t2_v[...] = t_v[...] + 1024
        pltpu.async_copy(tab_hbm.at[t_v], pv_v, sem).wait()
        pltpu.async_copy(tab_hbm.at[t2_v], plv_v, sem).wait()
        pltpu.sync_copy(pv_v, pv_out.at[pl.ds(base, 16)])
        pltpu.sync_copy(plv_v, plv_out.at[pl.ds(base, 16)])


def _sc_gather(tabf, t):
    mesh = plsc.VectorSubcoreMesh(core_axis_name="c", subcore_axis_name="s")
    B = t.shape[0]
    fn = functools.partial(
        pl.kernel, mesh=mesh,
        out_type=[jax.ShapeDtypeStruct((B,), jnp.float32),
                  jax.ShapeDtypeStruct((B,), jnp.float32)],
        scratch_types=[pltpu.VMEM((16,), jnp.int32),
                       pltpu.VMEM((16,), jnp.int32),
                       pltpu.VMEM((16,), jnp.float32),
                       pltpu.VMEM((16,), jnp.float32),
                       pltpu.SemaphoreType.DMA],
    )(_sc_gather_body)
    return fn(tabf, t)


def kernel(x_t, noise, betas, t):
    B, C, H, W = x_t.shape
    F = C * H * W
    x2 = jnp.transpose(x_t, (1, 2, 3, 0)).reshape(F, B)
    n2 = jnp.transpose(noise, (1, 2, 3, 0)).reshape(F, B)
    tlen = betas.shape[0]
    betas_col = jnp.concatenate(
        [betas, jnp.full((_TPAD - tlen,), 0.5, jnp.float32)]).reshape(_TPAD, 1)
    t_row = t.reshape(1, B)

    coef, tab = pl.pallas_call(
        _prep_body,
        out_shape=[
            jax.ShapeDtypeStruct((8, B), jnp.float32),
            jax.ShapeDtypeStruct((8, 256), jnp.float32),
        ],
    )(betas_col, t_row)

    tabf = tab.reshape(2 * _TPAD)
    pv, plv = _sc_gather(tabf, t)

    D, RR = _D, _RR
    xs2, pm2 = pl.pallas_call(
        _dense_body,
        in_specs=[
            pl.BlockSpec((8, B), lambda: (0, 0)),
            pl.BlockSpec(memory_space=pl.ANY),
            pl.BlockSpec(memory_space=pl.ANY),
        ],
        out_specs=[
            pl.BlockSpec(memory_space=pl.ANY),
            pl.BlockSpec(memory_space=pl.ANY),
        ],
        out_shape=[
            jax.ShapeDtypeStruct((F, B), jnp.float32),
            jax.ShapeDtypeStruct((F, B), jnp.float32),
        ],
        scratch_shapes=[
            pltpu.VMEM((D, RR, B), jnp.float32),
            pltpu.VMEM((D, RR, B), jnp.float32),
            pltpu.VMEM((D, RR, B), jnp.float32),
            pltpu.VMEM((D, RR, B), jnp.float32),
            pltpu.SemaphoreType.DMA((D,)),
            pltpu.SemaphoreType.DMA((D,)),
            pltpu.SemaphoreType.DMA((D,)),
            pltpu.SemaphoreType.DMA((D,)),
        ],
    )(coef, x2, n2)

    xs = jnp.transpose(xs2.reshape(C, H, W, B), (3, 0, 1, 2))
    pm = jnp.transpose(pm2.reshape(C, H, W, B), (3, 0, 1, 2))
    return (xs, pm, pv, plv)

# --- scband reference (transcript-rebuilt; emitter-appended) ---
"""Pipeline reference for scband-gaussian-diffusion-37572373905854 (READ-ONLY COPY).

The authoritative reference and input builder live on the scoring server;
editing this copy changes nothing except your own understanding.
"""

import jax, jax.numpy as jnp
import numpy as np

EPS = 1e-09


def _coeffs(betas):
    alphas = 1.0 - betas
    alphas_cum = jnp.cumprod(alphas, axis=0)
    alphas_cum_prev = jnp.concatenate([jnp.ones((1,), betas.dtype), alphas_cum[:-1]])
    sqrt_alphas_cum = jnp.sqrt(alphas_cum)
    sqrt_recip_alphas_cum = jnp.sqrt(1.0 / alphas_cum)
    sqrt_recip_alphas_cum_minus_one = jnp.sqrt(1.0 / alphas_cum - 1.0)
    posterior_var_mul = (1.0 - alphas_cum_prev) / (1.0 - alphas_cum)
    posterior_var = betas * posterior_var_mul
    posterior_log_var_clipped = jnp.log(jnp.maximum(posterior_var, EPS))
    posterior_mean_coef1 = betas * sqrt_alphas_cum / (1.0 - alphas_cum)
    posterior_mean_coef2 = jnp.sqrt(alphas) * posterior_var_mul
    return (sqrt_recip_alphas_cum, sqrt_recip_alphas_cum_minus_one,
            posterior_var, posterior_log_var_clipped,
            posterior_mean_coef1, posterior_mean_coef2)


def _extract_mul(a, t, x):
    # embedding-style gather of per-timestep coefficient, broadcast-multiplied into x
    out = jnp.take(a, t, axis=0)
    return out.reshape((x.shape[0],) + (1,) * (x.ndim - 1)) * x


def setup_inputs(seed: int = 0) -> dict:
    key = jax.random.key(seed)
    k1, k2, k3, k4 = jax.random.split(key, 4)
    B, C, H, W, T = 256, 4, 64, 64, 1000
    x_t = jax.random.normal(k1, (B, C, H, W), dtype=jnp.float32)
    noise = jax.random.normal(k2, (B, C, H, W), dtype=jnp.float32)
    betas = jax.random.uniform(k3, (T,), dtype=jnp.float32, minval=1e-4, maxval=0.02)
    t = jax.random.randint(k4, (B,), 0, T, dtype=jnp.int32)
    return {"x_t": x_t, "noise": noise, "betas": betas, "t": t}


def reference(x_t, noise, betas, t):
    (sqrt_recip_alphas_cum, sqrt_recip_alphas_cum_minus_one,
     posterior_var, posterior_log_var_clipped,
     posterior_mean_coef1, posterior_mean_coef2) = _coeffs(betas)
    # _predict_start_from_noise
    x_start = (_extract_mul(sqrt_recip_alphas_cum, t, x_t)
               - _extract_mul(sqrt_recip_alphas_cum_minus_one, t, noise))
    # _q_posterior
    posterior_mean = (_extract_mul(posterior_mean_coef1, t, x_start)
                      + _extract_mul(posterior_mean_coef2, t, x_t))
    pv = jnp.take(posterior_var, t, axis=0)
    plv = jnp.take(posterior_log_var_clipped, t, axis=0)
    return (x_start, posterior_mean, pv, plv)

if __name__ == "__main__":
    import jax
    _d = setup_inputs()
    print(jax.jit(kernel)(*tuple(_d.values())))

</pallas_src>

<mosaic_0001>
#map = affine_map<(d0, d1) -> (0)>
module attributes {stable_mosaic.version = 14 : i64} {
  func.func @_sc_gather_body(%arg0: i32, %arg1: i32, %arg2: memref<2048xf32, #tpu.memory_space<hbm>>, %arg3: memref<256xi32, #tpu.memory_space<hbm>>, %arg4: memref<256xf32, #tpu.memory_space<hbm>>, %arg5: memref<256xf32, #tpu.memory_space<hbm>>, %arg6: memref<16xi32, #tpu.memory_space<vmem>>, %arg7: memref<16xi32, #tpu.memory_space<vmem>>, %arg8: memref<16xf32, #tpu.memory_space<vmem>>, %arg9: memref<16xf32, #tpu.memory_space<vmem>>, %arg10: memref<!tpu.dma_semaphore, #tpu.memory_space<semaphore_mem>>) attributes {dimension_semantics = [#tpu.dimension_semantics<core_parallel>, #tpu.dimension_semantics<subcore_parallel>], iteration_bounds = array<i64: 2, 16>, scalar_prefetch = 0 : i64, scratch_operands = 5 : i64, tpu.core_type = #tpu.core_type<sc_vector_subcore>, window_params = [{transform_indices = #map}, {transform_indices = #map}, {transform_indices = #map}, {transform_indices = #map}]} {
    %mul3A = arith.constant 16 : i32
    %mul3A_0 = arith.muli %arg0, %mul3A : i32
    %add3A = arith.addi %mul3A_0, %arg1 : i32
    %lt3A = arith.constant 16 : i32
    %lt3A_1 = arith.cmpi slt, %add3A, %lt3A : i32
    %convert_element_type3A = arith.extui %lt3A_1 : i1 to i32
    %cond3A = arith.constant 0 : i32
    %cond3A_2 = arith.cmpi ne, %convert_element_type3A, %cond3A : i32
    scf.if %cond3A_2 {
      %mul3A_3 = arith.constant 16 : i32
      %mul3A_4 = arith.muli %add3A, %mul3A_3 : i32
      "tpu.region"() ({
        %run_scoped3A = tpu.sem_alloc : memref<!tpu.dma_semaphore, #tpu.memory_space<semaphore_mem>>
        %dma_start3A_19 = tpu.memref_slice %arg3[%mul3A_4] : memref<256xi32, #tpu.memory_space<hbm>> -> memref<16xi32, #tpu.memory_space<hbm>>
        %dma_start3A_20 = tpu.memref_slice %arg3[%mul3A_4] : memref<256xi32, #tpu.memory_space<hbm>> -> memref<16xi32, #tpu.memory_space<hbm>>
        tpu.enqueue_dma source(%dma_start3A_20 : memref<16xi32, #tpu.memory_space<hbm>>) target(%arg6 : memref<16xi32, #tpu.memory_space<vmem>>) target_semaphore(%run_scoped3A : memref<!tpu.dma_semaphore, #tpu.memory_space<semaphore_mem>>)
        %dma_wait3A_21 = tpu.memref_slice %arg3[%mul3A_4] : memref<256xi32, #tpu.memory_space<hbm>> -> memref<16xi32, #tpu.memory_space<hbm>>
        %dma_wait3A_22 = tpu.memref_slice %arg3[%mul3A_4] : memref<256xi32, #tpu.memory_space<hbm>> -> memref<16xi32, #tpu.memory_space<hbm>>
        tpu.wait_dma2 semaphore(%run_scoped3A : memref<!tpu.dma_semaphore, #tpu.memory_space<semaphore_mem>>) src(%dma_wait3A_22 : memref<16xi32, #tpu.memory_space<hbm>>) dst(%arg6 : memref<16xi32, #tpu.memory_space<vmem>>)
        tpu.yield
      }) : () -> ()
      %get3A = arith.constant 0 : index
      %get3A_5 = tpu.vector_load %arg6[%get3A] {strides = array<i32>} : memref<16xi32, #tpu.memory_space<vmem>>, vector<16xi32>,
      %get3A_6 = vector.shape_cast %get3A_5 : vector<16xi32> to vector<16xi32>
      %add3A_7 = arith.constant 1024 : i32
      %add3A_8 = vector.broadcast %add3A_7 : i32 to vector<16xi32>
      %add3A_9 = arith.addi %get3A_6, %add3A_8 : vector<16xi32>
      %swap3A = arith.constant 0 : index
      %swap3A_10 = tpu.vector_load %arg7[%swap3A] {strides = array<i32>} : memref<16xi32, #tpu.memory_space<vmem>>, vector<16xi32>,
      %swap3A_11 = vector.shape_cast %swap3A_10 : vector<16xi32> to vector<16xi32>
      %swap3A_12 = vector.shape_cast %add3A_9 : vector<16xi32> to vector<16xi32>
      tpu.vector_store %arg7[%swap3A], %swap3A_12 {strides = array<i32>} : memref<16xi32, #tpu.memory_space<vmem>>, vector<16xi32>,
      %dma_start3A = arith.constant 0 : i32
      %dma_start3A_13 = tpu.memref_slice %arg2[%dma_start3A] : memref<2048xf32, #tpu.memory_space<hbm>> -> memref<2048xf32, #tpu.memory_space<hbm>>
      tpu.enqueue_indirect_dma source(%dma_start3A_13 : memref<2048xf32, #tpu.memory_space<hbm>>) target(%arg8 : memref<16xf32, #tpu.memory_space<vmem>>) offsets(%arg6 : memref<16xi32, #tpu.memory_space<vmem>>) semaphore(%arg10 : memref<!tpu.dma_semaphore, #tpu.memory_space<semaphore_mem>>)
      %dma_wait3A = arith.constant 0 : i32
      %dma_wait3A_14 = tpu.memref_slice %arg2[%dma_wait3A] : memref<2048xf32, #tpu.memory_space<hbm>> -> memref<2048xf32, #tpu.memory_space<hbm>>
      tpu.wait_indirect_dma semaphore(%arg10 : memref<!tpu.dma_semaphore, #tpu.memory_space<semaphore_mem>>) src(%dma_wait3A_14 : memref<2048xf32, #tpu.memory_space<hbm>>) dst(%arg8 : memref<16xf32, #tpu.memory_space<vmem>>)
      %dma_start3A_15 = arith.constant 0 : i32
      %dma_start3A_16 = tpu.memref_slice %arg2[%dma_start3A_15] : memref<2048xf32, #tpu.memory_space<hbm>> -> memref<2048xf32, #tpu.memory_space<hbm>>
      tpu.enqueue_indirect_dma source(%dma_start3A_16 : memref<2048xf32, #tpu.memory_space<hbm>>) target(%arg9 : memref<16xf32, #tpu.memory_space<vmem>>) offsets(%arg7 : memref<16xi32, #tpu.memory_space<vmem>>) semaphore(%arg10 : memref<!tpu.dma_semaphore, #tpu.memory_space<semaphore_mem>>)
      %dma_wait3A_17 = arith.constant 0 : i32
      %dma_wait3A_18 = tpu.memref_slice %arg2[%dma_wait3A_17] : memref<2048xf32, #tpu.memory_space<hbm>> -> memref<2048xf32, #tpu.memory_space<hbm>>
      tpu.wait_indirect_dma semaphore(%arg10 : memref<!tpu.dma_semaphore, #tpu.memory_space<semaphore_mem>>) src(%dma_wait3A_18 : memref<2048xf32, #tpu.memory_space<hbm>>) dst(%arg9 : memref<16xf32, #tpu.memory_space<vmem>>)
      "tpu.region"() ({
        %run_scoped3A = tpu.sem_alloc : memref<!tpu.dma_semaphore, #tpu.memory_space<semaphore_mem>>
        %dma_start3A_19 = tpu.memref_slice %arg4[%mul3A_4] : memref<256xf32, #tpu.memory_space<hbm>> -> memref<16xf32, #tpu.memory_space<hbm>>
        %dma_start3A_20 = tpu.memref_slice %arg4[%mul3A_4] : memref<256xf32, #tpu.memory_space<hbm>> -> memref<16xf32, #tpu.memory_space<hbm>>
        tpu.enqueue_dma source(%arg8 : memref<16xf32, #tpu.memory_space<vmem>>) target(%dma_start3A_20 : memref<16xf32, #tpu.memory_space<hbm>>) target_semaphore(%run_scoped3A : memref<!tpu.dma_semaphore, #tpu.memory_space<semaphore_mem>>)
        %dma_wait3A_21 = tpu.memref_slice %arg4[%mul3A_4] : memref<256xf32, #tpu.memory_space<hbm>> -> memref<16xf32, #tpu.memory_space<hbm>>
        %dma_wait3A_22 = tpu.memref_slice %arg4[%mul3A_4] : memref<256xf32, #tpu.memory_space<hbm>> -> memref<16xf32, #tpu.memory_space<hbm>>
        tpu.wait_dma2 semaphore(%run_scoped3A : memref<!tpu.dma_semaphore, #tpu.memory_space<semaphore_mem>>) src(%arg8 : memref<16xf32, #tpu.memory_space<vmem>>) dst(%dma_wait3A_22 : memref<16xf32, #tpu.memory_space<hbm>>)
        tpu.yield
      }) : () -> ()
      "tpu.region"() ({
        %run_scoped3A = tpu.sem_alloc : memref<!tpu.dma_semaphore, #tpu.memory_space<semaphore_mem>>
        %dma_start3A_19 = tpu.memref_slice %arg5[%mul3A_4] : memref<256xf32, #tpu.memory_space<hbm>> -> memref<16xf32, #tpu.memory_space<hbm>>
        %dma_start3A_20 = tpu.memref_slice %arg5[%mul3A_4] : memref<256xf32, #tpu.memory_space<hbm>> -> memref<16xf32, #tpu.memory_space<hbm>>
        tpu.enqueue_dma source(%arg9 : memref<16xf32, #tpu.memory_space<vmem>>) target(%dma_start3A_20 : memref<16xf32, #tpu.memory_space<hbm>>) target_semaphore(%run_scoped3A : memref<!tpu.dma_semaphore, #tpu.memory_space<semaphore_mem>>)
        %dma_wait3A_21 = tpu.memref_slice %arg5[%mul3A_4] : memref<256xf32, #tpu.memory_space<hbm>> -> memref<16xf32, #tpu.memory_space<hbm>>
        %dma_wait3A_22 = tpu.memref_slice %arg5[%mul3A_4] : memref<256xf32, #tpu.memory_space<hbm>> -> memref<16xf32, #tpu.memory_space<hbm>>
        tpu.wait_dma2 semaphore(%run_scoped3A : memref<!tpu.dma_semaphore, #tpu.memory_space<semaphore_mem>>) src(%arg9 : memref<16xf32, #tpu.memory_space<vmem>>) dst(%dma_wait3A_22 : memref<16xf32, #tpu.memory_space<hbm>>)
        tpu.yield
      }) : () -> ()
    } else {
    }
    return
  }
}

module attributes {stable_mosaic.version = 14 : i64} {
  func.func @_prep_body(%arg0: memref<1024x1xf32, #tpu.memory_space<vmem>>, %arg1: memref<1x256xi32, #tpu.memory_space<vmem>>, %arg2: memref<8x256xf32, #tpu.memory_space<vmem>>, %arg3: memref<8x256xf32, #tpu.memory_space<vmem>>) attributes {dimension_semantics = [], scalar_prefetch = 0 : i64, scratch_operands = 0 : i64, tpu.core_type = #tpu.core_type<tc>} {
    %get3A = arith.constant 0 : index
    %get3A_0 = arith.constant 0 : index
    %get3A_1 = vector.load %arg1[%get3A, %get3A_0] : memref<1x256xi32, #tpu.memory_space<vmem>>, vector<1x256xi32>
    %broadcast_in_dim3A = arith.constant 0.000000e+00 : f32
    %broadcast_in_dim3A_2 = vector.broadcast %broadcast_in_dim3A : f32 to vector<1x256xf32>
    %broadcast_in_dim3A_3 = arith.constant 0.000000e+00 : f32
    %broadcast_in_dim3A_4 = vector.broadcast %broadcast_in_dim3A_3 : f32 to vector<1x256xf32>
    %broadcast_in_dim3A_5 = arith.constant 0.000000e+00 : f32
    %broadcast_in_dim3A_6 = vector.broadcast %broadcast_in_dim3A_5 : f32 to vector<1x256xf32>
    %get3A_7 = arith.constant 0 : index
    %get3A_8 = arith.constant 0 : index
    %get3A_9 = vector.load %arg0[%get3A_7, %get3A_8] : memref<1024x1xf32, #tpu.memory_space<vmem>>, vector<256x1xf32>
    %sub3A = arith.constant 1.000000e+00 : f32
    %sub3A_10 = vector.broadcast %sub3A : f32 to vector<256x1xf32>
    %sub3A_11 = arith.subf %sub3A_10, %get3A_9 : vector<256x1xf32>
    %log3A = math.log %sub3A_11 : vector<256x1xf32>
    %iota3A = tpu.iota {dimensions = array<i32: 0>} : vector<256x256xi32>
    %add3A = arith.constant 0 : i32
    %add3A_12 = vector.broadcast %add3A : i32 to vector<256x256xi32>
    %add3A_13 = arith.addi %add3A_12, %iota3A : vector<256x256xi32>
    %le3A = vector.broadcast %get3A_1 : vector<1x256xi32> to vector<256x256xi32>
    %le3A_14 = arith.cmpi sle, %add3A_13, %le3A : vector<256x256xi32>
    %eq3A = vector.broadcast %get3A_1 : vector<1x256xi32> to vector<256x256xi32>
    %eq3A_15 = arith.cmpi eq, %add3A_13, %eq3A : vector<256x256xi32>
    %jit3A = arith.constant 0.000000e+00 : f32
    %broadcast_in_dim3A_16 = vector.shape_cast %log3A : vector<256x1xf32> to vector<256x1xf32>
    %broadcast_in_dim3A_17 = vector.broadcast %broadcast_in_dim3A_16 : vector<256x1xf32> to vector<256x256xf32>
    %broadcast_in_dim3A_18 = vector.broadcast %jit3A : f32 to vector<256x256xf32>
    %select_n3A = arith.select %le3A_14, %broadcast_in_dim3A_17, %broadcast_in_dim3A_18 : vector<256x256xi1>, vector<256x256xf32>
    %reduce_sum3A = arith.constant dense<0.000000e+00> : vector<256xf32>
    %reduce_sum3A_19 = vector.multi_reduction <add>, %select_n3A, %reduce_sum3A [0] : vector<256x256xf32> to vector<256xf32>
    %broadcast_in_dim3A_20 = vector.shape_cast %reduce_sum3A_19 : vector<256xf32> to vector<1x256xf32>
    %add3A_21 = arith.addf %broadcast_in_dim3A_2, %broadcast_in_dim3A_20 : vector<1x256xf32>
    %jit3A_22 = arith.constant 0.000000e+00 : f32
    %broadcast_in_dim3A_23 = vector.shape_cast %log3A : vector<256x1xf32> to vector<256x1xf32>
    %broadcast_in_dim3A_24 = vector.broadcast %broadcast_in_dim3A_23 : vector<256x1xf32> to vector<256x256xf32>
    %broadcast_in_dim3A_25 = vector.broadcast %jit3A_22 : f32 to vector<256x256xf32>
    %select_n3A_26 = arith.select %eq3A_15, %broadcast_in_dim3A_24, %broadcast_in_dim3A_25 : vector<256x256xi1>, vector<256x256xf32>
    %reduce_sum3A_27 = arith.constant dense<0.000000e+00> : vector<256xf32>
    %reduce_sum3A_28 = vector.multi_reduction <add>, %select_n3A_26, %reduce_sum3A_27 [0] : vector<256x256xf32> to vector<256xf32>
    %broadcast_in_dim3A_29 = vector.shape_cast %reduce_sum3A_28 : vector<256xf32> to vector<1x256xf32>
    %add3A_30 = arith.addf %broadcast_in_dim3A_4, %broadcast_in_dim3A_29 : vector<1x256xf32>
    %jit3A_31 = arith.constant 0.000000e+00 : f32
    %broadcast_in_dim3A_32 = vector.shape_cast %get3A_9 : vector<256x1xf32> to vector<256x1xf32>
    %broadcast_in_dim3A_33 = vector.broadcast %broadcast_in_dim3A_32 : vector<256x1xf32> to vector<256x256xf32>
    %broadcast_in_dim3A_34 = vector.broadcast %jit3A_31 : f32 to vector<256x256xf32>
    %select_n3A_35 = arith.select %eq3A_15, %broadcast_in_dim3A_33, %broadcast_in_dim3A_34 : vector<256x256xi1>, vector<256x256xf32>
    %reduce_sum3A_36 = arith.constant dense<0.000000e+00> : vector<256xf32>
    %reduce_sum3A_37 = vector.multi_reduction <add>, %select_n3A_35, %reduce_sum3A_36 [0] : vector<256x256xf32> to vector<256xf32>
    %broadcast_in_dim3A_38 = vector.shape_cast %reduce_sum3A_37 : vector<256xf32> to vector<1x256xf32>
    %add3A_39 = arith.addf %broadcast_in_dim3A_6, %broadcast_in_dim3A_38 : vector<1x256xf32>
    %get3A_40 = arith.constant 256 : index
    %get3A_41 = arith.constant 0 : index
    %get3A_42 = vector.load %arg0[%get3A_40, %get3A_41] : memref<1024x1xf32, #tpu.memory_space<vmem>>, vector<256x1xf32>
    %sub3A_43 = arith.constant 1.000000e+00 : f32
    %sub3A_44 = vector.broadcast %sub3A_43 : f32 to vector<256x1xf32>
    %sub3A_45 = arith.subf %sub3A_44, %get3A_42 : vector<256x1xf32>
    %log3A_46 = math.log %sub3A_45 : vector<256x1xf32>
    %iota3A_47 = tpu.iota {dimensions = array<i32: 0>} : vector<256x256xi32>
    %add3A_48 = arith.constant 256 : i32
    %add3A_49 = vector.broadcast %add3A_48 : i32 to vector<256x256xi32>
    %add3A_50 = arith.addi %add3A_49, %iota3A_47 : vector<256x256xi32>
    %le3A_51 = vector.broadcast %get3A_1 : vector<1x256xi32> to vector<256x256xi32>
    %le3A_52 = arith.cmpi sle, %add3A_50, %le3A_51 : vector<256x256xi32>
    %eq3A_53 = vector.broadcast %get3A_1 : vector<1x256xi32> to vector<256x256xi32>
    %eq3A_54 = arith.cmpi eq, %add3A_50, %eq3A_53 : vector<256x256xi32>
    %jit3A_55 = arith.constant 0.000000e+00 : f32
    %broadcast_in_dim3A_56 = vector.shape_cast %log3A_46 : vector<256x1xf32> to vector<256x1xf32>
    %broadcast_in_dim3A_57 = vector.broadcast %broadcast_in_dim3A_56 : vector<256x1xf32> to vector<256x256xf32>
    %broadcast_in_dim3A_58 = vector.broadcast %jit3A_55 : f32 to vector<256x256xf32>
    %select_n3A_59 = arith.select %le3A_52, %broadcast_in_dim3A_57, %broadcast_in_dim3A_58 : vector<256x256xi1>, vector<256x256xf32>
    %reduce_sum3A_60 = arith.constant dense<0.000000e+00> : vector<256xf32>
    %reduce_sum3A_61 = vector.multi_reduction <add>, %select_n3A_59, %reduce_sum3A_60 [0] : vector<256x256xf32> to vector<256xf32>
    %broadcast_in_dim3A_62 = vector.shape_cast %reduce_sum3A_61 : vector<256xf32> to vector<1x256xf32>
    %add3A_63 = arith.addf %add3A_21, %broadcast_in_dim3A_62 : vector<1x256xf32>
    %jit3A_64 = arith.constant 0.000000e+00 : f32
    %broadcast_in_dim3A_65 = vector.shape_cast %log3A_46 : vector<256x1xf32> to vector<256x1xf32>
    %broadcast_in_dim3A_66 = vector.broadcast %broadcast_in_dim3A_65 : vector<256x1xf32> to vector<256x256xf32>
    %broadcast_in_dim3A_67 = vector.broadcast %jit3A_64 : f32 to vector<256x256xf32>
    %select_n3A_68 = arith.select %eq3A_54, %broadcast_in_dim3A_66, %broadcast_in_dim3A_67 : vector<256x256xi1>, vector<256x256xf32>
    %reduce_sum3A_69 = arith.constant dense<0.000000e+00> : vector<256xf32>
    %reduce_sum3A_70 = vector.multi_reduction <add>, %select_n3A_68, %reduce_sum3A_69 [0] : vector<256x256xf32> to vector<256xf32>
    %broadcast_in_dim3A_71 = vector.shape_cast %reduce_sum3A_70 : vector<256xf32> to vector<1x256xf32>
    %add3A_72 = arith.addf %add3A_30, %broadcast_in_dim3A_71 : vector<1x256xf32>
    %jit3A_73 = arith.constant 0.000000e+00 : f32
    %broadcast_in_dim3A_74 = vector.shape_cast %get3A_42 : vector<256x1xf32> to vector<256x1xf32>
    %broadcast_in_dim3A_75 = vector.broadcast %broadcast_in_dim3A_74 : vector<256x1xf32> to vector<256x256xf32>
    %broadcast_in_dim3A_76 = vector.broadcast %jit3A_73 : f32 to vector<256x256xf32>
    %select_n3A_77 = arith.select %eq3A_54, %broadcast_in_dim3A_75, %broadcast_in_dim3A_76 : vector<256x256xi1>, vector<256x256xf32>
    %reduce_sum3A_78 = arith.constant dense<0.000000e+00> : vector<256xf32>
    %reduce_sum3A_79 = vector.multi_reduction <add>, %select_n3A_77, %reduce_sum3A_78 [0] : vector<256x256xf32> to vector<256xf32>
    %broadcast_in_dim3A_80 = vector.shape_cast %reduce_sum3A_79 : vector<256xf32> to vector<1x256xf32>
    %add3A_81 = arith.addf %add3A_39, %broadcast_in_dim3A_80 : vector<1x256xf32>
    %get3A_82 = arith.constant 512 : index
    %get3A_83 = arith.constant 0 : index
    %get3A_84 = vector.load %arg0[%get3A_82, %get3A_83] : memref<1024x1xf32, #tpu.memory_space<vmem>>, vector<256x1xf32>
    %sub3A_85 = arith.constant 1.000000e+00 : f32
    %sub3A_86 = vector.broadcast %sub3A_85 : f32 to vector<256x1xf32>
    %sub3A_87 = arith.subf %sub3A_86, %get3A_84 : vector<256x1xf32>
    %log3A_88 = math.log %sub3A_87 : vector<256x1xf32>
    %iota3A_89 = tpu.iota {dimensions = array<i32: 0>} : vector<256x256xi32>
    %add3A_90 = arith.constant 512 : i32
    %add3A_91 = vector.broadcast %add3A_90 : i32 to vector<256x256xi32>
    %add3A_92 = arith.addi %add3A_91, %iota3A_89 : vector<256x256xi32>
    %le3A_93 = vector.broadcast %get3A_1 : vector<1x256xi32> to vector<256x256xi32>
    %le3A_94 = arith.cmpi sle, %add3A_92, %le3A_93 : vector<256x256xi32>
    %eq3A_95 = vector.broadcast %get3A_1 : vector<1x256xi32> to vector<256x256xi32>
    %eq3A_96 = arith.cmpi eq, %add3A_92, %eq3A_95 : vector<256x256xi32>
    %jit3A_97 = arith.constant 0.000000e+00 : f32
    %broadcast_in_dim3A_98 = vector.shape_cast %log3A_88 : vector<256x1xf32> to vector<256x1xf32>
    %broadcast_in_dim3A_99 = vector.broadcast %broadcast_in_dim3A_98 : vector<256x1xf32> to vector<256x256xf32>
    %broadcast_in_dim3A_100 = vector.broadcast %jit3A_97 : f32 to vector<256x256xf32>
    %select_n3A_101 = arith.select %le3A_94, %broadcast_in_dim3A_99, %broadcast_in_dim3A_100 : vector<256x256xi1>, vector<256x256xf32>
    %reduce_sum3A_102 = arith.constant dense<0.000000e+00> : vector<256xf32>
    %reduce_sum3A_103 = vector.multi_reduction <add>, %select_n3A_101, %reduce_sum3A_102 [0] : vector<256x256xf32> to vector<256xf32>
    %broadcast_in_dim3A_104 = vector.shape_cast %reduce_sum3A_103 : vector<256xf32> to vector<1x256xf32>
    %add3A_105 = arith.addf %add3A_63, %broadcast_in_dim3A_104 : vector<1x256xf32>
    %jit3A_106 = arith.constant 0.000000e+00 : f32
    %broadcast_in_dim3A_107 = vector.shape_cast %log3A_88 : vector<256x1xf32> to vector<256x1xf32>
    %broadcast_in_dim3A_108 = vector.broadcast %broadcast_in_dim3A_107 : vector<256x1xf32> to vector<256x256xf32>
    %broadcast_in_dim3A_109 = vector.broadcast %jit3A_106 : f32 to vector<256x256xf32>
    %select_n3A_110 = arith.select %eq3A_96, %broadcast_in_dim3A_108, %broadcast_in_dim3A_109 : vector<256x256xi1>, vector<256x256xf32>
    %reduce_sum3A_111 = arith.constant dense<0.000000e+00> : vector<256xf32>
    %reduce_sum3A_112 = vector.multi_reduction <add>, %select_n3A_110, %reduce_sum3A_111 [0] : vector<256x256xf32> to vector<256xf32>
    %broadcast_in_dim3A_113 = vector.shape_cast %reduce_sum3A_112 : vector<256xf32> to vector<1x256xf32>
    %add3A_114 = arith.addf %add3A_72, %broadcast_in_dim3A_113 : vector<1x256xf32>
    %jit3A_115 = arith.constant 0.000000e+00 : f32
    %broadcast_in_dim3A_116 = vector.shape_cast %get3A_84 : vector<256x1xf32> to vector<256x1xf32>
    %broadcast_in_dim3A_117 = vector.broadcast %broadcast_in_dim3A_116 : vector<256x1xf32> to vector<256x256xf32>
    %broadcast_in_dim3A_118 = vector.broadcast %jit3A_115 : f32 to vector<256x256xf32>
    %select_n3A_119 = arith.select %eq3A_96, %broadcast_in_dim3A_117, %broadcast_in_dim3A_118 : vector<256x256xi1>, vector<256x256xf32>
    %reduce_sum3A_120 = arith.constant dense<0.000000e+00> : vector<256xf32>
    %reduce_sum3A_121 = vector.multi_reduction <add>, %select_n3A_119, %reduce_sum3A_120 [0] : vector<256x256xf32> to vector<256xf32>
    %broadcast_in_dim3A_122 = vector.shape_cast %reduce_sum3A_121 : vector<256xf32> to vector<1x256xf32>
    %add3A_123 = arith.addf %add3A_81, %broadcast_in_dim3A_122 : vector<1x256xf32>
    %get3A_124 = arith.constant 768 : index
    %get3A_125 = arith.constant 0 : index
    %get3A_126 = vector.load %arg0[%get3A_124, %get3A_125] : memref<1024x1xf32, #tpu.memory_space<vmem>>, vector<256x1xf32>
    %sub3A_127 = arith.constant 1.000000e+00 : f32
    %sub3A_128 = vector.broadcast %sub3A_127 : f32 to vector<256x1xf32>
    %sub3A_129 = arith.subf %sub3A_128, %get3A_126 : vector<256x1xf32>
    %log3A_130 = math.log %sub3A_129 : vector<256x1xf32>
    %iota3A_131 = tpu.iota {dimensions = array<i32: 0>} : vector<256x256xi32>
    %add3A_132 = arith.constant 768 : i32
    %add3A_133 = vector.broadcast %add3A_132 : i32 to vector<256x256xi32>
    %add3A_134 = arith.addi %add3A_133, %iota3A_131 : vector<256x256xi32>
    %le3A_135 = vector.broadcast %get3A_1 : vector<1x256xi32> to vector<256x256xi32>
    %le3A_136 = arith.cmpi sle, %add3A_134, %le3A_135 : vector<256x256xi32>
    %eq3A_137 = vector.broadcast %get3A_1 : vector<1x256xi32> to vector<256x256xi32>
    %eq3A_138 = arith.cmpi eq, %add3A_134, %eq3A_137 : vector<256x256xi32>
    %jit3A_139 = arith.constant 0.000000e+00 : f32
    %broadcast_in_dim3A_140 = vector.shape_cast %log3A_130 : vector<256x1xf32> to vector<256x1xf32>
    %broadcast_in_dim3A_141 = vector.broadcast %broadcast_in_dim3A_140 : vector<256x1xf32> to vector<256x256xf32>
    %broadcast_in_dim3A_142 = vector.broadcast %jit3A_139 : f32 to vector<256x256xf32>
    %select_n3A_143 = arith.select %le3A_136, %broadcast_in_dim3A_141, %broadcast_in_dim3A_142 : vector<256x256xi1>, vector<256x256xf32>
    %reduce_sum3A_144 = arith.constant dense<0.000000e+00> : vector<256xf32>
    %reduce_sum3A_145 = vector.multi_reduction <add>, %select_n3A_143, %reduce_sum3A_144 [0] : vector<256x256xf32> to vector<256xf32>
    %broadcast_in_dim3A_146 = vector.shape_cast %reduce_sum3A_145 : vector<256xf32> to vector<1x256xf32>
    %add3A_147 = arith.addf %add3A_105, %broadcast_in_dim3A_146 : vector<1x256xf32>
    %jit3A_148 = arith.constant 0.000000e+00 : f32
    %broadcast_in_dim3A_149 = vector.shape_cast %log3A_130 : vector<256x1xf32> to vector<256x1xf32>
    %broadcast_in_dim3A_150 = vector.broadcast %broadcast_in_dim3A_149 : vector<256x1xf32> to vector<256x256xf32>
    %broadcast_in_dim3A_151 = vector.broadcast %jit3A_148 : f32 to vector<256x256xf32>
    %select_n3A_152 = arith.select %eq3A_138, %broadcast_in_dim3A_150, %broadcast_in_dim3A_151 : vector<256x256xi1>, vector<256x256xf32>
    %reduce_sum3A_153 = arith.constant dense<0.000000e+00> : vector<256xf32>
    %reduce_sum3A_154 = vector.multi_reduction <add>, %select_n3A_152, %reduce_sum3A_153 [0] : vector<256x256xf32> to vector<256xf32>
    %broadcast_in_dim3A_155 = vector.shape_cast %reduce_sum3A_154 : vector<256xf32> to vector<1x256xf32>
    %add3A_156 = arith.addf %add3A_114, %broadcast_in_dim3A_155 : vector<1x256xf32>
    %jit3A_157 = arith.constant 0.000000e+00 : f32
    %broadcast_in_dim3A_158 = vector.shape_cast %get3A_126 : vector<256x1xf32> to vector<256x1xf32>
    %broadcast_in_dim3A_159 = vector.broadcast %broadcast_in_dim3A_158 : vector<256x1xf32> to vector<256x256xf32>
    %broadcast_in_dim3A_160 = vector.broadcast %jit3A_157 : f32 to vector<256x256xf32>
    %select_n3A_161 = arith.select %eq3A_138, %broadcast_in_dim3A_159, %broadcast_in_dim3A_160 : vector<256x256xi1>, vector<256x256xf32>
    %reduce_sum3A_162 = arith.constant dense<0.000000e+00> : vector<256xf32>
    %reduce_sum3A_163 = vector.multi_reduction <add>, %select_n3A_161, %reduce_sum3A_162 [0] : vector<256x256xf32> to vector<256xf32>
    %broadcast_in_dim3A_164 = vector.shape_cast %reduce_sum3A_163 : vector<256xf32> to vector<1x256xf32>
    %add3A_165 = arith.addf %add3A_123, %broadcast_in_dim3A_164 : vector<1x256xf32>
    %exp3A = math.exp %add3A_147 : vector<1x256xf32>
    %sub3A_166 = arith.subf %add3A_147, %add3A_156 : vector<1x256xf32>
    %exp3A_167 = math.exp %sub3A_166 : vector<1x256xf32>
    %sub3A_168 = arith.constant 1.000000e+00 : f32
    %sub3A_169 = vector.broadcast %sub3A_168 : f32 to vector<1x256xf32>
    %sub3A_170 = arith.subf %sub3A_169, %add3A_165 : vector<1x256xf32>
    %div3A = arith.constant 1.000000e+00 : f32
    %div3A_171 = vector.broadcast %div3A : f32 to vector<1x256xf32>
    %div3A_172 = arith.divf %div3A_171, %exp3A : vector<1x256xf32>
    %sqrt3A = math.sqrt %div3A_172 : vector<1x256xf32>
    %sub3A_173 = arith.constant 1.000000e+00 : f32
    %sub3A_174 = vector.broadcast %sub3A_173 : f32 to vector<1x256xf32>
    %sub3A_175 = arith.subf %div3A_172, %sub3A_174 : vector<1x256xf32>
    %sqrt3A_176 = math.sqrt %sub3A_175 : vector<1x256xf32>
    %sub3A_177 = arith.constant 1.000000e+00 : f32
    %sub3A_178 = vector.broadcast %sub3A_177 : f32 to vector<1x256xf32>
    %sub3A_179 = arith.subf %sub3A_178, %exp3A : vector<1x256xf32>
    %sub3A_180 = arith.constant 1.000000e+00 : f32
    %sub3A_181 = vector.broadcast %sub3A_180 : f32 to vector<1x256xf32>
    %sub3A_182 = arith.subf %sub3A_181, %exp3A_167 : vector<1x256xf32>
    %div3A_183 = arith.divf %sub3A_182, %sub3A_179 : vector<1x256xf32>
    %sqrt3A_184 = math.sqrt %exp3A : vector<1x256xf32>
    %mul3A = arith.mulf %add3A_165, %sqrt3A_184 : vector<1x256xf32>
    %div3A_185 = arith.divf %mul3A, %sub3A_179 : vector<1x256xf32>
    %sqrt3A_186 = math.sqrt %sub3A_170 : vector<1x256xf32>
    %mul3A_187 = arith.mulf %sqrt3A_186, %div3A_183 : vector<1x256xf32>
    %swap3A = arith.constant 0 : index
    %swap3A_188 = arith.constant 0 : index
    %swap3A_189 = vector.load %arg2[%swap3A, %swap3A_188] : memref<8x256xf32, #tpu.memory_space<vmem>>, vector<1x256xf32>
    tpu.vector_store %arg2[%swap3A, %swap3A_188], %sqrt3A {strides = array<i32>} : memref<8x256xf32, #tpu.memory_space<vmem>>, vector<1x256xf32>,
    %swap3A_190 = arith.constant 1 : index
    %swap3A_191 = arith.constant 0 : index
    %swap3A_192 = vector.load %arg2[%swap3A_190, %swap3A_191] : memref<8x256xf32, #tpu.memory_space<vmem>>, vector<1x256xf32>
    tpu.vector_store %arg2[%swap3A_190, %swap3A_191], %sqrt3A_176 {strides = array<i32>} : memref<8x256xf32, #tpu.memory_space<vmem>>, vector<1x256xf32>,
    %swap3A_193 = arith.constant 2 : index
    %swap3A_194 = arith.constant 0 : index
    %swap3A_195 = vector.load %arg2[%swap3A_193, %swap3A_194] : memref<8x256xf32, #tpu.memory_space<vmem>>, vector<1x256xf32>
    tpu.vector_store %arg2[%swap3A_193, %swap3A_194], %div3A_185 {strides = array<i32>} : memref<8x256xf32, #tpu.memory_space<vmem>>, vector<1x256xf32>,
    %swap3A_196 = arith.constant 3 : index
    %swap3A_197 = arith.constant 0 : index
    %swap3A_198 = vector.load %arg2[%swap3A_196, %swap3A_197] : memref<8x256xf32, #tpu.memory_space<vmem>>, vector<1x256xf32>
    tpu.vector_store %arg2[%swap3A_196, %swap3A_197], %mul3A_187 {strides = array<i32>} : memref<8x256xf32, #tpu.memory_space<vmem>>, vector<1x256xf32>,
    %broadcast_in_dim3A_199 = arith.constant 0.000000e+00 : f32
    %broadcast_in_dim3A_200 = vector.broadcast %broadcast_in_dim3A_199 : f32 to vector<4x256xf32>
    %swap3A_201 = arith.constant 4 : index
    %swap3A_202 = arith.constant 0 : index
    %swap3A_203 = vector.load %arg2[%swap3A_201, %swap3A_202] : memref<8x256xf32, #tpu.memory_space<vmem>>, vector<4x256xf32>
    tpu.vector_store %arg2[%swap3A_201, %swap3A_202], %broadcast_in_dim3A_200 {strides = array<i32>} : memref<8x256xf32, #tpu.memory_space<vmem>>, vector<4x256xf32>,
    %broadcast_in_dim3A_204 = arith.constant 0.000000e+00 : f32
    %broadcast_in_dim3A_205 = vector.broadcast %broadcast_in_dim3A_204 : f32 to vector<1x256xf32>
    %broadcast_in_dim3A_206 = arith.constant 0.000000e+00 : f32
    %broadcast_in_dim3A_207 = vector.broadcast %broadcast_in_dim3A_206 : f32 to vector<1x256xf32>
    %broadcast_in_dim3A_208 = arith.constant 0.000000e+00 : f32
    %broadcast_in_dim3A_209 = vector.broadcast %broadcast_in_dim3A_208 : f32 to vector<1x256xf32>
    %iota3A_210 = tpu.iota {dimensions = array<i32: 1>} : vector<256x256xi32>
    %add3A_211 = arith.constant 0 : i32
    %add3A_212 = vector.broadcast %add3A_211 : i32 to vector<256x256xi32>
    %add3A_213 = arith.addi %add3A_212, %iota3A_210 : vector<256x256xi32>
    %get3A_214 = arith.constant 0 : index
    %get3A_215 = arith.constant 0 : index
    %get3A_216 = vector.load %arg0[%get3A_214, %get3A_215] : memref<1024x1xf32, #tpu.memory_space<vmem>>, vector<256x1xf32>
    %sub3A_217 = arith.constant 1.000000e+00 : f32
    %sub3A_218 = vector.broadcast %sub3A_217 : f32 to vector<256x1xf32>
    %sub3A_219 = arith.subf %sub3A_218, %get3A_216 : vector<256x1xf32>
    %log3A_220 = math.log %sub3A_219 : vector<256x1xf32>
    %iota3A_221 = tpu.iota {dimensions = array<i32: 0>} : vector<256x256xi32>
    %add3A_222 = arith.constant 0 : i32
    %add3A_223 = vector.broadcast %add3A_222 : i32 to vector<256x256xi32>
    %add3A_224 = arith.addi %add3A_223, %iota3A_221 : vector<256x256xi32>
    %le3A_225 = arith.cmpi sle, %add3A_224, %add3A_213 : vector<256x256xi32>
    %eq3A_226 = arith.cmpi eq, %add3A_224, %add3A_213 : vector<256x256xi32>
    %jit3A_227 = arith.constant 0.000000e+00 : f32
    %broadcast_in_dim3A_228 = vector.shape_cast %log3A_220 : vector<256x1xf32> to vector<256x1xf32>
    %broadcast_in_dim3A_229 = vector.broadcast %broadcast_in_dim3A_228 : vector<256x1xf32> to vector<256x256xf32>
    %broadcast_in_dim3A_230 = vector.broadcast %jit3A_227 : f32 to vector<256x256xf32>
    %select_n3A_231 = arith.select %le3A_225, %broadcast_in_dim3A_229, %broadcast_in_dim3A_230 : vector<256x256xi1>, vector<256x256xf32>
    %reduce_sum3A_232 = arith.constant dense<0.000000e+00> : vector<256xf32>
    %reduce_sum3A_233 = vector.multi_reduction <add>, %select_n3A_231, %reduce_sum3A_232 [0] : vector<256x256xf32> to vector<256xf32>
    %broadcast_in_dim3A_234 = vector.shape_cast %reduce_sum3A_233 : vector<256xf32> to vector<1x256xf32>
    %add3A_235 = arith.addf %broadcast_in_dim3A_205, %broadcast_in_dim3A_234 : vector<1x256xf32>
    %jit3A_236 = arith.constant 0.000000e+00 : f32
    %broadcast_in_dim3A_237 = vector.shape_cast %log3A_220 : vector<256x1xf32> to vector<256x1xf32>
    %broadcast_in_dim3A_238 = vector.broadcast %broadcast_in_dim3A_237 : vector<256x1xf32> to vector<256x256xf32>
    %broadcast_in_dim3A_239 = vector.broadcast %jit3A_236 : f32 to vector<256x256xf32>
    %select_n3A_240 = arith.select %eq3A_226, %broadcast_in_dim3A_238, %broadcast_in_dim3A_239 : vector<256x256xi1>, vector<256x256xf32>
    %reduce_sum3A_241 = arith.constant dense<0.000000e+00> : vector<256xf32>
    %reduce_sum3A_242 = vector.multi_reduction <add>, %select_n3A_240, %reduce_sum3A_241 [0] : vector<256x256xf32> to vector<256xf32>
    %broadcast_in_dim3A_243 = vector.shape_cast %reduce_sum3A_242 : vector<256xf32> to vector<1x256xf32>
    %add3A_244 = arith.addf %broadcast_in_dim3A_207, %broadcast_in_dim3A_243 : vector<1x256xf32>
    %jit3A_245 = arith.constant 0.000000e+00 : f32
    %broadcast_in_dim3A_246 = vector.shape_cast %get3A_216 : vector<256x1xf32> to vector<256x1xf32>
    %broadcast_in_dim3A_247 = vector.broadcast %broadcast_in_dim3A_246 : vector<256x1xf32> to vector<256x256xf32>
    %broadcast_in_dim3A_248 = vector.broadcast %jit3A_245 : f32 to vector<256x256xf32>
    %select_n3A_249 = arith.select %eq3A_226, %broadcast_in_dim3A_247, %broadcast_in_dim3A_248 : vector<256x256xi1>, vector<256x256xf32>
    %reduce_sum3A_250 = arith.constant dense<0.000000e+00> : vector<256xf32>
    %reduce_sum3A_251 = vector.multi_reduction <add>, %select_n3A_249, %reduce_sum3A_250 [0] : vector<256x256xf32> to vector<256xf32>
    %broadcast_in_dim3A_252 = vector.shape_cast %reduce_sum3A_251 : vector<256xf32> to vector<1x256xf32>
    %add3A_253 = arith.addf %broadcast_in_dim3A_209, %broadcast_in_dim3A_252 : vector<1x256xf32>
    %exp3A_254 = math.exp %add3A_235 : vector<1x256xf32>
    %sub3A_255 = arith.subf %add3A_235, %add3A_244 : vector<1x256xf32>
    %exp3A_256 = math.exp %sub3A_255 : vector<1x256xf32>
    %sub3A_257 = arith.constant 1.000000e+00 : f32
    %sub3A_258 = vector.broadcast %sub3A_257 : f32 to vector<1x256xf32>
    %sub3A_259 = arith.subf %sub3A_258, %exp3A_256 : vector<1x256xf32>
    %sub3A_260 = arith.constant 1.000000e+00 : f32
    %sub3A_261 = vector.broadcast %sub3A_260 : f32 to vector<1x256xf32>
    %sub3A_262 = arith.subf %sub3A_261, %exp3A_254 : vector<1x256xf32>
    %div3A_263 = arith.divf %sub3A_259, %sub3A_262 : vector<1x256xf32>
    %mul3A_264 = arith.mulf %add3A_253, %div3A_263 : vector<1x256xf32>
    %max3A = arith.constant 9.99999971E-10 : f32
    %max3A_265 = vector.broadcast %max3A : f32 to vector<1x256xf32>
    %max3A_266 = arith.maximumf %mul3A_264, %max3A_265 : vector<1x256xf32>
    %log3A_267 = math.log %max3A_266 : vector<1x256xf32>
    %swap3A_268 = arith.constant 0 : index
    %swap3A_269 = arith.constant 0 : index
    %swap3A_270 = vector.load %arg3[%swap3A_268, %swap3A_269] : memref<8x256xf32, #tpu.memory_space<vmem>>, vector<1x256xf32>
    tpu.vector_store %arg3[%swap3A_268, %swap3A_269], %mul3A_264 {strides = array<i32>} : memref<8x256xf32, #tpu.memory_space<vmem>>, vector<1x256xf32>,
    %swap3A_271 = arith.constant 4 : index
    %swap3A_272 = arith.constant 0 : index
    %swap3A_273 = vector.load %arg3[%swap3A_271, %swap3A_272] : memref<8x256xf32, #tpu.memory_space<vmem>>, vector<1x256xf32>
    tpu.vector_store %arg3[%swap3A_271, %swap3A_272], %log3A_267 {strides = array<i32>} : memref<8x256xf32, #tpu.memory_space<vmem>>, vector<1x256xf32>,
    %broadcast_in_dim3A_274 = arith.constant 0.000000e+00 : f32
    %broadcast_in_dim3A_275 = vector.broadcast %broadcast_in_dim3A_274 : f32 to vector<1x256xf32>
    %broadcast_in_dim3A_276 = arith.constant 0.000000e+00 : f32
    %broadcast_in_dim3A_277 = vector.broadcast %broadcast_in_dim3A_276 : f32 to vector<1x256xf32>
    %broadcast_in_dim3A_278 = arith.constant 0.000000e+00 : f32
    %broadcast_in_dim3A_279 = vector.broadcast %broadcast_in_dim3A_278 : f32 to vector<1x256xf32>
    %iota3A_280 = tpu.iota {dimensions = array<i32: 1>} : vector<256x256xi32>
    %add3A_281 = arith.constant 256 : i32
    %add3A_282 = vector.broadcast %add3A_281 : i32 to vector<256x256xi32>
    %add3A_283 = arith.addi %add3A_282, %iota3A_280 : vector<256x256xi32>
    %get3A_284 = arith.constant 0 : index
    %get3A_285 = arith.constant 0 : index
    %get3A_286 = vector.load %arg0[%get3A_284, %get3A_285] : memref<1024x1xf32, #tpu.memory_space<vmem>>, vector<256x1xf32>
    %sub3A_287 = arith.constant 1.000000e+00 : f32
    %sub3A_288 = vector.broadcast %sub3A_287 : f32 to vector<256x1xf32>
    %sub3A_289 = arith.subf %sub3A_288, %get3A_286 : vector<256x1xf32>
    %log3A_290 = math.log %sub3A_289 : vector<256x1xf32>
    %reduce_sum3A_291 = vector.shape_cast %log3A_290 : vector<256x1xf32> to vector<1x256x1xf32>
    %reduce_sum3A_292 = arith.constant dense<0.000000e+00> : vector<1xf32>
    %reduce_sum3A_293 = vector.multi_reduction <add>, %reduce_sum3A_291, %reduce_sum3A_292 [1, 2] : vector<1x256x1xf32> to vector<1xf32>
    %reduce_sum3A_294 = vector.shape_cast %reduce_sum3A_293 : vector<1xf32> to vector<1x1x1xf32>
    %reduce_sum3A_295 = vector.extract %reduce_sum3A_294[0, 0, 0] : f32 from vector<1x1x1xf32>
    %add3A_296 = vector.broadcast %reduce_sum3A_295 : f32 to vector<1x256xf32>
    %add3A_297 = arith.addf %broadcast_in_dim3A_275, %add3A_296 : vector<1x256xf32>
    %get3A_298 = arith.constant 256 : index
    %get3A_299 = arith.constant 0 : index
    %get3A_300 = vector.load %arg0[%get3A_298, %get3A_299] : memref<1024x1xf32, #tpu.memory_space<vmem>>, vector<256x1xf32>
    %sub3A_301 = arith.constant 1.000000e+00 : f32
    %sub3A_302 = vector.broadcast %sub3A_301 : f32 to vector<256x1xf32>
    %sub3A_303 = arith.subf %sub3A_302, %get3A_300 : vector<256x1xf32>
    %log3A_304 = math.log %sub3A_303 : vector<256x1xf32>
    %iota3A_305 = tpu.iota {dimensions = array<i32: 0>} : vector<256x256xi32>
    %add3A_306 = arith.constant 256 : i32
    %add3A_307 = vector.broadcast %add3A_306 : i32 to vector<256x256xi32>
    %add3A_308 = arith.addi %add3A_307, %iota3A_305 : vector<256x256xi32>
    %le3A_309 = arith.cmpi sle, %add3A_308, %add3A_283 : vector<256x256xi32>
    %eq3A_310 = arith.cmpi eq, %add3A_308, %add3A_283 : vector<256x256xi32>
    %jit3A_311 = arith.constant 0.000000e+00 : f32
    %broadcast_in_dim3A_312 = vector.shape_cast %log3A_304 : vector<256x1xf32> to vector<256x1xf32>
    %broadcast_in_dim3A_313 = vector.broadcast %broadcast_in_dim3A_312 : vector<256x1xf32> to vector<256x256xf32>
    %broadcast_in_dim3A_314 = vector.broadcast %jit3A_311 : f32 to vector<256x256xf32>
    %select_n3A_315 = arith.select %le3A_309, %broadcast_in_dim3A_313, %broadcast_in_dim3A_314 : vector<256x256xi1>, vector<256x256xf32>
    %reduce_sum3A_316 = arith.constant dense<0.000000e+00> : vector<256xf32>
    %reduce_sum3A_317 = vector.multi_reduction <add>, %select_n3A_315, %reduce_sum3A_316 [0] : vector<256x256xf32> to vector<256xf32>
    %broadcast_in_dim3A_318 = vector.shape_cast %reduce_sum3A_317 : vector<256xf32> to vector<1x256xf32>
    %add3A_319 = arith.addf %add3A_297, %broadcast_in_dim3A_318 : vector<1x256xf32>
    %jit3A_320 = arith.constant 0.000000e+00 : f32
    %broadcast_in_dim3A_321 = vector.shape_cast %log3A_304 : vector<256x1xf32> to vector<256x1xf32>
    %broadcast_in_dim3A_322 = vector.broadcast %broadcast_in_dim3A_321 : vector<256x1xf32> to vector<256x256xf32>
    %broadcast_in_dim3A_323 = vector.broadcast %jit3A_320 : f32 to vector<256x256xf32>
    %select_n3A_324 = arith.select %eq3A_310, %broadcast_in_dim3A_322, %broadcast_in_dim3A_323 : vector<256x256xi1>, vector<256x256xf32>
    %reduce_sum3A_325 = arith.constant dense<0.000000e+00> : vector<256xf32>
    %reduce_sum3A_326 = vector.multi_reduction <add>, %select_n3A_324, %reduce_sum3A_325 [0] : vector<256x256xf32> to vector<256xf32>
    %broadcast_in_dim3A_327 = vector.shape_cast %reduce_sum3A_326 : vector<256xf32> to vector<1x256xf32>
    %add3A_328 = arith.addf %broadcast_in_dim3A_277, %broadcast_in_dim3A_327 : vector<1x256xf32>
    %jit3A_329 = arith.constant 0.000000e+00 : f32
    %broadcast_in_dim3A_330 = vector.shape_cast %get3A_300 : vector<256x1xf32> to vector<256x1xf32>
    %broadcast_in_dim3A_331 = vector.broadcast %broadcast_in_dim3A_330 : vector<256x1xf32> to vector<256x256xf32>
    %broadcast_in_dim3A_332 = vector.broadcast %jit3A_329 : f32 to vector<256x256xf32>
    %select_n3A_333 = arith.select %eq3A_310, %broadcast_in_dim3A_331, %broadcast_in_dim3A_332 : vector<256x256xi1>, vector<256x256xf32>
    %reduce_sum3A_334 = arith.constant dense<0.000000e+00> : vector<256xf32>
    %reduce_sum3A_335 = vector.multi_reduction <add>, %select_n3A_333, %reduce_sum3A_334 [0] : vector<256x256xf32> to vector<256xf32>
    %broadcast_in_dim3A_336 = vector.shape_cast %reduce_sum3A_335 : vector<256xf32> to vector<1x256xf32>
    %add3A_337 = arith.addf %broadcast_in_dim3A_279, %broadcast_in_dim3A_336 : vector<1x256xf32>
    %exp3A_338 = math.exp %add3A_319 : vector<1x256xf32>
    %sub3A_339 = arith.subf %add3A_319, %add3A_328 : vector<1x256xf32>
    %exp3A_340 = math.exp %sub3A_339 : vector<1x256xf32>
    %sub3A_341 = arith.constant 1.000000e+00 : f32
    %sub3A_342 = vector.broadcast %sub3A_341 : f32 to vector<1x256xf32>
    %sub3A_343 = arith.subf %sub3A_342, %exp3A_340 : vector<1x256xf32>
    %sub3A_344 = arith.constant 1.000000e+00 : f32
    %sub3A_345 = vector.broadcast %sub3A_344 : f32 to vector<1x256xf32>
    %sub3A_346 = arith.subf %sub3A_345, %exp3A_338 : vector<1x256xf32>
    %div3A_347 = arith.divf %sub3A_343, %sub3A_346 : vector<1x256xf32>
    %mul3A_348 = arith.mulf %add3A_337, %div3A_347 : vector<1x256xf32>
    %max3A_349 = arith.constant 9.99999971E-10 : f32
    %max3A_350 = vector.broadcast %max3A_349 : f32 to vector<1x256xf32>
    %max3A_351 = arith.maximumf %mul3A_348, %max3A_350 : vector<1x256xf32>
    %log3A_352 = math.log %max3A_351 : vector<1x256xf32>
    %swap3A_353 = arith.constant 1 : index
    %swap3A_354 = arith.constant 0 : index
    %swap3A_355 = vector.load %arg3[%swap3A_353, %swap3A_354] : memref<8x256xf32, #tpu.memory_space<vmem>>, vector<1x256xf32>
    tpu.vector_store %arg3[%swap3A_353, %swap3A_354], %mul3A_348 {strides = array<i32>} : memref<8x256xf32, #tpu.memory_space<vmem>>, vector<1x256xf32>,
    %swap3A_356 = arith.constant 5 : index
    %swap3A_357 = arith.constant 0 : index
    %swap3A_358 = vector.load %arg3[%swap3A_356, %swap3A_357] : memref<8x256xf32, #tpu.memory_space<vmem>>, vector<1x256xf32>
    tpu.vector_store %arg3[%swap3A_356, %swap3A_357], %log3A_352 {strides = array<i32>} : memref<8x256xf32, #tpu.memory_space<vmem>>, vector<1x256xf32>,
    %broadcast_in_dim3A_359 = arith.constant 0.000000e+00 : f32
    %broadcast_in_dim3A_360 = vector.broadcast %broadcast_in_dim3A_359 : f32 to vector<1x256xf32>
    %broadcast_in_dim3A_361 = arith.constant 0.000000e+00 : f32
    %broadcast_in_dim3A_362 = vector.broadcast %broadcast_in_dim3A_361 : f32 to vector<1x256xf32>
    %broadcast_in_dim3A_363 = arith.constant 0.000000e+00 : f32
    %broadcast_in_dim3A_364 = vector.broadcast %broadcast_in_dim3A_363 : f32 to vector<1x256xf32>
    %iota3A_365 = tpu.iota {dimensions = array<i32: 1>} : vector<256x256xi32>
    %add3A_366 = arith.constant 512 : i32
    %add3A_367 = vector.broadcast %add3A_366 : i32 to vector<256x256xi32>
    %add3A_368 = arith.addi %add3A_367, %iota3A_365 : vector<256x256xi32>
    %get3A_369 = arith.constant 0 : index
    %get3A_370 = arith.constant 0 : index
    %get3A_371 = vector.load %arg0[%get3A_369, %get3A_370] : memref<1024x1xf32, #tpu.memory_space<vmem>>, vector<256x1xf32>
    %sub3A_372 = arith.constant 1.000000e+00 : f32
    %sub3A_373 = vector.broadcast %sub3A_372 : f32 to vector<256x1xf32>
    %sub3A_374 = arith.subf %sub3A_373, %get3A_371 : vector<256x1xf32>
    %log3A_375 = math.log %sub3A_374 : vector<256x1xf32>
    %reduce_sum3A_376 = vector.shape_cast %log3A_375 : vector<256x1xf32> to vector<1x256x1xf32>
    %reduce_sum3A_377 = arith.constant dense<0.000000e+00> : vector<1xf32>
    %reduce_sum3A_378 = vector.multi_reduction <add>, %reduce_sum3A_376, %reduce_sum3A_377 [1, 2] : vector<1x256x1xf32> to vector<1xf32>
    %reduce_sum3A_379 = vector.shape_cast %reduce_sum3A_378 : vector<1xf32> to vector<1x1x1xf32>
    %reduce_sum3A_380 = vector.extract %reduce_sum3A_379[0, 0, 0] : f32 from vector<1x1x1xf32>
    %add3A_381 = vector.broadcast %reduce_sum3A_380 : f32 to vector<1x256xf32>
    %add3A_382 = arith.addf %broadcast_in_dim3A_360, %add3A_381 : vector<1x256xf32>
    %get3A_383 = arith.constant 256 : index
    %get3A_384 = arith.constant 0 : index
    %get3A_385 = vector.load %arg0[%get3A_383, %get3A_384] : memref<1024x1xf32, #tpu.memory_space<vmem>>, vector<256x1xf32>
    %sub3A_386 = arith.constant 1.000000e+00 : f32
    %sub3A_387 = vector.broadcast %sub3A_386 : f32 to vector<256x1xf32>
    %sub3A_388 = arith.subf %sub3A_387, %get3A_385 : vector<256x1xf32>
    %log3A_389 = math.log %sub3A_388 : vector<256x1xf32>
    %reduce_sum3A_390 = vector.shape_cast %log3A_389 : vector<256x1xf32> to vector<1x256x1xf32>
    %reduce_sum3A_391 = arith.constant dense<0.000000e+00> : vector<1xf32>
    %reduce_sum3A_392 = vector.multi_reduction <add>, %reduce_sum3A_390, %reduce_sum3A_391 [1, 2] : vector<1x256x1xf32> to vector<1xf32>
    %reduce_sum3A_393 = vector.shape_cast %reduce_sum3A_392 : vector<1xf32> to vector<1x1x1xf32>
    %reduce_sum3A_394 = vector.extract %reduce_sum3A_393[0, 0, 0] : f32 from vector<1x1x1xf32>
    %add3A_395 = vector.broadcast %reduce_sum3A_394 : f32 to vector<1x256xf32>
    %add3A_396 = arith.addf %add3A_382, %add3A_395 : vector<1x256xf32>
    %get3A_397 = arith.constant 512 : index
    %get3A_398 = arith.constant 0 : index
    %get3A_399 = vector.load %arg0[%get3A_397, %get3A_398] : memref<1024x1xf32, #tpu.memory_space<vmem>>, vector<256x1xf32>
    %sub3A_400 = arith.constant 1.000000e+00 : f32
    %sub3A_401 = vector.broadcast %sub3A_400 : f32 to vector<256x1xf32>
    %sub3A_402 = arith.subf %sub3A_401, %get3A_399 : vector<256x1xf32>
    %log3A_403 = math.log %sub3A_402 : vector<256x1xf32>
    %iota3A_404 = tpu.iota {dimensions = array<i32: 0>} : vector<256x256xi32>
    %add3A_405 = arith.constant 512 : i32
    %add3A_406 = vector.broadcast %add3A_405 : i32 to vector<256x256xi32>
    %add3A_407 = arith.addi %add3A_406, %iota3A_404 : vector<256x256xi32>
    %le3A_408 = arith.cmpi sle, %add3A_407, %add3A_368 : vector<256x256xi32>
    %eq3A_409 = arith.cmpi eq, %add3A_407, %add3A_368 : vector<256x256xi32>
    %jit3A_410 = arith.constant 0.000000e+00 : f32
    %broadcast_in_dim3A_411 = vector.shape_cast %log3A_403 : vector<256x1xf32> to vector<256x1xf32>
    %broadcast_in_dim3A_412 = vector.broadcast %broadcast_in_dim3A_411 : vector<256x1xf32> to vector<256x256xf32>
    %broadcast_in_dim3A_413 = vector.broadcast %jit3A_410 : f32 to vector<256x256xf32>
    %select_n3A_414 = arith.select %le3A_408, %broadcast_in_dim3A_412, %broadcast_in_dim3A_413 : vector<256x256xi1>, vector<256x256xf32>
    %reduce_sum3A_415 = arith.constant dense<0.000000e+00> : vector<256xf32>
    %reduce_sum3A_416 = vector.multi_reduction <add>, %select_n3A_414, %reduce_sum3A_415 [0] : vector<256x256xf32> to vector<256xf32>
    %broadcast_in_dim3A_417 = vector.shape_cast %reduce_sum3A_416 : vector<256xf32> to vector<1x256xf32>
    %add3A_418 = arith.addf %add3A_396, %broadcast_in_dim3A_417 : vector<1x256xf32>
    %jit3A_419 = arith.constant 0.000000e+00 : f32
    %broadcast_in_dim3A_420 = vector.shape_cast %log3A_403 : vector<256x1xf32> to vector<256x1xf32>
    %broadcast_in_dim3A_421 = vector.broadcast %broadcast_in_dim3A_420 : vector<256x1xf32> to vector<256x256xf32>
    %broadcast_in_dim3A_422 = vector.broadcast %jit3A_419 : f32 to vector<256x256xf32>
    %select_n3A_423 = arith.select %eq3A_409, %broadcast_in_dim3A_421, %broadcast_in_dim3A_422 : vector<256x256xi1>, vector<256x256xf32>
    %reduce_sum3A_424 = arith.constant dense<0.000000e+00> : vector<256xf32>
    %reduce_sum3A_425 = vector.multi_reduction <add>, %select_n3A_423, %reduce_sum3A_424 [0] : vector<256x256xf32> to vector<256xf32>
    %broadcast_in_dim3A_426 = vector.shape_cast %reduce_sum3A_425 : vector<256xf32> to vector<1x256xf32>
    %add3A_427 = arith.addf %broadcast_in_dim3A_362, %broadcast_in_dim3A_426 : vector<1x256xf32>
    %jit3A_428 = arith.constant 0.000000e+00 : f32
    %broadcast_in_dim3A_429 = vector.shape_cast %get3A_399 : vector<256x1xf32> to vector<256x1xf32>
    %broadcast_in_dim3A_430 = vector.broadcast %broadcast_in_dim3A_429 : vector<256x1xf32> to vector<256x256xf32>
    %broadcast_in_dim3A_431 = vector.broadcast %jit3A_428 : f32 to vector<256x256xf32>
    %select_n3A_432 = arith.select %eq3A_409, %broadcast_in_dim3A_430, %broadcast_in_dim3A_431 : vector<256x256xi1>, vector<256x256xf32>
    %reduce_sum3A_433 = arith.constant dense<0.000000e+00> : vector<256xf32>
    %reduce_sum3A_434 = vector.multi_reduction <add>, %select_n3A_432, %reduce_sum3A_433 [0] : vector<256x256xf32> to vector<256xf32>
    %broadcast_in_dim3A_435 = vector.shape_cast %reduce_sum3A_434 : vector<256xf32> to vector<1x256xf32>
    %add3A_436 = arith.addf %broadcast_in_dim3A_364, %broadcast_in_dim3A_435 : vector<1x256xf32>
    %exp3A_437 = math.exp %add3A_418 : vector<1x256xf32>
    %sub3A_438 = arith.subf %add3A_418, %add3A_427 : vector<1x256xf32>
    %exp3A_439 = math.exp %sub3A_438 : vector<1x256xf32>
    %sub3A_440 = arith.constant 1.000000e+00 : f32
    %sub3A_441 = vector.broadcast %sub3A_440 : f32 to vector<1x256xf32>
    %sub3A_442 = arith.subf %sub3A_441, %exp3A_439 : vector<1x256xf32>
    %sub3A_443 = arith.constant 1.000000e+00 : f32
    %sub3A_444 = vector.broadcast %sub3A_443 : f32 to vector<1x256xf32>
    %sub3A_445 = arith.subf %sub3A_444, %exp3A_437 : vector<1x256xf32>
    %div3A_446 = arith.divf %sub3A_442, %sub3A_445 : vector<1x256xf32>
    %mul3A_447 = arith.mulf %add3A_436, %div3A_446 : vector<1x256xf32>
    %max3A_448 = arith.constant 9.99999971E-10 : f32
    %max3A_449 = vector.broadcast %max3A_448 : f32 to vector<1x256xf32>
    %max3A_450 = arith.maximumf %mul3A_447, %max3A_449 : vector<1x256xf32>
    %log3A_451 = math.log %max3A_450 : vector<1x256xf32>
    %swap3A_452 = arith.constant 2 : index
    %swap3A_453 = arith.constant 0 : index
    %swap3A_454 = vector.load %arg3[%swap3A_452, %swap3A_453] : memref<8x256xf32, #tpu.memory_space<vmem>>, vector<1x256xf32>
    tpu.vector_store %arg3[%swap3A_452, %swap3A_453], %mul3A_447 {strides = array<i32>} : memref<8x256xf32, #tpu.memory_space<vmem>>, vector<1x256xf32>,
    %swap3A_455 = arith.constant 6 : index
    %swap3A_456 = arith.constant 0 : index
    %swap3A_457 = vector.load %arg3[%swap3A_455, %swap3A_456] : memref<8x256xf32, #tpu.memory_space<vmem>>, vector<1x256xf32>
    tpu.vector_store %arg3[%swap3A_455, %swap3A_456], %log3A_451 {strides = array<i32>} : memref<8x256xf32, #tpu.memory_space<vmem>>, vector<1x256xf32>,
    %broadcast_in_dim3A_458 = arith.constant 0.000000e+00 : f32
    %broadcast_in_dim3A_459 = vector.broadcast %broadcast_in_dim3A_458 : f32 to vector<1x256xf32>
    %broadcast_in_dim3A_460 = arith.constant 0.000000e+00 : f32
    %broadcast_in_dim3A_461 = vector.broadcast %broadcast_in_dim3A_460 : f32 to vector<1x256xf32>
    %broadcast_in_dim3A_462 = arith.constant 0.000000e+00 : f32
    %broadcast_in_dim3A_463 = vector.broadcast %broadcast_in_dim3A_462 : f32 to vector<1x256xf32>
    %iota3A_464 = tpu.iota {dimensions = array<i32: 1>} : vector<256x256xi32>
    %add3A_465 = arith.constant 768 : i32
    %add3A_466 = vector.broadcast %add3A_465 : i32 to vector<256x256xi32>
    %add3A_467 = arith.addi %add3A_466, %iota3A_464 : vector<256x256xi32>
    %get3A_468 = arith.constant 0 : index
    %get3A_469 = arith.constant 0 : index
    %get3A_470 = vector.load %arg0[%get3A_468, %get3A_469] : memref<1024x1xf32, #tpu.memory_space<vmem>>, vector<256x1xf32>
    %sub3A_471 = arith.constant 1.000000e+00 : f32
    %sub3A_472 = vector.broadcast %sub3A_471 : f32 to vector<256x1xf32>
    %sub3A_473 = arith.subf %sub3A_472, %get3A_470 : vector<256x1xf32>
    %log3A_474 = math.log %sub3A_473 : vector<256x1xf32>
    %reduce_sum3A_475 = vector.shape_cast %log3A_474 : vector<256x1xf32> to vector<1x256x1xf32>
    %reduce_sum3A_476 = arith.constant dense<0.000000e+00> : vector<1xf32>
    %reduce_sum3A_477 = vector.multi_reduction <add>, %reduce_sum3A_475, %reduce_sum3A_476 [1, 2] : vector<1x256x1xf32> to vector<1xf32>
    %reduce_sum3A_478 = vector.shape_cast %reduce_sum3A_477 : vector<1xf32> to vector<1x1x1xf32>
    %reduce_sum3A_479 = vector.extract %reduce_sum3A_478[0, 0, 0] : f32 from vector<1x1x1xf32>
    %add3A_480 = vector.broadcast %reduce_sum3A_479 : f32 to vector<1x256xf32>
    %add3A_481 = arith.addf %broadcast_in_dim3A_459, %add3A_480 : vector<1x256xf32>
    %get3A_482 = arith.constant 256 : index
    %get3A_483 = arith.constant 0 : index
    %get3A_484 = vector.load %arg0[%get3A_482, %get3A_483] : memref<1024x1xf32, #tpu.memory_space<vmem>>, vector<256x1xf32>
    %sub3A_485 = arith.constant 1.000000e+00 : f32
    %sub3A_486 = vector.broadcast %sub3A_485 : f32 to vector<256x1xf32>
    %sub3A_487 = arith.subf %sub3A_486, %get3A_484 : vector<256x1xf32>
    %log3A_488 = math.log %sub3A_487 : vector<256x1xf32>
    %reduce_sum3A_489 = vector.shape_cast %log3A_488 : vector<256x1xf32> to vector<1x256x1xf32>
    %reduce_sum3A_490 = arith.constant dense<0.000000e+00> : vector<1xf32>
    %reduce_sum3A_491 = vector.multi_reduction <add>, %reduce_sum3A_489, %reduce_sum3A_490 [1, 2] : vector<1x256x1xf32> to vector<1xf32>
    %reduce_sum3A_492 = vector.shape_cast %reduce_sum3A_491 : vector<1xf32> to vector<1x1x1xf32>
    %reduce_sum3A_493 = vector.extract %reduce_sum3A_492[0, 0, 0] : f32 from vector<1x1x1xf32>
    %add3A_494 = vector.broadcast %reduce_sum3A_493 : f32 to vector<1x256xf32>
    %add3A_495 = arith.addf %add3A_481, %add3A_494 : vector<1x256xf32>
    %get3A_496 = arith.constant 512 : index
    %get3A_497 = arith.constant 0 : index
    %get3A_498 = vector.load %arg0[%get3A_496, %get3A_497] : memref<1024x1xf32, #tpu.memory_space<vmem>>, vector<256x1xf32>
    %sub3A_499 = arith.constant 1.000000e+00 : f32
    %sub3A_500 = vector.broadcast %sub3A_499 : f32 to vector<256x1xf32>
    %sub3A_501 = arith.subf %sub3A_500, %get3A_498 : vector<256x1xf32>
    %log3A_502 = math.log %sub3A_501 : vector<256x1xf32>
    %reduce_sum3A_503 = vector.shape_cast %log3A_502 : vector<256x1xf32> to vector<1x256x1xf32>
    %reduce_sum3A_504 = arith.constant dense<0.000000e+00> : vector<1xf32>
    %reduce_sum3A_505 = vector.multi_reduction <add>, %reduce_sum3A_503, %reduce_sum3A_504 [1, 2] : vector<1x256x1xf32> to vector<1xf32>
    %reduce_sum3A_506 = vector.shape_cast %reduce_sum3A_505 : vector<1xf32> to vector<1x1x1xf32>
    %reduce_sum3A_507 = vector.extract %reduce_sum3A_506[0, 0, 0] : f32 from vector<1x1x1xf32>
    %add3A_508 = vector.broadcast %reduce_sum3A_507 : f32 to vector<1x256xf32>
    %add3A_509 = arith.addf %add3A_495, %add3A_508 : vector<1x256xf32>
    %get3A_510 = arith.constant 768 : index
    %get3A_511 = arith.constant 0 : index
    %get3A_512 = vector.load %arg0[%get3A_510, %get3A_511] : memref<1024x1xf32, #tpu.memory_space<vmem>>, vector<256x1xf32>
    %sub3A_513 = arith.constant 1.000000e+00 : f32
    %sub3A_514 = vector.broadcast %sub3A_513 : f32 to vector<256x1xf32>
    %sub3A_515 = arith.subf %sub3A_514, %get3A_512 : vector<256x1xf32>
    %log3A_516 = math.log %sub3A_515 : vector<256x1xf32>
    %iota3A_517 = tpu.iota {dimensions = array<i32: 0>} : vector<256x256xi32>
    %add3A_518 = arith.constant 768 : i32
    %add3A_519 = vector.broadcast %add3A_518 : i32 to vector<256x256xi32>
    %add3A_520 = arith.addi %add3A_519, %iota3A_517 : vector<256x256xi32>
    %le3A_521 = arith.cmpi sle, %add3A_520, %add3A_467 : vector<256x256xi32>
    %eq3A_522 = arith.cmpi eq, %add3A_520, %add3A_467 : vector<256x256xi32>
    %jit3A_523 = arith.constant 0.000000e+00 : f32
    %broadcast_in_dim3A_524 = vector.shape_cast %log3A_516 : vector<256x1xf32> to vector<256x1xf32>
    %broadcast_in_dim3A_525 = vector.broadcast %broadcast_in_dim3A_524 : vector<256x1xf32> to vector<256x256xf32>
    %broadcast_in_dim3A_526 = vector.broadcast %jit3A_523 : f32 to vector<256x256xf32>
    %select_n3A_527 = arith.select %le3A_521, %broadcast_in_dim3A_525, %broadcast_in_dim3A_526 : vector<256x256xi1>, vector<256x256xf32>
    %reduce_sum3A_528 = arith.constant dense<0.000000e+00> : vector<256xf32>
    %reduce_sum3A_529 = vector.multi_reduction <add>, %select_n3A_527, %reduce_sum3A_528 [0] : vector<256x256xf32> to vector<256xf32>
    %broadcast_in_dim3A_530 = vector.shape_cast %reduce_sum3A_529 : vector<256xf32> to vector<1x256xf32>
    %add3A_531 = arith.addf %add3A_509, %broadcast_in_dim3A_530 : vector<1x256xf32>
    %jit3A_532 = arith.constant 0.000000e+00 : f32
    %broadcast_in_dim3A_533 = vector.shape_cast %log3A_516 : vector<256x1xf32> to vector<256x1xf32>
    %broadcast_in_dim3A_534 = vector.broadcast %broadcast_in_dim3A_533 : vector<256x1xf32> to vector<256x256xf32>
    %broadcast_in_dim3A_535 = vector.broadcast %jit3A_532 : f32 to vector<256x256xf32>
    %select_n3A_536 = arith.select %eq3A_522, %broadcast_in_dim3A_534, %broadcast_in_dim3A_535 : vector<256x256xi1>, vector<256x256xf32>
    %reduce_sum3A_537 = arith.constant dense<0.000000e+00> : vector<256xf32>
    %reduce_sum3A_538 = vector.multi_reduction <add>, %select_n3A_536, %reduce_sum3A_537 [0] : vector<256x256xf32> to vector<256xf32>
    %broadcast_in_dim3A_539 = vector.shape_cast %reduce_sum3A_538 : vector<256xf32> to vector<1x256xf32>
    %add3A_540 = arith.addf %broadcast_in_dim3A_461, %broadcast_in_dim3A_539 : vector<1x256xf32>
    %jit3A_541 = arith.constant 0.000000e+00 : f32
    %broadcast_in_dim3A_542 = vector.shape_cast %get3A_512 : vector<256x1xf32> to vector<256x1xf32>
    %broadcast_in_dim3A_543 = vector.broadcast %broadcast_in_dim3A_542 : vector<256x1xf32> to vector<256x256xf32>
    %broadcast_in_dim3A_544 = vector.broadcast %jit3A_541 : f32 to vector<256x256xf32>
    %select_n3A_545 = arith.select %eq3A_522, %broadcast_in_dim3A_543, %broadcast_in_dim3A_544 : vector<256x256xi1>, vector<256x256xf32>
    %reduce_sum3A_546 = arith.constant dense<0.000000e+00> : vector<256xf32>
    %reduce_sum3A_547 = vector.multi_reduction <add>, %select_n3A_545, %reduce_sum3A_546 [0] : vector<256x256xf32> to vector<256xf32>
    %broadcast_in_dim3A_548 = vector.shape_cast %reduce_sum3A_547 : vector<256xf32> to vector<1x256xf32>
    %add3A_549 = arith.addf %broadcast_in_dim3A_463, %broadcast_in_dim3A_548 : vector<1x256xf32>
    %exp3A_550 = math.exp %add3A_531 : vector<1x256xf32>
    %sub3A_551 = arith.subf %add3A_531, %add3A_540 : vector<1x256xf32>
    %exp3A_552 = math.exp %sub3A_551 : vector<1x256xf32>
    %sub3A_553 = arith.constant 1.000000e+00 : f32
    %sub3A_554 = vector.broadcast %sub3A_553 : f32 to vector<1x256xf32>
    %sub3A_555 = arith.subf %sub3A_554, %exp3A_552 : vector<1x256xf32>
    %sub3A_556 = arith.constant 1.000000e+00 : f32
    %sub3A_557 = vector.broadcast %sub3A_556 : f32 to vector<1x256xf32>
    %sub3A_558 = arith.subf %sub3A_557, %exp3A_550 : vector<1x256xf32>
    %div3A_559 = arith.divf %sub3A_555, %sub3A_558 : vector<1x256xf32>
    %mul3A_560 = arith.mulf %add3A_549, %div3A_559 : vector<1x256xf32>
    %max3A_561 = arith.constant 9.99999971E-10 : f32
    %max3A_562 = vector.broadcast %max3A_561 : f32 to vector<1x256xf32>
    %max3A_563 = arith.maximumf %mul3A_560, %max3A_562 : vector<1x256xf32>
    %log3A_564 = math.log %max3A_563 : vector<1x256xf32>
    %swap3A_565 = arith.constant 3 : index
    %swap3A_566 = arith.constant 0 : index
    %swap3A_567 = vector.load %arg3[%swap3A_565, %swap3A_566] : memref<8x256xf32, #tpu.memory_space<vmem>>, vector<1x256xf32>
    tpu.vector_store %arg3[%swap3A_565, %swap3A_566], %mul3A_560 {strides = array<i32>} : memref<8x256xf32, #tpu.memory_space<vmem>>, vector<1x256xf32>,
    %swap3A_568 = arith.constant 7 : index
    %swap3A_569 = arith.constant 0 : index
    %swap3A_570 = vector.load %arg3[%swap3A_568, %swap3A_569] : memref<8x256xf32, #tpu.memory_space<vmem>>, vector<1x256xf32>
    tpu.vector_store %arg3[%swap3A_568, %swap3A_569], %log3A_564 {strides = array<i32>} : memref<8x256xf32, #tpu.memory_space<vmem>>, vector<1x256xf32>,
    return
  }
}

module attributes {stable_mosaic.version = 14 : i64} {
  func.func @_dense_body(%arg0: memref<8x256xf32, #tpu.memory_space<vmem>>, %arg1: memref<16384x256xf32, #tpu.memory_space<any>>, %arg2: memref<16384x256xf32, #tpu.memory_space<any>>, %arg3: memref<16384x256xf32, #tpu.memory_space<any>>, %arg4: memref<16384x256xf32, #tpu.memory_space<any>>, %arg5: memref<8x512x256xf32, #tpu.memory_space<vmem>>, %arg6: memref<8x512x256xf32, #tpu.memory_space<vmem>>, %arg7: memref<8x512x256xf32, #tpu.memory_space<vmem>>, %arg8: memref<8x512x256xf32, #tpu.memory_space<vmem>>, %arg9: memref<8x!tpu.dma_semaphore, #tpu.memory_space<semaphore_mem>>, %arg10: memref<8x!tpu.dma_semaphore, #tpu.memory_space<semaphore_mem>>, %arg11: memref<8x!tpu.dma_semaphore, #tpu.memory_space<semaphore_mem>>, %arg12: memref<8x!tpu.dma_semaphore, #tpu.memory_space<semaphore_mem>>) attributes {dimension_semantics = [], scalar_prefetch = 0 : i64, scratch_operands = 8 : i64, tpu.core_type = #tpu.core_type<tc>} {
    %dma_start3A = arith.constant 0 : i32
    %dma_start3A_0 = arith.constant 0 : i32
    %dma_start3A_1 = tpu.memref_slice %arg9[%dma_start3A_0] : memref<8x!tpu.dma_semaphore, #tpu.memory_space<semaphore_mem>> -> memref<1x!tpu.dma_semaphore, #tpu.memory_space<semaphore_mem>>
    %dma_start3A_2 = tpu.memref_squeeze %dma_start3A_1 : memref<1x!tpu.dma_semaphore, #tpu.memory_space<semaphore_mem>> -> memref<!tpu.dma_semaphore, #tpu.memory_space<semaphore_mem>>
    %dma_start3A_3 = arith.constant 0 : i32
    %dma_start3A_4 = arith.constant 0 : i32
    %dma_start3A_5 = tpu.memref_slice %arg5[%dma_start3A, %dma_start3A_3, %dma_start3A_4] : memref<8x512x256xf32, #tpu.memory_space<vmem>> -> memref<1x512x256xf32, #tpu.memory_space<vmem>>
    %dma_start3A_6 = tpu.memref_squeeze %dma_start3A_5 : memref<1x512x256xf32, #tpu.memory_space<vmem>> -> memref<512x256xf32, #tpu.memory_space<vmem>>
    %dma_start3A_7 = arith.constant 0 : i32
    %dma_start3A_8 = arith.constant 0 : i32
    %dma_start3A_9 = tpu.memref_slice %arg1[%dma_start3A_7, %dma_start3A_8] : memref<16384x256xf32, #tpu.memory_space<any>> -> memref<512x256xf32, #tpu.memory_space<any>>
    tpu.enqueue_dma source(%dma_start3A_9 : memref<512x256xf32, #tpu.memory_space<any>>) target(%dma_start3A_6 : memref<512x256xf32, #tpu.memory_space<vmem>>) target_semaphore(%dma_start3A_2 : memref<!tpu.dma_semaphore, #tpu.memory_space<semaphore_mem>>)
    %dma_start3A_10 = arith.constant 0 : i32
    %dma_start3A_11 = arith.constant 0 : i32
    %dma_start3A_12 = tpu.memref_slice %arg10[%dma_start3A_11] : memref<8x!tpu.dma_semaphore, #tpu.memory_space<semaphore_mem>> -> memref<1x!tpu.dma_semaphore, #tpu.memory_space<semaphore_mem>>
    %dma_start3A_13 = tpu.memref_squeeze %dma_start3A_12 : memref<1x!tpu.dma_semaphore, #tpu.memory_space<semaphore_mem>> -> memref<!tpu.dma_semaphore, #tpu.memory_space<semaphore_mem>>
    %dma_start3A_14 = arith.constant 0 : i32
    %dma_start3A_15 = arith.constant 0 : i32
    %dma_start3A_16 = tpu.memref_slice %arg6[%dma_start3A_10, %dma_start3A_14, %dma_start3A_15] : memref<8x512x256xf32, #tpu.memory_space<vmem>> -> memref<1x512x256xf32, #tpu.memory_space<vmem>>
    %dma_start3A_17 = tpu.memref_squeeze %dma_start3A_16 : memref<1x512x256xf32, #tpu.memory_space<vmem>> -> memref<512x256xf32, #tpu.memory_space<vmem>>
    %dma_start3A_18 = arith.constant 0 : i32
    %dma_start3A_19 = arith.constant 0 : i32
    %dma_start3A_20 = tpu.memref_slice %arg2[%dma_start3A_18, %dma_start3A_19] : memref<16384x256xf32, #tpu.memory_space<any>> -> memref<512x256xf32, #tpu.memory_space<any>>
    tpu.enqueue_dma source(%dma_start3A_20 : memref<512x256xf32, #tpu.memory_space<any>>) target(%dma_start3A_17 : memref<512x256xf32, #tpu.memory_space<vmem>>) target_semaphore(%dma_start3A_13 : memref<!tpu.dma_semaphore, #tpu.memory_space<semaphore_mem>>)
    %dma_start3A_21 = arith.constant 1 : i32
    %dma_start3A_22 = arith.constant 1 : i32
    %dma_start3A_23 = tpu.memref_slice %arg9[%dma_start3A_22] : memref<8x!tpu.dma_semaphore, #tpu.memory_space<semaphore_mem>> -> memref<1x!tpu.dma_semaphore, #tpu.memory_space<semaphore_mem>>
    %dma_start3A_24 = tpu.memref_squeeze %dma_start3A_23 : memref<1x!tpu.dma_semaphore, #tpu.memory_space<semaphore_mem>> -> memref<!tpu.dma_semaphore, #tpu.memory_space<semaphore_mem>>
    %dma_start3A_25 = arith.constant 0 : i32
    %dma_start3A_26 = arith.constant 0 : i32
    %dma_start3A_27 = tpu.memref_slice %arg5[%dma_start3A_21, %dma_start3A_25, %dma_start3A_26] : memref<8x512x256xf32, #tpu.memory_space<vmem>> -> memref<1x512x256xf32, #tpu.memory_space<vmem>>
    %dma_start3A_28 = tpu.memref_squeeze %dma_start3A_27 : memref<1x512x256xf32, #tpu.memory_space<vmem>> -> memref<512x256xf32, #tpu.memory_space<vmem>>
    %dma_start3A_29 = arith.constant 512 : i32
    %dma_start3A_30 = arith.constant 0 : i32
    %dma_start3A_31 = tpu.memref_slice %arg1[%dma_start3A_29, %dma_start3A_30] : memref<16384x256xf32, #tpu.memory_space<any>> -> memref<512x256xf32, #tpu.memory_space<any>>
    tpu.enqueue_dma source(%dma_start3A_31 : memref<512x256xf32, #tpu.memory_space<any>>) target(%dma_start3A_28 : memref<512x256xf32, #tpu.memory_space<vmem>>) target_semaphore(%dma_start3A_24 : memref<!tpu.dma_semaphore, #tpu.memory_space<semaphore_mem>>)
    %dma_start3A_32 = arith.constant 1 : i32
    %dma_start3A_33 = arith.constant 1 : i32
    %dma_start3A_34 = tpu.memref_slice %arg10[%dma_start3A_33] : memref<8x!tpu.dma_semaphore, #tpu.memory_space<semaphore_mem>> -> memref<1x!tpu.dma_semaphore, #tpu.memory_space<semaphore_mem>>
    %dma_start3A_35 = tpu.memref_squeeze %dma_start3A_34 : memref<1x!tpu.dma_semaphore, #tpu.memory_space<semaphore_mem>> -> memref<!tpu.dma_semaphore, #tpu.memory_space<semaphore_mem>>
    %dma_start3A_36 = arith.constant 0 : i32
    %dma_start3A_37 = arith.constant 0 : i32
    %dma_start3A_38 = tpu.memref_slice %arg6[%dma_start3A_32, %dma_start3A_36, %dma_start3A_37] : memref<8x512x256xf32, #tpu.memory_space<vmem>> -> memref<1x512x256xf32, #tpu.memory_space<vmem>>
    %dma_start3A_39 = tpu.memref_squeeze %dma_start3A_38 : memref<1x512x256xf32, #tpu.memory_space<vmem>> -> memref<512x256xf32, #tpu.memory_space<vmem>>
    %dma_start3A_40 = arith.constant 512 : i32
    %dma_start3A_41 = arith.constant 0 : i32
    %dma_start3A_42 = tpu.memref_slice %arg2[%dma_start3A_40, %dma_start3A_41] : memref<16384x256xf32, #tpu.memory_space<any>> -> memref<512x256xf32, #tpu.memory_space<any>>
    tpu.enqueue_dma source(%dma_start3A_42 : memref<512x256xf32, #tpu.memory_space<any>>) target(%dma_start3A_39 : memref<512x256xf32, #tpu.memory_space<vmem>>) target_semaphore(%dma_start3A_35 : memref<!tpu.dma_semaphore, #tpu.memory_space<semaphore_mem>>)
    %dma_start3A_43 = arith.constant 2 : i32
    %dma_start3A_44 = arith.constant 2 : i32
    %dma_start3A_45 = tpu.memref_slice %arg9[%dma_start3A_44] : memref<8x!tpu.dma_semaphore, #tpu.memory_space<semaphore_mem>> -> memref<1x!tpu.dma_semaphore, #tpu.memory_space<semaphore_mem>>
    %dma_start3A_46 = tpu.memref_squeeze %dma_start3A_45 : memref<1x!tpu.dma_semaphore, #tpu.memory_space<semaphore_mem>> -> memref<!tpu.dma_semaphore, #tpu.memory_space<semaphore_mem>>
    %dma_start3A_47 = arith.constant 0 : i32
    %dma_start3A_48 = arith.constant 0 : i32
    %dma_start3A_49 = tpu.memref_slice %arg5[%dma_start3A_43, %dma_start3A_47, %dma_start3A_48] : memref<8x512x256xf32, #tpu.memory_space<vmem>> -> memref<1x512x256xf32, #tpu.memory_space<vmem>>
    %dma_start3A_50 = tpu.memref_squeeze %dma_start3A_49 : memref<1x512x256xf32, #tpu.memory_space<vmem>> -> memref<512x256xf32, #tpu.memory_space<vmem>>
    %dma_start3A_51 = arith.constant 1024 : i32
    %dma_start3A_52 = arith.constant 0 : i32
    %dma_start3A_53 = tpu.memref_slice %arg1[%dma_start3A_51, %dma_start3A_52] : memref<16384x256xf32, #tpu.memory_space<any>> -> memref<512x256xf32, #tpu.memory_space<any>>
    tpu.enqueue_dma source(%dma_start3A_53 : memref<512x256xf32, #tpu.memory_space<any>>) target(%dma_start3A_50 : memref<512x256xf32, #tpu.memory_space<vmem>>) target_semaphore(%dma_start3A_46 : memref<!tpu.dma_semaphore, #tpu.memory_space<semaphore_mem>>)
    %dma_start3A_54 = arith.constant 2 : i32
    %dma_start3A_55 = arith.constant 2 : i32
    %dma_start3A_56 = tpu.memref_slice %arg10[%dma_start3A_55] : memref<8x!tpu.dma_semaphore, #tpu.memory_space<semaphore_mem>> -> memref<1x!tpu.dma_semaphore, #tpu.memory_space<semaphore_mem>>
    %dma_start3A_57 = tpu.memref_squeeze %dma_start3A_56 : memref<1x!tpu.dma_semaphore, #tpu.memory_space<semaphore_mem>> -> memref<!tpu.dma_semaphore, #tpu.memory_space<semaphore_mem>>
    %dma_start3A_58 = arith.constant 0 : i32
    %dma_start3A_59 = arith.constant 0 : i32
    %dma_start3A_60 = tpu.memref_slice %arg6[%dma_start3A_54, %dma_start3A_58, %dma_start3A_59] : memref<8x512x256xf32, #tpu.memory_space<vmem>> -> memref<1x512x256xf32, #tpu.memory_space<vmem>>
    %dma_start3A_61 = tpu.memref_squeeze %dma_start3A_60 : memref<1x512x256xf32, #tpu.memory_space<vmem>> -> memref<512x256xf32, #tpu.memory_space<vmem>>
    %dma_start3A_62 = arith.constant 1024 : i32
    %dma_start3A_63 = arith.constant 0 : i32
    %dma_start3A_64 = tpu.memref_slice %arg2[%dma_start3A_62, %dma_start3A_63] : memref<16384x256xf32, #tpu.memory_space<any>> -> memref<512x256xf32, #tpu.memory_space<any>>
    tpu.enqueue_dma source(%dma_start3A_64 : memref<512x256xf32, #tpu.memory_space<any>>) target(%dma_start3A_61 : memref<512x256xf32, #tpu.memory_space<vmem>>) target_semaphore(%dma_start3A_57 : memref<!tpu.dma_semaphore, #tpu.memory_space<semaphore_mem>>)
    %dma_start3A_65 = arith.constant 3 : i32
    %dma_start3A_66 = arith.constant 3 : i32
    %dma_start3A_67 = tpu.memref_slice %arg9[%dma_start3A_66] : memref<8x!tpu.dma_semaphore, #tpu.memory_space<semaphore_mem>> -> memref<1x!tpu.dma_semaphore, #tpu.memory_space<semaphore_mem>>
    %dma_start3A_68 = tpu.memref_squeeze %dma_start3A_67 : memref<1x!tpu.dma_semaphore, #tpu.memory_space<semaphore_mem>> -> memref<!tpu.dma_semaphore, #tpu.memory_space<semaphore_mem>>
    %dma_start3A_69 = arith.constant 0 : i32
    %dma_start3A_70 = arith.constant 0 : i32
    %dma_start3A_71 = tpu.memref_slice %arg5[%dma_start3A_65, %dma_start3A_69, %dma_start3A_70] : memref<8x512x256xf32, #tpu.memory_space<vmem>> -> memref<1x512x256xf32, #tpu.memory_space<vmem>>
    %dma_start3A_72 = tpu.memref_squeeze %dma_start3A_71 : memref<1x512x256xf32, #tpu.memory_space<vmem>> -> memref<512x256xf32, #tpu.memory_space<vmem>>
    %dma_start3A_73 = arith.constant 1536 : i32
    %dma_start3A_74 = arith.constant 0 : i32
    %dma_start3A_75 = tpu.memref_slice %arg1[%dma_start3A_73, %dma_start3A_74] : memref<16384x256xf32, #tpu.memory_space<any>> -> memref<512x256xf32, #tpu.memory_space<any>>
    tpu.enqueue_dma source(%dma_start3A_75 : memref<512x256xf32, #tpu.memory_space<any>>) target(%dma_start3A_72 : memref<512x256xf32, #tpu.memory_space<vmem>>) target_semaphore(%dma_start3A_68 : memref<!tpu.dma_semaphore, #tpu.memory_space<semaphore_mem>>)
    %dma_start3A_76 = arith.constant 3 : i32
    %dma_start3A_77 = arith.constant 3 : i32
    %dma_start3A_78 = tpu.memref_slice %arg10[%dma_start3A_77] : memref<8x!tpu.dma_semaphore, #tpu.memory_space<semaphore_mem>> -> memref<1x!tpu.dma_semaphore, #tpu.memory_space<semaphore_mem>>
    %dma_start3A_79 = tpu.memref_squeeze %dma_start3A_78 : memref<1x!tpu.dma_semaphore, #tpu.memory_space<semaphore_mem>> -> memref<!tpu.dma_semaphore, #tpu.memory_space<semaphore_mem>>
    %dma_start3A_80 = arith.constant 0 : i32
    %dma_start3A_81 = arith.constant 0 : i32
    %dma_start3A_82 = tpu.memref_slice %arg6[%dma_start3A_76, %dma_start3A_80, %dma_start3A_81] : memref<8x512x256xf32, #tpu.memory_space<vmem>> -> memref<1x512x256xf32, #tpu.memory_space<vmem>>
    %dma_start3A_83 = tpu.memref_squeeze %dma_start3A_82 : memref<1x512x256xf32, #tpu.memory_space<vmem>> -> memref<512x256xf32, #tpu.memory_space<vmem>>
    %dma_start3A_84 = arith.constant 1536 : i32
    %dma_start3A_85 = arith.constant 0 : i32
    %dma_start3A_86 = tpu.memref_slice %arg2[%dma_start3A_84, %dma_start3A_85] : memref<16384x256xf32, #tpu.memory_space<any>> -> memref<512x256xf32, #tpu.memory_space<any>>
    tpu.enqueue_dma source(%dma_start3A_86 : memref<512x256xf32, #tpu.memory_space<any>>) target(%dma_start3A_83 : memref<512x256xf32, #tpu.memory_space<vmem>>) target_semaphore(%dma_start3A_79 : memref<!tpu.dma_semaphore, #tpu.memory_space<semaphore_mem>>)
    %dma_start3A_87 = arith.constant 4 : i32
    %dma_start3A_88 = arith.constant 4 : i32
    %dma_start3A_89 = tpu.memref_slice %arg9[%dma_start3A_88] : memref<8x!tpu.dma_semaphore, #tpu.memory_space<semaphore_mem>> -> memref<1x!tpu.dma_semaphore, #tpu.memory_space<semaphore_mem>>
    %dma_start3A_90 = tpu.memref_squeeze %dma_start3A_89 : memref<1x!tpu.dma_semaphore, #tpu.memory_space<semaphore_mem>> -> memref<!tpu.dma_semaphore, #tpu.memory_space<semaphore_mem>>
    %dma_start3A_91 = arith.constant 0 : i32
    %dma_start3A_92 = arith.constant 0 : i32
    %dma_start3A_93 = tpu.memref_slice %arg5[%dma_start3A_87, %dma_start3A_91, %dma_start3A_92] : memref<8x512x256xf32, #tpu.memory_space<vmem>> -> memref<1x512x256xf32, #tpu.memory_space<vmem>>
    %dma_start3A_94 = tpu.memref_squeeze %dma_start3A_93 : memref<1x512x256xf32, #tpu.memory_space<vmem>> -> memref<512x256xf32, #tpu.memory_space<vmem>>
    %dma_start3A_95 = arith.constant 2048 : i32
    %dma_start3A_96 = arith.constant 0 : i32
    %dma_start3A_97 = tpu.memref_slice %arg1[%dma_start3A_95, %dma_start3A_96] : memref<16384x256xf32, #tpu.memory_space<any>> -> memref<512x256xf32, #tpu.memory_space<any>>
    tpu.enqueue_dma source(%dma_start3A_97 : memref<512x256xf32, #tpu.memory_space<any>>) target(%dma_start3A_94 : memref<512x256xf32, #tpu.memory_space<vmem>>) target_semaphore(%dma_start3A_90 : memref<!tpu.dma_semaphore, #tpu.memory_space<semaphore_mem>>)
    %dma_start3A_98 = arith.constant 4 : i32
    %dma_start3A_99 = arith.constant 4 : i32
    %dma_start3A_100 = tpu.memref_slice %arg10[%dma_start3A_99] : memref<8x!tpu.dma_semaphore, #tpu.memory_space<semaphore_mem>> -> memref<1x!tpu.dma_semaphore, #tpu.memory_space<semaphore_mem>>
    %dma_start3A_101 = tpu.memref_squeeze %dma_start3A_100 : memref<1x!tpu.dma_semaphore, #tpu.memory_space<semaphore_mem>> -> memref<!tpu.dma_semaphore, #tpu.memory_space<semaphore_mem>>
    %dma_start3A_102 = arith.constant 0 : i32
    %dma_start3A_103 = arith.constant 0 : i32
    %dma_start3A_104 = tpu.memref_slice %arg6[%dma_start3A_98, %dma_start3A_102, %dma_start3A_103] : memref<8x512x256xf32, #tpu.memory_space<vmem>> -> memref<1x512x256xf32, #tpu.memory_space<vmem>>
    %dma_start3A_105 = tpu.memref_squeeze %dma_start3A_104 : memref<1x512x256xf32, #tpu.memory_space<vmem>> -> memref<512x256xf32, #tpu.memory_space<vmem>>
    %dma_start3A_106 = arith.constant 2048 : i32
    %dma_start3A_107 = arith.constant 0 : i32
    %dma_start3A_108 = tpu.memref_slice %arg2[%dma_start3A_106, %dma_start3A_107] : memref<16384x256xf32, #tpu.memory_space<any>> -> memref<512x256xf32, #tpu.memory_space<any>>
    tpu.enqueue_dma source(%dma_start3A_108 : memref<512x256xf32, #tpu.memory_space<any>>) target(%dma_start3A_105 : memref<512x256xf32, #tpu.memory_space<vmem>>) target_semaphore(%dma_start3A_101 : memref<!tpu.dma_semaphore, #tpu.memory_space<semaphore_mem>>)
    %dma_start3A_109 = arith.constant 5 : i32
    %dma_start3A_110 = arith.constant 5 : i32
    %dma_start3A_111 = tpu.memref_slice %arg9[%dma_start3A_110] : memref<8x!tpu.dma_semaphore, #tpu.memory_space<semaphore_mem>> -> memref<1x!tpu.dma_semaphore, #tpu.memory_space<semaphore_mem>>
    %dma_start3A_112 = tpu.memref_squeeze %dma_start3A_111 : memref<1x!tpu.dma_semaphore, #tpu.memory_space<semaphore_mem>> -> memref<!tpu.dma_semaphore, #tpu.memory_space<semaphore_mem>>
    %dma_start3A_113 = arith.constant 0 : i32
    %dma_start3A_114 = arith.constant 0 : i32
    %dma_start3A_115 = tpu.memref_slice %arg5[%dma_start3A_109, %dma_start3A_113, %dma_start3A_114] : memref<8x512x256xf32, #tpu.memory_space<vmem>> -> memref<1x512x256xf32, #tpu.memory_space<vmem>>
    %dma_start3A_116 = tpu.memref_squeeze %dma_start3A_115 : memref<1x512x256xf32, #tpu.memory_space<vmem>> -> memref<512x256xf32, #tpu.memory_space<vmem>>
    %dma_start3A_117 = arith.constant 2560 : i32
    %dma_start3A_118 = arith.constant 0 : i32
    %dma_start3A_119 = tpu.memref_slice %arg1[%dma_start3A_117, %dma_start3A_118] : memref<16384x256xf32, #tpu.memory_space<any>> -> memref<512x256xf32, #tpu.memory_space<any>>
    tpu.enqueue_dma source(%dma_start3A_119 : memref<512x256xf32, #tpu.memory_space<any>>) target(%dma_start3A_116 : memref<512x256xf32, #tpu.memory_space<vmem>>) target_semaphore(%dma_start3A_112 : memref<!tpu.dma_semaphore, #tpu.memory_space<semaphore_mem>>)
    %dma_start3A_120 = arith.constant 5 : i32
    %dma_start3A_121 = arith.constant 5 : i32
    %dma_start3A_122 = tpu.memref_slice %arg10[%dma_start3A_121] : memref<8x!tpu.dma_semaphore, #tpu.memory_space<semaphore_mem>> -> memref<1x!tpu.dma_semaphore, #tpu.memory_space<semaphore_mem>>
    %dma_start3A_123 = tpu.memref_squeeze %dma_start3A_122 : memref<1x!tpu.dma_semaphore, #tpu.memory_space<semaphore_mem>> -> memref<!tpu.dma_semaphore, #tpu.memory_space<semaphore_mem>>
    %dma_start3A_124 = arith.constant 0 : i32
    %dma_start3A_125 = arith.constant 0 : i32
    %dma_start3A_126 = tpu.memref_slice %arg6[%dma_start3A_120, %dma_start3A_124, %dma_start3A_125] : memref<8x512x256xf32, #tpu.memory_space<vmem>> -> memref<1x512x256xf32, #tpu.memory_space<vmem>>
    %dma_start3A_127 = tpu.memref_squeeze %dma_start3A_126 : memref<1x512x256xf32, #tpu.memory_space<vmem>> -> memref<512x256xf32, #tpu.memory_space<vmem>>
    %dma_start3A_128 = arith.constant 2560 : i32
    %dma_start3A_129 = arith.constant 0 : i32
    %dma_start3A_130 = tpu.memref_slice %arg2[%dma_start3A_128, %dma_start3A_129] : memref<16384x256xf32, #tpu.memory_space<any>> -> memref<512x256xf32, #tpu.memory_space<any>>
    tpu.enqueue_dma source(%dma_start3A_130 : memref<512x256xf32, #tpu.memory_space<any>>) target(%dma_start3A_127 : memref<512x256xf32, #tpu.memory_space<vmem>>) target_semaphore(%dma_start3A_123 : memref<!tpu.dma_semaphore, #tpu.memory_space<semaphore_mem>>)
    %dma_start3A_131 = arith.constant 6 : i32
    %dma_start3A_132 = arith.constant 6 : i32
    %dma_start3A_133 = tpu.memref_slice %arg9[%dma_start3A_132] : memref<8x!tpu.dma_semaphore, #tpu.memory_space<semaphore_mem>> -> memref<1x!tpu.dma_semaphore, #tpu.memory_space<semaphore_mem>>
    %dma_start3A_134 = tpu.memref_squeeze %dma_start3A_133 : memref<1x!tpu.dma_semaphore, #tpu.memory_space<semaphore_mem>> -> memref<!tpu.dma_semaphore, #tpu.memory_space<semaphore_mem>>
    %dma_start3A_135 = arith.constant 0 : i32
    %dma_start3A_136 = arith.constant 0 : i32
    %dma_start3A_137 = tpu.memref_slice %arg5[%dma_start3A_131, %dma_start3A_135, %dma_start3A_136] : memref<8x512x256xf32, #tpu.memory_space<vmem>> -> memref<1x512x256xf32, #tpu.memory_space<vmem>>
    %dma_start3A_138 = tpu.memref_squeeze %dma_start3A_137 : memref<1x512x256xf32, #tpu.memory_space<vmem>> -> memref<512x256xf32, #tpu.memory_space<vmem>>
    %dma_start3A_139 = arith.constant 3072 : i32
    %dma_start3A_140 = arith.constant 0 : i32
    %dma_start3A_141 = tpu.memref_slice %arg1[%dma_start3A_139, %dma_start3A_140] : memref<16384x256xf32, #tpu.memory_space<any>> -> memref<512x256xf32, #tpu.memory_space<any>>
    tpu.enqueue_dma source(%dma_start3A_141 : memref<512x256xf32, #tpu.memory_space<any>>) target(%dma_start3A_138 : memref<512x256xf32, #tpu.memory_space<vmem>>) target_semaphore(%dma_start3A_134 : memref<!tpu.dma_semaphore, #tpu.memory_space<semaphore_mem>>)
    %dma_start3A_142 = arith.constant 6 : i32
    %dma_start3A_143 = arith.constant 6 : i32
    %dma_start3A_144 = tpu.memref_slice %arg10[%dma_start3A_143] : memref<8x!tpu.dma_semaphore, #tpu.memory_space<semaphore_mem>> -> memref<1x!tpu.dma_semaphore, #tpu.memory_space<semaphore_mem>>
    %dma_start3A_145 = tpu.memref_squeeze %dma_start3A_144 : memref<1x!tpu.dma_semaphore, #tpu.memory_space<semaphore_mem>> -> memref<!tpu.dma_semaphore, #tpu.memory_space<semaphore_mem>>
    %dma_start3A_146 = arith.constant 0 : i32
    %dma_start3A_147 = arith.constant 0 : i32
    %dma_start3A_148 = tpu.memref_slice %arg6[%dma_start3A_142, %dma_start3A_146, %dma_start3A_147] : memref<8x512x256xf32, #tpu.memory_space<vmem>> -> memref<1x512x256xf32, #tpu.memory_space<vmem>>
    %dma_start3A_149 = tpu.memref_squeeze %dma_start3A_148 : memref<1x512x256xf32, #tpu.memory_space<vmem>> -> memref<512x256xf32, #tpu.memory_space<vmem>>
    %dma_start3A_150 = arith.constant 3072 : i32
    %dma_start3A_151 = arith.constant 0 : i32
    %dma_start3A_152 = tpu.memref_slice %arg2[%dma_start3A_150, %dma_start3A_151] : memref<16384x256xf32, #tpu.memory_space<any>> -> memref<512x256xf32, #tpu.memory_space<any>>
    tpu.enqueue_dma source(%dma_start3A_152 : memref<512x256xf32, #tpu.memory_space<any>>) target(%dma_start3A_149 : memref<512x256xf32, #tpu.memory_space<vmem>>) target_semaphore(%dma_start3A_145 : memref<!tpu.dma_semaphore, #tpu.memory_space<semaphore_mem>>)
    %dma_start3A_153 = arith.constant 7 : i32
    %dma_start3A_154 = arith.constant 7 : i32
    %dma_start3A_155 = tpu.memref_slice %arg9[%dma_start3A_154] : memref<8x!tpu.dma_semaphore, #tpu.memory_space<semaphore_mem>> -> memref<1x!tpu.dma_semaphore, #tpu.memory_space<semaphore_mem>>
    %dma_start3A_156 = tpu.memref_squeeze %dma_start3A_155 : memref<1x!tpu.dma_semaphore, #tpu.memory_space<semaphore_mem>> -> memref<!tpu.dma_semaphore, #tpu.memory_space<semaphore_mem>>
    %dma_start3A_157 = arith.constant 0 : i32
    %dma_start3A_158 = arith.constant 0 : i32
    %dma_start3A_159 = tpu.memref_slice %arg5[%dma_start3A_153, %dma_start3A_157, %dma_start3A_158] : memref<8x512x256xf32, #tpu.memory_space<vmem>> -> memref<1x512x256xf32, #tpu.memory_space<vmem>>
    %dma_start3A_160 = tpu.memref_squeeze %dma_start3A_159 : memref<1x512x256xf32, #tpu.memory_space<vmem>> -> memref<512x256xf32, #tpu.memory_space<vmem>>
    %dma_start3A_161 = arith.constant 3584 : i32
    %dma_start3A_162 = arith.constant 0 : i32
    %dma_start3A_163 = tpu.memref_slice %arg1[%dma_start3A_161, %dma_start3A_162] : memref<16384x256xf32, #tpu.memory_space<any>> -> memref<512x256xf32, #tpu.memory_space<any>>
    tpu.enqueue_dma source(%dma_start3A_163 : memref<512x256xf32, #tpu.memory_space<any>>) target(%dma_start3A_160 : memref<512x256xf32, #tpu.memory_space<vmem>>) target_semaphore(%dma_start3A_156 : memref<!tpu.dma_semaphore, #tpu.memory_space<semaphore_mem>>)
    %dma_start3A_164 = arith.constant 7 : i32
    %dma_start3A_165 = arith.constant 7 : i32
    %dma_start3A_166 = tpu.memref_slice %arg10[%dma_start3A_165] : memref<8x!tpu.dma_semaphore, #tpu.memory_space<semaphore_mem>> -> memref<1x!tpu.dma_semaphore, #tpu.memory_space<semaphore_mem>>
    %dma_start3A_167 = tpu.memref_squeeze %dma_start3A_166 : memref<1x!tpu.dma_semaphore, #tpu.memory_space<semaphore_mem>> -> memref<!tpu.dma_semaphore, #tpu.memory_space<semaphore_mem>>
    %dma_start3A_168 = arith.constant 0 : i32
    %dma_start3A_169 = arith.constant 0 : i32
    %dma_start3A_170 = tpu.memref_slice %arg6[%dma_start3A_164, %dma_start3A_168, %dma_start3A_169] : memref<8x512x256xf32, #tpu.memory_space<vmem>> -> memref<1x512x256xf32, #tpu.memory_space<vmem>>
    %dma_start3A_171 = tpu.memref_squeeze %dma_start3A_170 : memref<1x512x256xf32, #tpu.memory_space<vmem>> -> memref<512x256xf32, #tpu.memory_space<vmem>>
    %dma_start3A_172 = arith.constant 3584 : i32
    %dma_start3A_173 = arith.constant 0 : i32
    %dma_start3A_174 = tpu.memref_slice %arg2[%dma_start3A_172, %dma_start3A_173] : memref<16384x256xf32, #tpu.memory_space<any>> -> memref<512x256xf32, #tpu.memory_space<any>>
    tpu.enqueue_dma source(%dma_start3A_174 : memref<512x256xf32, #tpu.memory_space<any>>) target(%dma_start3A_171 : memref<512x256xf32, #tpu.memory_space<vmem>>) target_semaphore(%dma_start3A_167 : memref<!tpu.dma_semaphore, #tpu.memory_space<semaphore_mem>>)
    %get3A = arith.constant 0 : index
    %get3A_175 = arith.constant 0 : index
    %get3A_176 = vector.load %arg0[%get3A, %get3A_175] : memref<8x256xf32, #tpu.memory_space<vmem>>, vector<1x256xf32>
    %get3A_177 = arith.constant 1 : index
    %get3A_178 = arith.constant 0 : index
    %get3A_179 = vector.load %arg0[%get3A_177, %get3A_178] : memref<8x256xf32, #tpu.memory_space<vmem>>, vector<1x256xf32>
    %get3A_180 = arith.constant 2 : index
    %get3A_181 = arith.constant 0 : index
    %get3A_182 = vector.load %arg0[%get3A_180, %get3A_181] : memref<8x256xf32, #tpu.memory_space<vmem>>, vector<1x256xf32>
    %get3A_183 = arith.constant 3 : index
    %get3A_184 = arith.constant 0 : index
    %get3A_185 = vector.load %arg0[%get3A_183, %get3A_184] : memref<8x256xf32, #tpu.memory_space<vmem>>, vector<1x256xf32>
    %scan3A = arith.constant 0 : i32
    %scan3A_186 = arith.constant 4 : i32
    %scan3A_187 = arith.addi %scan3A, %scan3A_186 : i32
    %scan3A_188 = arith.constant 1 : i32
    scf.for %scan3A_365 = %scan3A to %scan3A_187 step %scan3A_188  : i32 {
      %mul3A = arith.constant 8 : i32
      %mul3A_366 = arith.muli %scan3A_365, %mul3A : i32
      %add3A = arith.constant 0 : i32
      %add3A_367 = arith.addi %mul3A_366, %add3A : i32
      %mul3A_368 = arith.constant 512 : i32
      %mul3A_369 = arith.muli %add3A_367, %mul3A_368 : i32
      %dma_wait3A_370 = arith.constant 0 : i32
      %dma_wait3A_371 = arith.constant 0 : i32
      %dma_wait3A_372 = tpu.memref_slice %arg9[%dma_wait3A_371] : memref<8x!tpu.dma_semaphore, #tpu.memory_space<semaphore_mem>> -> memref<1x!tpu.dma_semaphore, #tpu.memory_space<semaphore_mem>>
      %dma_wait3A_373 = tpu.memref_squeeze %dma_wait3A_372 : memref<1x!tpu.dma_semaphore, #tpu.memory_space<semaphore_mem>> -> memref<!tpu.dma_semaphore, #tpu.memory_space<semaphore_mem>>
      %dma_wait3A_374 = arith.constant 0 : i32
      %dma_wait3A_375 = arith.constant 0 : i32
      %dma_wait3A_376 = tpu.memref_slice %arg5[%dma_wait3A_370, %dma_wait3A_374, %dma_wait3A_375] : memref<8x512x256xf32, #tpu.memory_space<vmem>> -> memref<1x512x256xf32, #tpu.memory_space<vmem>>
      %dma_wait3A_377 = tpu.memref_squeeze %dma_wait3A_376 : memref<1x512x256xf32, #tpu.memory_space<vmem>> -> memref<512x256xf32, #tpu.memory_space<vmem>>
      %dma_wait3A_378 = arith.constant 0 : i32
      %dma_wait3A_379 = tpu.memref_slice %arg1[%mul3A_369, %dma_wait3A_378] : memref<16384x256xf32, #tpu.memory_space<any>> -> memref<512x256xf32, #tpu.memory_space<any>>
      tpu.wait_dma2 semaphore(%dma_wait3A_373 : memref<!tpu.dma_semaphore, #tpu.memory_space<semaphore_mem>>) src(%dma_wait3A_379 : memref<512x256xf32, #tpu.memory_space<any>>) dst(%dma_wait3A_377 : memref<512x256xf32, #tpu.memory_space<vmem>>)
      %mul3A_380 = arith.constant 512 : i32
      %mul3A_381 = arith.muli %add3A_367, %mul3A_380 : i32
      %dma_wait3A_382 = arith.constant 0 : i32
      %dma_wait3A_383 = arith.constant 0 : i32
      %dma_wait3A_384 = tpu.memref_slice %arg10[%dma_wait3A_383] : memref<8x!tpu.dma_semaphore, #tpu.memory_space<semaphore_mem>> -> memref<1x!tpu.dma_semaphore, #tpu.memory_space<semaphore_mem>>
      %dma_wait3A_385 = tpu.memref_squeeze %dma_wait3A_384 : memref<1x!tpu.dma_semaphore, #tpu.memory_space<semaphore_mem>> -> memref<!tpu.dma_semaphore, #tpu.memory_space<semaphore_mem>>
      %dma_wait3A_386 = arith.constant 0 : i32
      %dma_wait3A_387 = arith.constant 0 : i32
      %dma_wait3A_388 = tpu.memref_slice %arg6[%dma_wait3A_382, %dma_wait3A_386, %dma_wait3A_387] : memref<8x512x256xf32, #tpu.memory_space<vmem>> -> memref<1x512x256xf32, #tpu.memory_space<vmem>>
      %dma_wait3A_389 = tpu.memref_squeeze %dma_wait3A_388 : memref<1x512x256xf32, #tpu.memory_space<vmem>> -> memref<512x256xf32, #tpu.memory_space<vmem>>
      %dma_wait3A_390 = arith.constant 0 : i32
      %dma_wait3A_391 = tpu.memref_slice %arg2[%mul3A_381, %dma_wait3A_390] : memref<16384x256xf32, #tpu.memory_space<any>> -> memref<512x256xf32, #tpu.memory_space<any>>
      tpu.wait_dma2 semaphore(%dma_wait3A_385 : memref<!tpu.dma_semaphore, #tpu.memory_space<semaphore_mem>>) src(%dma_wait3A_391 : memref<512x256xf32, #tpu.memory_space<any>>) dst(%dma_wait3A_389 : memref<512x256xf32, #tpu.memory_space<vmem>>)
      %gt3A = arith.constant 0 : i32
      %gt3A_392 = arith.cmpi sgt, %scan3A_365, %gt3A : i32
      %convert_element_type3A = arith.extui %gt3A_392 : i1 to i32
      %cond3A = arith.constant 0 : i32
      %cond3A_393 = arith.cmpi ne, %convert_element_type3A, %cond3A : i32
      scf.if %cond3A_393 {
        %sub3A_1110 = arith.constant 1 : i32
        %sub3A_1111 = arith.subi %scan3A_365, %sub3A_1110 : i32
        %mul3A_1112 = arith.constant 8 : i32
        %mul3A_1113 = arith.muli %sub3A_1111, %mul3A_1112 : i32
        %add3A_1114 = arith.constant 0 : i32
        %add3A_1115 = arith.addi %mul3A_1113, %add3A_1114 : i32
        %mul3A_1116 = arith.constant 512 : i32
        %mul3A_1117 = arith.muli %add3A_1115, %mul3A_1116 : i32
        %dma_wait3A_1118 = arith.constant 0 : i32
        %dma_wait3A_1119 = arith.constant 0 : i32
        %dma_wait3A_1120 = tpu.memref_slice %arg11[%dma_wait3A_1119] : memref<8x!tpu.dma_semaphore, #tpu.memory_space<semaphore_mem>> -> memref<1x!tpu.dma_semaphore, #tpu.memory_space<semaphore_mem>>
        %dma_wait3A_1121 = tpu.memref_squeeze %dma_wait3A_1120 : memref<1x!tpu.dma_semaphore, #tpu.memory_space<semaphore_mem>> -> memref<!tpu.dma_semaphore, #tpu.memory_space<semaphore_mem>>
        %dma_wait3A_1122 = arith.constant 0 : i32
        %dma_wait3A_1123 = tpu.memref_slice %arg3[%mul3A_1117, %dma_wait3A_1122] : memref<16384x256xf32, #tpu.memory_space<any>> -> memref<512x256xf32, #tpu.memory_space<any>>
        %dma_wait3A_1124 = arith.constant 0 : i32
        %dma_wait3A_1125 = arith.constant 0 : i32
        %dma_wait3A_1126 = tpu.memref_slice %arg7[%dma_wait3A_1118, %dma_wait3A_1124, %dma_wait3A_1125] : memref<8x512x256xf32, #tpu.memory_space<vmem>> -> memref<1x512x256xf32, #tpu.memory_space<vmem>>
        %dma_wait3A_1127 = tpu.memref_squeeze %dma_wait3A_1126 : memref<1x512x256xf32, #tpu.memory_space<vmem>> -> memref<512x256xf32, #tpu.memory_space<vmem>>
        tpu.wait_dma2 semaphore(%dma_wait3A_1121 : memref<!tpu.dma_semaphore, #tpu.memory_space<semaphore_mem>>) src(%dma_wait3A_1127 : memref<512x256xf32, #tpu.memory_space<vmem>>) dst(%dma_wait3A_1123 : memref<512x256xf32, #tpu.memory_space<any>>)
        %mul3A_1128 = arith.constant 512 : i32
        %mul3A_1129 = arith.muli %add3A_1115, %mul3A_1128 : i32
        %dma_wait3A_1130 = arith.constant 0 : i32
        %dma_wait3A_1131 = arith.constant 0 : i32
        %dma_wait3A_1132 = tpu.memref_slice %arg12[%dma_wait3A_1131] : memref<8x!tpu.dma_semaphore, #tpu.memory_space<semaphore_mem>> -> memref<1x!tpu.dma_semaphore, #tpu.memory_space<semaphore_mem>>
        %dma_wait3A_1133 = tpu.memref_squeeze %dma_wait3A_1132 : memref<1x!tpu.dma_semaphore, #tpu.memory_space<semaphore_mem>> -> memref<!tpu.dma_semaphore, #tpu.memory_space<semaphore_mem>>
        %dma_wait3A_1134 = arith.constant 0 : i32
        %dma_wait3A_1135 = tpu.memref_slice %arg4[%mul3A_1129, %dma_wait3A_1134] : memref<16384x256xf32, #tpu.memory_space<any>> -> memref<512x256xf32, #tpu.memory_space<any>>
        %dma_wait3A_1136 = arith.constant 0 : i32
        %dma_wait3A_1137 = arith.constant 0 : i32
        %dma_wait3A_1138 = tpu.memref_slice %arg8[%dma_wait3A_1130, %dma_wait3A_1136, %dma_wait3A_1137] : memref<8x512x256xf32, #tpu.memory_space<vmem>> -> memref<1x512x256xf32, #tpu.memory_space<vmem>>
        %dma_wait3A_1139 = tpu.memref_squeeze %dma_wait3A_1138 : memref<1x512x256xf32, #tpu.memory_space<vmem>> -> memref<512x256xf32, #tpu.memory_space<vmem>>
        tpu.wait_dma2 semaphore(%dma_wait3A_1133 : memref<!tpu.dma_semaphore, #tpu.memory_space<semaphore_mem>>) src(%dma_wait3A_1139 : memref<512x256xf32, #tpu.memory_space<vmem>>) dst(%dma_wait3A_1135 : memref<512x256xf32, #tpu.memory_space<any>>)
      } else {
      }
      %get3A_394 = arith.constant 0 : index
      %get3A_395 = arith.constant 0 : index
      %get3A_396 = arith.constant 0 : index
      %get3A_397 = vector.load %arg5[%get3A_394, %get3A_395, %get3A_396] : memref<8x512x256xf32, #tpu.memory_space<vmem>>, vector<1x512x256xf32>
      %get3A_398 = vector.shape_cast %get3A_397 : vector<1x512x256xf32> to vector<512x256xf32>
      %get3A_399 = arith.constant 0 : index
      %get3A_400 = arith.constant 0 : index
      %get3A_401 = arith.constant 0 : index
      %get3A_402 = vector.load %arg6[%get3A_399, %get3A_400, %get3A_401] : memref<8x512x256xf32, #tpu.memory_space<vmem>>, vector<1x512x256xf32>
      %get3A_403 = vector.shape_cast %get3A_402 : vector<1x512x256xf32> to vector<512x256xf32>
      %mul3A_404 = vector.broadcast %get3A_176 : vector<1x256xf32> to vector<512x256xf32>
      %mul3A_405 = arith.mulf %mul3A_404, %get3A_398 : vector<512x256xf32>
      %mul3A_406 = vector.broadcast %get3A_179 : vector<1x256xf32> to vector<512x256xf32>
      %mul3A_407 = arith.mulf %mul3A_406, %get3A_403 : vector<512x256xf32>
      %sub3A = arith.subf %mul3A_405, %mul3A_407 : vector<512x256xf32>
      %mul3A_408 = vector.broadcast %get3A_182 : vector<1x256xf32> to vector<512x256xf32>
      %mul3A_409 = arith.mulf %mul3A_408, %sub3A : vector<512x256xf32>
      %mul3A_410 = vector.broadcast %get3A_185 : vector<1x256xf32> to vector<512x256xf32>
      %mul3A_411 = arith.mulf %mul3A_410, %get3A_398 : vector<512x256xf32>
      %add3A_412 = arith.addf %mul3A_409, %mul3A_411 : vector<512x256xf32>
      %swap3A = arith.constant 0 : index
      %swap3A_413 = arith.constant 0 : index
      %swap3A_414 = arith.constant 0 : index
      %swap3A_415 = vector.load %arg7[%swap3A, %swap3A_413, %swap3A_414] : memref<8x512x256xf32, #tpu.memory_space<vmem>>, vector<1x512x256xf32>
      %swap3A_416 = vector.shape_cast %swap3A_415 : vector<1x512x256xf32> to vector<512x256xf32>
      %swap3A_417 = vector.shape_cast %sub3A : vector<512x256xf32> to vector<1x512x256xf32>
      tpu.vector_store %arg7[%swap3A, %swap3A_413, %swap3A_414], %swap3A_417 {strides = array<i32>} : memref<8x512x256xf32, #tpu.memory_space<vmem>>, vector<1x512x256xf32>,
      %swap3A_418 = arith.constant 0 : index
      %swap3A_419 = arith.constant 0 : index
      %swap3A_420 = arith.constant 0 : index
      %swap3A_421 = vector.load %arg8[%swap3A_418, %swap3A_419, %swap3A_420] : memref<8x512x256xf32, #tpu.memory_space<vmem>>, vector<1x512x256xf32>
      %swap3A_422 = vector.shape_cast %swap3A_421 : vector<1x512x256xf32> to vector<512x256xf32>
      %swap3A_423 = vector.shape_cast %add3A_412 : vector<512x256xf32> to vector<1x512x256xf32>
      tpu.vector_store %arg8[%swap3A_418, %swap3A_419, %swap3A_420], %swap3A_423 {strides = array<i32>} : memref<8x512x256xf32, #tpu.memory_space<vmem>>, vector<1x512x256xf32>,
      %mul3A_424 = arith.constant 512 : i32
      %mul3A_425 = arith.muli %add3A_367, %mul3A_424 : i32
      %dma_start3A_426 = arith.constant 0 : i32
      %dma_start3A_427 = arith.constant 0 : i32
      %dma_start3A_428 = tpu.memref_slice %arg11[%dma_start3A_427] : memref<8x!tpu.dma_semaphore, #tpu.memory_space<semaphore_mem>> -> memref<1x!tpu.dma_semaphore, #tpu.memory_space<semaphore_mem>>
      %dma_start3A_429 = tpu.memref_squeeze %dma_start3A_428 : memref<1x!tpu.dma_semaphore, #tpu.memory_space<semaphore_mem>> -> memref<!tpu.dma_semaphore, #tpu.memory_space<semaphore_mem>>
      %dma_start3A_430 = arith.constant 0 : i32
      %dma_start3A_431 = tpu.memref_slice %arg3[%mul3A_425, %dma_start3A_430] : memref<16384x256xf32, #tpu.memory_space<any>> -> memref<512x256xf32, #tpu.memory_space<any>>
      %dma_start3A_432 = arith.constant 0 : i32
      %dma_start3A_433 = arith.constant 0 : i32
      %dma_start3A_434 = tpu.memref_slice %arg7[%dma_start3A_426, %dma_start3A_432, %dma_start3A_433] : memref<8x512x256xf32, #tpu.memory_space<vmem>> -> memref<1x512x256xf32, #tpu.memory_space<vmem>>
      %dma_start3A_435 = tpu.memref_squeeze %dma_start3A_434 : memref<1x512x256xf32, #tpu.memory_space<vmem>> -> memref<512x256xf32, #tpu.memory_space<vmem>>
      tpu.enqueue_dma source(%dma_start3A_435 : memref<512x256xf32, #tpu.memory_space<vmem>>) target(%dma_start3A_431 : memref<512x256xf32, #tpu.memory_space<any>>) target_semaphore(%dma_start3A_429 : memref<!tpu.dma_semaphore, #tpu.memory_space<semaphore_mem>>)
      %mul3A_436 = arith.constant 512 : i32
      %mul3A_437 = arith.muli %add3A_367, %mul3A_436 : i32
      %dma_start3A_438 = arith.constant 0 : i32
      %dma_start3A_439 = arith.constant 0 : i32
      %dma_start3A_440 = tpu.memref_slice %arg12[%dma_start3A_439] : memref<8x!tpu.dma_semaphore, #tpu.memory_space<semaphore_mem>> -> memref<1x!tpu.dma_semaphore, #tpu.memory_space<semaphore_mem>>
      %dma_start3A_441 = tpu.memref_squeeze %dma_start3A_440 : memref<1x!tpu.dma_semaphore, #tpu.memory_space<semaphore_mem>> -> memref<!tpu.dma_semaphore, #tpu.memory_space<semaphore_mem>>
      %dma_start3A_442 = arith.constant 0 : i32
      %dma_start3A_443 = tpu.memref_slice %arg4[%mul3A_437, %dma_start3A_442] : memref<16384x256xf32, #tpu.memory_space<any>> -> memref<512x256xf32, #tpu.memory_space<any>>
      %dma_start3A_444 = arith.constant 0 : i32
      %dma_start3A_445 = arith.constant 0 : i32
      %dma_start3A_446 = tpu.memref_slice %arg8[%dma_start3A_438, %dma_start3A_444, %dma_start3A_445] : memref<8x512x256xf32, #tpu.memory_space<vmem>> -> memref<1x512x256xf32, #tpu.memory_space<vmem>>
      %dma_start3A_447 = tpu.memref_squeeze %dma_start3A_446 : memref<1x512x256xf32, #tpu.memory_space<vmem>> -> memref<512x256xf32, #tpu.memory_space<vmem>>
      tpu.enqueue_dma source(%dma_start3A_447 : memref<512x256xf32, #tpu.memory_space<vmem>>) target(%dma_start3A_443 : memref<512x256xf32, #tpu.memory_space<any>>) target_semaphore(%dma_start3A_441 : memref<!tpu.dma_semaphore, #tpu.memory_space<semaphore_mem>>)
      %lt3A = arith.constant 3 : i32
      %lt3A_448 = arith.cmpi slt, %scan3A_365, %lt3A : i32
      %convert_element_type3A_449 = arith.extui %lt3A_448 : i1 to i32
      %cond3A_450 = arith.constant 0 : i32
      %cond3A_451 = arith.cmpi ne, %convert_element_type3A_449, %cond3A_450 : i32
      scf.if %cond3A_451 {
        %add3A_1110 = arith.constant 1 : i32
        %add3A_1111 = arith.addi %scan3A_365, %add3A_1110 : i32
        %mul3A_1112 = arith.constant 8 : i32
        %mul3A_1113 = arith.muli %add3A_1111, %mul3A_1112 : i32
        %add3A_1114 = arith.constant 0 : i32
        %add3A_1115 = arith.addi %mul3A_1113, %add3A_1114 : i32
        %mul3A_1116 = arith.constant 512 : i32
        %mul3A_1117 = arith.muli %add3A_1115, %mul3A_1116 : i32
        %dma_start3A_1118 = arith.constant 0 : i32
        %dma_start3A_1119 = arith.constant 0 : i32
        %dma_start3A_1120 = tpu.memref_slice %arg9[%dma_start3A_1119] : memref<8x!tpu.dma_semaphore, #tpu.memory_space<semaphore_mem>> -> memref<1x!tpu.dma_semaphore, #tpu.memory_space<semaphore_mem>>
        %dma_start3A_1121 = tpu.memref_squeeze %dma_start3A_1120 : memref<1x!tpu.dma_semaphore, #tpu.memory_space<semaphore_mem>> -> memref<!tpu.dma_semaphore, #tpu.memory_space<semaphore_mem>>
        %dma_start3A_1122 = arith.constant 0 : i32
        %dma_start3A_1123 = arith.constant 0 : i32
        %dma_start3A_1124 = tpu.memref_slice %arg5[%dma_start3A_1118, %dma_start3A_1122, %dma_start3A_1123] : memref<8x512x256xf32, #tpu.memory_space<vmem>> -> memref<1x512x256xf32, #tpu.memory_space<vmem>>
        %dma_start3A_1125 = tpu.memref_squeeze %dma_start3A_1124 : memref<1x512x256xf32, #tpu.memory_space<vmem>> -> memref<512x256xf32, #tpu.memory_space<vmem>>
        %dma_start3A_1126 = arith.constant 0 : i32
        %dma_start3A_1127 = tpu.memref_slice %arg1[%mul3A_1117, %dma_start3A_1126] : memref<16384x256xf32, #tpu.memory_space<any>> -> memref<512x256xf32, #tpu.memory_space<any>>
        tpu.enqueue_dma source(%dma_start3A_1127 : memref<512x256xf32, #tpu.memory_space<any>>) target(%dma_start3A_1125 : memref<512x256xf32, #tpu.memory_space<vmem>>) target_semaphore(%dma_start3A_1121 : memref<!tpu.dma_semaphore, #tpu.memory_space<semaphore_mem>>)
        %mul3A_1128 = arith.constant 512 : i32
        %mul3A_1129 = arith.muli %add3A_1115, %mul3A_1128 : i32
        %dma_start3A_1130 = arith.constant 0 : i32
        %dma_start3A_1131 = arith.constant 0 : i32
        %dma_start3A_1132 = tpu.memref_slice %arg10[%dma_start3A_1131] : memref<8x!tpu.dma_semaphore, #tpu.memory_space<semaphore_mem>> -> memref<1x!tpu.dma_semaphore, #tpu.memory_space<semaphore_mem>>
        %dma_start3A_1133 = tpu.memref_squeeze %dma_start3A_1132 : memref<1x!tpu.dma_semaphore, #tpu.memory_space<semaphore_mem>> -> memref<!tpu.dma_semaphore, #tpu.memory_space<semaphore_mem>>
        %dma_start3A_1134 = arith.constant 0 : i32
        %dma_start3A_1135 = arith.constant 0 : i32
        %dma_start3A_1136 = tpu.memref_slice %arg6[%dma_start3A_1130, %dma_start3A_1134, %dma_start3A_1135] : memref<8x512x256xf32, #tpu.memory_space<vmem>> -> memref<1x512x256xf32, #tpu.memory_space<vmem>>
        %dma_start3A_1137 = tpu.memref_squeeze %dma_start3A_1136 : memref<1x512x256xf32, #tpu.memory_space<vmem>> -> memref<512x256xf32, #tpu.memory_space<vmem>>
        %dma_start3A_1138 = arith.constant 0 : i32
        %dma_start3A_1139 = tpu.memref_slice %arg2[%mul3A_1129, %dma_start3A_1138] : memref<16384x256xf32, #tpu.memory_space<any>> -> memref<512x256xf32, #tpu.memory_space<any>>
        tpu.enqueue_dma source(%dma_start3A_1139 : memref<512x256xf32, #tpu.memory_space<any>>) target(%dma_start3A_1137 : memref<512x256xf32, #tpu.memory_space<vmem>>) target_semaphore(%dma_start3A_1133 : memref<!tpu.dma_semaphore, #tpu.memory_space<semaphore_mem>>)
      } else {
      }
      %mul3A_452 = arith.constant 8 : i32
      %mul3A_453 = arith.muli %scan3A_365, %mul3A_452 : i32
      %add3A_454 = arith.constant 1 : i32
      %add3A_455 = arith.addi %mul3A_453, %add3A_454 : i32
      %mul3A_456 = arith.constant 512 : i32
      %mul3A_457 = arith.muli %add3A_455, %mul3A_456 : i32
      %dma_wait3A_458 = arith.constant 1 : i32
      %dma_wait3A_459 = arith.constant 1 : i32
      %dma_wait3A_460 = tpu.memref_slice %arg9[%dma_wait3A_459] : memref<8x!tpu.dma_semaphore, #tpu.memory_space<semaphore_mem>> -> memref<1x!tpu.dma_semaphore, #tpu.memory_space<semaphore_mem>>
      %dma_wait3A_461 = tpu.memref_squeeze %dma_wait3A_460 : memref<1x!tpu.dma_semaphore, #tpu.memory_space<semaphore_mem>> -> memref<!tpu.dma_semaphore, #tpu.memory_space<semaphore_mem>>
      %dma_wait3A_462 = arith.constant 0 : i32
      %dma_wait3A_463 = arith.constant 0 : i32
      %dma_wait3A_464 = tpu.memref_slice %arg5[%dma_wait3A_458, %dma_wait3A_462, %dma_wait3A_463] : memref<8x512x256xf32, #tpu.memory_space<vmem>> -> memref<1x512x256xf32, #tpu.memory_space<vmem>>
      %dma_wait3A_465 = tpu.memref_squeeze %dma_wait3A_464 : memref<1x512x256xf32, #tpu.memory_space<vmem>> -> memref<512x256xf32, #tpu.memory_space<vmem>>
      %dma_wait3A_466 = arith.constant 0 : i32
      %dma_wait3A_467 = tpu.memref_slice %arg1[%mul3A_457, %dma_wait3A_466] : memref<16384x256xf32, #tpu.memory_space<any>> -> memref<512x256xf32, #tpu.memory_space<any>>
      tpu.wait_dma2 semaphore(%dma_wait3A_461 : memref<!tpu.dma_semaphore, #tpu.memory_space<semaphore_mem>>) src(%dma_wait3A_467 : memref<512x256xf32, #tpu.memory_space<any>>) dst(%dma_wait3A_465 : memref<512x256xf32, #tpu.memory_space<vmem>>)
      %mul3A_468 = arith.constant 512 : i32
      %mul3A_469 = arith.muli %add3A_455, %mul3A_468 : i32
      %dma_wait3A_470 = arith.constant 1 : i32
      %dma_wait3A_471 = arith.constant 1 : i32
      %dma_wait3A_472 = tpu.memref_slice %arg10[%dma_wait3A_471] : memref<8x!tpu.dma_semaphore, #tpu.memory_space<semaphore_mem>> -> memref<1x!tpu.dma_semaphore, #tpu.memory_space<semaphore_mem>>
      %dma_wait3A_473 = tpu.memref_squeeze %dma_wait3A_472 : memref<1x!tpu.dma_semaphore, #tpu.memory_space<semaphore_mem>> -> memref<!tpu.dma_semaphore, #tpu.memory_space<semaphore_mem>>
      %dma_wait3A_474 = arith.constant 0 : i32
      %dma_wait3A_475 = arith.constant 0 : i32
      %dma_wait3A_476 = tpu.memref_slice %arg6[%dma_wait3A_470, %dma_wait3A_474, %dma_wait3A_475] : memref<8x512x256xf32, #tpu.memory_space<vmem>> -> memref<1x512x256xf32, #tpu.memory_space<vmem>>
      %dma_wait3A_477 = tpu.memref_squeeze %dma_wait3A_476 : memref<1x512x256xf32, #tpu.memory_space<vmem>> -> memref<512x256xf32, #tpu.memory_space<vmem>>
      %dma_wait3A_478 = arith.constant 0 : i32
      %dma_wait3A_479 = tpu.memref_slice %arg2[%mul3A_469, %dma_wait3A_478] : memref<16384x256xf32, #tpu.memory_space<any>> -> memref<512x256xf32, #tpu.memory_space<any>>
      tpu.wait_dma2 semaphore(%dma_wait3A_473 : memref<!tpu.dma_semaphore, #tpu.memory_space<semaphore_mem>>) src(%dma_wait3A_479 : memref<512x256xf32, #tpu.memory_space<any>>) dst(%dma_wait3A_477 : memref<512x256xf32, #tpu.memory_space<vmem>>)
      %gt3A_480 = arith.constant 0 : i32
      %gt3A_481 = arith.cmpi sgt, %scan3A_365, %gt3A_480 : i32
      %convert_element_type3A_482 = arith.extui %gt3A_481 : i1 to i32
      %cond3A_483 = arith.constant 0 : i32
      %cond3A_484 = arith.cmpi ne, %convert_element_type3A_482, %cond3A_483 : i32
      scf.if %cond3A_484 {
        %sub3A_1110 = arith.constant 1 : i32
        %sub3A_1111 = arith.subi %scan3A_365, %sub3A_1110 : i32
        %mul3A_1112 = arith.constant 8 : i32
        %mul3A_1113 = arith.muli %sub3A_1111, %mul3A_1112 : i32
        %add3A_1114 = arith.constant 1 : i32
        %add3A_1115 = arith.addi %mul3A_1113, %add3A_1114 : i32
        %mul3A_1116 = arith.constant 512 : i32
        %mul3A_1117 = arith.muli %add3A_1115, %mul3A_1116 : i32
        %dma_wait3A_1118 = arith.constant 1 : i32
        %dma_wait3A_1119 = arith.constant 1 : i32
        %dma_wait3A_1120 = tpu.memref_slice %arg11[%dma_wait3A_1119] : memref<8x!tpu.dma_semaphore, #tpu.memory_space<semaphore_mem>> -> memref<1x!tpu.dma_semaphore, #tpu.memory_space<semaphore_mem>>
        %dma_wait3A_1121 = tpu.memref_squeeze %dma_wait3A_1120 : memref<1x!tpu.dma_semaphore, #tpu.memory_space<semaphore_mem>> -> memref<!tpu.dma_semaphore, #tpu.memory_space<semaphore_mem>>
        %dma_wait3A_1122 = arith.constant 0 : i32
        %dma_wait3A_1123 = tpu.memref_slice %arg3[%mul3A_1117, %dma_wait3A_1122] : memref<16384x256xf32, #tpu.memory_space<any>> -> memref<512x256xf32, #tpu.memory_space<any>>
        %dma_wait3A_1124 = arith.constant 0 : i32
        %dma_wait3A_1125 = arith.constant 0 : i32
        %dma_wait3A_1126 = tpu.memref_slice %arg7[%dma_wait3A_1118, %dma_wait3A_1124, %dma_wait3A_1125] : memref<8x512x256xf32, #tpu.memory_space<vmem>> -> memref<1x512x256xf32, #tpu.memory_space<vmem>>
        %dma_wait3A_1127 = tpu.memref_squeeze %dma_wait3A_1126 : memref<1x512x256xf32, #tpu.memory_space<vmem>> -> memref<512x256xf32, #tpu.memory_space<vmem>>
        tpu.wait_dma2 semaphore(%dma_wait3A_1121 : memref<!tpu.dma_semaphore, #tpu.memory_space<semaphore_mem>>) src(%dma_wait3A_1127 : memref<512x256xf32, #tpu.memory_space<vmem>>) dst(%dma_wait3A_1123 : memref<512x256xf32, #tpu.memory_space<any>>)
        %mul3A_1128 = arith.constant 512 : i32
        %mul3A_1129 = arith.muli %add3A_1115, %mul3A_1128 : i32
        %dma_wait3A_1130 = arith.constant 1 : i32
        %dma_wait3A_1131 = arith.constant 1 : i32
        %dma_wait3A_1132 = tpu.memref_slice %arg12[%dma_wait3A_1131] : memref<8x!tpu.dma_semaphore, #tpu.memory_space<semaphore_mem>> -> memref<1x!tpu.dma_semaphore, #tpu.memory_space<semaphore_mem>>
        %dma_wait3A_1133 = tpu.memref_squeeze %dma_wait3A_1132 : memref<1x!tpu.dma_semaphore, #tpu.memory_space<semaphore_mem>> -> memref<!tpu.dma_semaphore, #tpu.memory_space<semaphore_mem>>
        %dma_wait3A_1134 = arith.constant 0 : i32
        %dma_wait3A_1135 = tpu.memref_slice %arg4[%mul3A_1129, %dma_wait3A_1134] : memref<16384x256xf32, #tpu.memory_space<any>> -> memref<512x256xf32, #tpu.memory_space<any>>
        %dma_wait3A_1136 = arith.constant 0 : i32
        %dma_wait3A_1137 = arith.constant 0 : i32
        %dma_wait3A_1138 = tpu.memref_slice %arg8[%dma_wait3A_1130, %dma_wait3A_1136, %dma_wait3A_1137] : memref<8x512x256xf32, #tpu.memory_space<vmem>> -> memref<1x512x256xf32, #tpu.memory_space<vmem>>
        %dma_wait3A_1139 = tpu.memref_squeeze %dma_wait3A_1138 : memref<1x512x256xf32, #tpu.memory_space<vmem>> -> memref<512x256xf32, #tpu.memory_space<vmem>>
        tpu.wait_dma2 semaphore(%dma_wait3A_1133 : memref<!tpu.dma_semaphore, #tpu.memory_space<semaphore_mem>>) src(%dma_wait3A_1139 : memref<512x256xf32, #tpu.memory_space<vmem>>) dst(%dma_wait3A_1135 : memref<512x256xf32, #tpu.memory_space<any>>)
      } else {
      }
      %get3A_485 = arith.constant 1 : index
      %get3A_486 = arith.constant 0 : index
      %get3A_487 = arith.constant 0 : index
      %get3A_488 = vector.load %arg5[%get3A_485, %get3A_486, %get3A_487] : memref<8x512x256xf32, #tpu.memory_space<vmem>>, vector<1x512x256xf32>
      %get3A_489 = vector.shape_cast %get3A_488 : vector<1x512x256xf32> to vector<512x256xf32>
      %get3A_490 = arith.constant 1 : index
      %get3A_491 = arith.constant 0 : index
      %get3A_492 = arith.constant 0 : index
      %get3A_493 = vector.load %arg6[%get3A_490, %get3A_491, %get3A_492] : memref<8x512x256xf32, #tpu.memory_space<vmem>>, vector<1x512x256xf32>
      %get3A_494 = vector.shape_cast %get3A_493 : vector<1x512x256xf32> to vector<512x256xf32>
      %mul3A_495 = vector.broadcast %get3A_176 : vector<1x256xf32> to vector<512x256xf32>
      %mul3A_496 = arith.mulf %mul3A_495, %get3A_489 : vector<512x256xf32>
      %mul3A_497 = vector.broadcast %get3A_179 : vector<1x256xf32> to vector<512x256xf32>
      %mul3A_498 = arith.mulf %mul3A_497, %get3A_494 : vector<512x256xf32>
      %sub3A_499 = arith.subf %mul3A_496, %mul3A_498 : vector<512x256xf32>
      %mul3A_500 = vector.broadcast %get3A_182 : vector<1x256xf32> to vector<512x256xf32>
      %mul3A_501 = arith.mulf %mul3A_500, %sub3A_499 : vector<512x256xf32>
      %mul3A_502 = vector.broadcast %get3A_185 : vector<1x256xf32> to vector<512x256xf32>
      %mul3A_503 = arith.mulf %mul3A_502, %get3A_489 : vector<512x256xf32>
      %add3A_504 = arith.addf %mul3A_501, %mul3A_503 : vector<512x256xf32>
      %swap3A_505 = arith.constant 1 : index
      %swap3A_506 = arith.constant 0 : index
      %swap3A_507 = arith.constant 0 : index
      %swap3A_508 = vector.load %arg7[%swap3A_505, %swap3A_506, %swap3A_507] : memref<8x512x256xf32, #tpu.memory_space<vmem>>, vector<1x512x256xf32>
      %swap3A_509 = vector.shape_cast %swap3A_508 : vector<1x512x256xf32> to vector<512x256xf32>
      %swap3A_510 = vector.shape_cast %sub3A_499 : vector<512x256xf32> to vector<1x512x256xf32>
      tpu.vector_store %arg7[%swap3A_505, %swap3A_506, %swap3A_507], %swap3A_510 {strides = array<i32>} : memref<8x512x256xf32, #tpu.memory_space<vmem>>, vector<1x512x256xf32>,
      %swap3A_511 = arith.constant 1 : index
      %swap3A_512 = arith.constant 0 : index
      %swap3A_513 = arith.constant 0 : index
      %swap3A_514 = vector.load %arg8[%swap3A_511, %swap3A_512, %swap3A_513] : memref<8x512x256xf32, #tpu.memory_space<vmem>>, vector<1x512x256xf32>
      %swap3A_515 = vector.shape_cast %swap3A_514 : vector<1x512x256xf32> to vector<512x256xf32>
      %swap3A_516 = vector.shape_cast %add3A_504 : vector<512x256xf32> to vector<1x512x256xf32>
      tpu.vector_store %arg8[%swap3A_511, %swap3A_512, %swap3A_513], %swap3A_516 {strides = array<i32>} : memref<8x512x256xf32, #tpu.memory_space<vmem>>, vector<1x512x256xf32>,
      %mul3A_517 = arith.constant 512 : i32
      %mul3A_518 = arith.muli %add3A_455, %mul3A_517 : i32
      %dma_start3A_519 = arith.constant 1 : i32
      %dma_start3A_520 = arith.constant 1 : i32
      %dma_start3A_521 = tpu.memref_slice %arg11[%dma_start3A_520] : memref<8x!tpu.dma_semaphore, #tpu.memory_space<semaphore_mem>> -> memref<1x!tpu.dma_semaphore, #tpu.memory_space<semaphore_mem>>
      %dma_start3A_522 = tpu.memref_squeeze %dma_start3A_521 : memref<1x!tpu.dma_semaphore, #tpu.memory_space<semaphore_mem>> -> memref<!tpu.dma_semaphore, #tpu.memory_space<semaphore_mem>>
      %dma_start3A_523 = arith.constant 0 : i32
      %dma_start3A_524 = tpu.memref_slice %arg3[%mul3A_518, %dma_start3A_523] : memref<16384x256xf32, #tpu.memory_space<any>> -> memref<512x256xf32, #tpu.memory_space<any>>
      %dma_start3A_525 = arith.constant 0 : i32
      %dma_start3A_526 = arith.constant 0 : i32
      %dma_start3A_527 = tpu.memref_slice %arg7[%dma_start3A_519, %dma_start3A_525, %dma_start3A_526] : memref<8x512x256xf32, #tpu.memory_space<vmem>> -> memref<1x512x256xf32, #tpu.memory_space<vmem>>
      %dma_start3A_528 = tpu.memref_squeeze %dma_start3A_527 : memref<1x512x256xf32, #tpu.memory_space<vmem>> -> memref<512x256xf32, #tpu.memory_space<vmem>>
      tpu.enqueue_dma source(%dma_start3A_528 : memref<512x256xf32, #tpu.memory_space<vmem>>) target(%dma_start3A_524 : memref<512x256xf32, #tpu.memory_space<any>>) target_semaphore(%dma_start3A_522 : memref<!tpu.dma_semaphore, #tpu.memory_space<semaphore_mem>>)
      %mul3A_529 = arith.constant 512 : i32
      %mul3A_530 = arith.muli %add3A_455, %mul3A_529 : i32
      %dma_start3A_531 = arith.constant 1 : i32
      %dma_start3A_532 = arith.constant 1 : i32
      %dma_start3A_533 = tpu.memref_slice %arg12[%dma_start3A_532] : memref<8x!tpu.dma_semaphore, #tpu.memory_space<semaphore_mem>> -> memref<1x!tpu.dma_semaphore, #tpu.memory_space<semaphore_mem>>
      %dma_start3A_534 = tpu.memref_squeeze %dma_start3A_533 : memref<1x!tpu.dma_semaphore, #tpu.memory_space<semaphore_mem>> -> memref<!tpu.dma_semaphore, #tpu.memory_space<semaphore_mem>>
      %dma_start3A_535 = arith.constant 0 : i32
      %dma_start3A_536 = tpu.memref_slice %arg4[%mul3A_530, %dma_start3A_535] : memref<16384x256xf32, #tpu.memory_space<any>> -> memref<512x256xf32, #tpu.memory_space<any>>
      %dma_start3A_537 = arith.constant 0 : i32
      %dma_start3A_538 = arith.constant 0 : i32
      %dma_start3A_539 = tpu.memref_slice %arg8[%dma_start3A_531, %dma_start3A_537, %dma_start3A_538] : memref<8x512x256xf32, #tpu.memory_space<vmem>> -> memref<1x512x256xf32, #tpu.memory_space<vmem>>
      %dma_start3A_540 = tpu.memref_squeeze %dma_start3A_539 : memref<1x512x256xf32, #tpu.memory_space<vmem>> -> memref<512x256xf32, #tpu.memory_space<vmem>>
      tpu.enqueue_dma source(%dma_start3A_540 : memref<512x256xf32, #tpu.memory_space<vmem>>) target(%dma_start3A_536 : memref<512x256xf32, #tpu.memory_space<any>>) target_semaphore(%dma_start3A_534 : memref<!tpu.dma_semaphore, #tpu.memory_space<semaphore_mem>>)
      %lt3A_541 = arith.constant 3 : i32
      %lt3A_542 = arith.cmpi slt, %scan3A_365, %lt3A_541 : i32
      %convert_element_type3A_543 = arith.extui %lt3A_542 : i1 to i32
      %cond3A_544 = arith.constant 0 : i32
      %cond3A_545 = arith.cmpi ne, %convert_element_type3A_543, %cond3A_544 : i32
      scf.if %cond3A_545 {
        %add3A_1110 = arith.constant 1 : i32
        %add3A_1111 = arith.addi %scan3A_365, %add3A_1110 : i32
        %mul3A_1112 = arith.constant 8 : i32
        %mul3A_1113 = arith.muli %add3A_1111, %mul3A_1112 : i32
        %add3A_1114 = arith.constant 1 : i32
        %add3A_1115 = arith.addi %mul3A_1113, %add3A_1114 : i32
        %mul3A_1116 = arith.constant 512 : i32
        %mul3A_1117 = arith.muli %add3A_1115, %mul3A_1116 : i32
        %dma_start3A_1118 = arith.constant 1 : i32
        %dma_start3A_1119 = arith.constant 1 : i32
        %dma_start3A_1120 = tpu.memref_slice %arg9[%dma_start3A_1119] : memref<8x!tpu.dma_semaphore, #tpu.memory_space<semaphore_mem>> -> memref<1x!tpu.dma_semaphore, #tpu.memory_space<semaphore_mem>>
        %dma_start3A_1121 = tpu.memref_squeeze %dma_start3A_1120 : memref<1x!tpu.dma_semaphore, #tpu.memory_space<semaphore_mem>> -> memref<!tpu.dma_semaphore, #tpu.memory_space<semaphore_mem>>
        %dma_start3A_1122 = arith.constant 0 : i32
        %dma_start3A_1123 = arith.constant 0 : i32
        %dma_start3A_1124 = tpu.memref_slice %arg5[%dma_start3A_1118, %dma_start3A_1122, %dma_start3A_1123] : memref<8x512x256xf32, #tpu.memory_space<vmem>> -> memref<1x512x256xf32, #tpu.memory_space<vmem>>
        %dma_start3A_1125 = tpu.memref_squeeze %dma_start3A_1124 : memref<1x512x256xf32, #tpu.memory_space<vmem>> -> memref<512x256xf32, #tpu.memory_space<vmem>>
        %dma_start3A_1126 = arith.constant 0 : i32
        %dma_start3A_1127 = tpu.memref_slice %arg1[%mul3A_1117, %dma_start3A_1126] : memref<16384x256xf32, #tpu.memory_space<any>> -> memref<512x256xf32, #tpu.memory_space<any>>
        tpu.enqueue_dma source(%dma_start3A_1127 : memref<512x256xf32, #tpu.memory_space<any>>) target(%dma_start3A_1125 : memref<512x256xf32, #tpu.memory_space<vmem>>) target_semaphore(%dma_start3A_1121 : memref<!tpu.dma_semaphore, #tpu.memory_space<semaphore_mem>>)
        %mul3A_1128 = arith.constant 512 : i32
        %mul3A_1129 = arith.muli %add3A_1115, %mul3A_1128 : i32
        %dma_start3A_1130 = arith.constant 1 : i32
        %dma_start3A_1131 = arith.constant 1 : i32
        %dma_start3A_1132 = tpu.memref_slice %arg10[%dma_start3A_1131] : memref<8x!tpu.dma_semaphore, #tpu.memory_space<semaphore_mem>> -> memref<1x!tpu.dma_semaphore, #tpu.memory_space<semaphore_mem>>
        %dma_start3A_1133 = tpu.memref_squeeze %dma_start3A_1132 : memref<1x!tpu.dma_semaphore, #tpu.memory_space<semaphore_mem>> -> memref<!tpu.dma_semaphore, #tpu.memory_space<semaphore_mem>>
        %dma_start3A_1134 = arith.constant 0 : i32
        %dma_start3A_1135 = arith.constant 0 : i32
        %dma_start3A_1136 = tpu.memref_slice %arg6[%dma_start3A_1130, %dma_start3A_1134, %dma_start3A_1135] : memref<8x512x256xf32, #tpu.memory_space<vmem>> -> memref<1x512x256xf32, #tpu.memory_space<vmem>>
        %dma_start3A_1137 = tpu.memref_squeeze %dma_start3A_1136 : memref<1x512x256xf32, #tpu.memory_space<vmem>> -> memref<512x256xf32, #tpu.memory_space<vmem>>
        %dma_start3A_1138 = arith.constant 0 : i32
        %dma_start3A_1139 = tpu.memref_slice %arg2[%mul3A_1129, %dma_start3A_1138] : memref<16384x256xf32, #tpu.memory_space<any>> -> memref<512x256xf32, #tpu.memory_space<any>>
        tpu.enqueue_dma source(%dma_start3A_1139 : memref<512x256xf32, #tpu.memory_space<any>>) target(%dma_start3A_1137 : memref<512x256xf32, #tpu.memory_space<vmem>>) target_semaphore(%dma_start3A_1133 : memref<!tpu.dma_semaphore, #tpu.memory_space<semaphore_mem>>)
      } else {
      }
      %mul3A_546 = arith.constant 8 : i32
      %mul3A_547 = arith.muli %scan3A_365, %mul3A_546 : i32
      %add3A_548 = arith.constant 2 : i32
      %add3A_549 = arith.addi %mul3A_547, %add3A_548 : i32
      %mul3A_550 = arith.constant 512 : i32
      %mul3A_551 = arith.muli %add3A_549, %mul3A_550 : i32
      %dma_wait3A_552 = arith.constant 2 : i32
      %dma_wait3A_553 = arith.constant 2 : i32
      %dma_wait3A_554 = tpu.memref_slice %arg9[%dma_wait3A_553] : memref<8x!tpu.dma_semaphore, #tpu.memory_space<semaphore_mem>> -> memref<1x!tpu.dma_semaphore, #tpu.memory_space<semaphore_mem>>
      %dma_wait3A_555 = tpu.memref_squeeze %dma_wait3A_554 : memref<1x!tpu.dma_semaphore, #tpu.memory_space<semaphore_mem>> -> memref<!tpu.dma_semaphore, #tpu.memory_space<semaphore_mem>>
      %dma_wait3A_556 = arith.constant 0 : i32
      %dma_wait3A_557 = arith.constant 0 : i32
      %dma_wait3A_558 = tpu.memref_slice %arg5[%dma_wait3A_552, %dma_wait3A_556, %dma_wait3A_557] : memref<8x512x256xf32, #tpu.memory_space<vmem>> -> memref<1x512x256xf32, #tpu.memory_space<vmem>>
      %dma_wait3A_559 = tpu.memref_squeeze %dma_wait3A_558 : memref<1x512x256xf32, #tpu.memory_space<vmem>> -> memref<512x256xf32, #tpu.memory_space<vmem>>
      %dma_wait3A_560 = arith.constant 0 : i32
      %dma_wait3A_561 = tpu.memref_slice %arg1[%mul3A_551, %dma_wait3A_560] : memref<16384x256xf32, #tpu.memory_space<any>> -> memref<512x256xf32, #tpu.memory_space<any>>
      tpu.wait_dma2 semaphore(%dma_wait3A_555 : memref<!tpu.dma_semaphore, #tpu.memory_space<semaphore_mem>>) src(%dma_wait3A_561 : memref<512x256xf32, #tpu.memory_space<any>>) dst(%dma_wait3A_559 : memref<512x256xf32, #tpu.memory_space<vmem>>)
      %mul3A_562 = arith.constant 512 : i32
      %mul3A_563 = arith.muli %add3A_549, %mul3A_562 : i32
      %dma_wait3A_564 = arith.constant 2 : i32
      %dma_wait3A_565 = arith.constant 2 : i32
      %dma_wait3A_566 = tpu.memref_slice %arg10[%dma_wait3A_565] : memref<8x!tpu.dma_semaphore, #tpu.memory_space<semaphore_mem>> -> memref<1x!tpu.dma_semaphore, #tpu.memory_space<semaphore_mem>>
      %dma_wait3A_567 = tpu.memref_squeeze %dma_wait3A_566 : memref<1x!tpu.dma_semaphore, #tpu.memory_space<semaphore_mem>> -> memref<!tpu.dma_semaphore, #tpu.memory_space<semaphore_mem>>
      %dma_wait3A_568 = arith.constant 0 : i32
      %dma_wait3A_569 = arith.constant 0 : i32
      %dma_wait3A_570 = tpu.memref_slice %arg6[%dma_wait3A_564, %dma_wait3A_568, %dma_wait3A_569] : memref<8x512x256xf32, #tpu.memory_space<vmem>> -> memref<1x512x256xf32, #tpu.memory_space<vmem>>
      %dma_wait3A_571 = tpu.memref_squeeze %dma_wait3A_570 : memref<1x512x256xf32, #tpu.memory_space<vmem>> -> memref<512x256xf32, #tpu.memory_space<vmem>>
      %dma_wait3A_572 = arith.constant 0 : i32
      %dma_wait3A_573 = tpu.memref_slice %arg2[%mul3A_563, %dma_wait3A_572] : memref<16384x256xf32, #tpu.memory_space<any>> -> memref<512x256xf32, #tpu.memory_space<any>>
      tpu.wait_dma2 semaphore(%dma_wait3A_567 : memref<!tpu.dma_semaphore, #tpu.memory_space<semaphore_mem>>) src(%dma_wait3A_573 : memref<512x256xf32, #tpu.memory_space<any>>) dst(%dma_wait3A_571 : memref<512x256xf32, #tpu.memory_space<vmem>>)
      %gt3A_574 = arith.constant 0 : i32
      %gt3A_575 = arith.cmpi sgt, %scan3A_365, %gt3A_574 : i32
      %convert_element_type3A_576 = arith.extui %gt3A_575 : i1 to i32
      %cond3A_577 = arith.constant 0 : i32
      %cond3A_578 = arith.cmpi ne, %convert_element_type3A_576, %cond3A_577 : i32
      scf.if %cond3A_578 {
        %sub3A_1110 = arith.constant 1 : i32
        %sub3A_1111 = arith.subi %scan3A_365, %sub3A_1110 : i32
        %mul3A_1112 = arith.constant 8 : i32
        %mul3A_1113 = arith.muli %sub3A_1111, %mul3A_1112 : i32
        %add3A_1114 = arith.constant 2 : i32
        %add3A_1115 = arith.addi %mul3A_1113, %add3A_1114 : i32
        %mul3A_1116 = arith.constant 512 : i32
        %mul3A_1117 = arith.muli %add3A_1115, %mul3A_1116 : i32
        %dma_wait3A_1118 = arith.constant 2 : i32
        %dma_wait3A_1119 = arith.constant 2 : i32
        %dma_wait3A_1120 = tpu.memref_slice %arg11[%dma_wait3A_1119] : memref<8x!tpu.dma_semaphore, #tpu.memory_space<semaphore_mem>> -> memref<1x!tpu.dma_semaphore, #tpu.memory_space<semaphore_mem>>
        %dma_wait3A_1121 = tpu.memref_squeeze %dma_wait3A_1120 : memref<1x!tpu.dma_semaphore, #tpu.memory_space<semaphore_mem>> -> memref<!tpu.dma_semaphore, #tpu.memory_space<semaphore_mem>>
        %dma_wait3A_1122 = arith.constant 0 : i32
        %dma_wait3A_1123 = tpu.memref_slice %arg3[%mul3A_1117, %dma_wait3A_1122] : memref<16384x256xf32, #tpu.memory_space<any>> -> memref<512x256xf32, #tpu.memory_space<any>>
        %dma_wait3A_1124 = arith.constant 0 : i32
        %dma_wait3A_1125 = arith.constant 0 : i32
        %dma_wait3A_1126 = tpu.memref_slice %arg7[%dma_wait3A_1118, %dma_wait3A_1124, %dma_wait3A_1125] : memref<8x512x256xf32, #tpu.memory_space<vmem>> -> memref<1x512x256xf32, #tpu.memory_space<vmem>>
        %dma_wait3A_1127 = tpu.memref_squeeze %dma_wait3A_1126 : memref<1x512x256xf32, #tpu.memory_space<vmem>> -> memref<512x256xf32, #tpu.memory_space<vmem>>
        tpu.wait_dma2 semaphore(%dma_wait3A_1121 : memref<!tpu.dma_semaphore, #tpu.memory_space<semaphore_mem>>) src(%dma_wait3A_1127 : memref<512x256xf32, #tpu.memory_space<vmem>>) dst(%dma_wait3A_1123 : memref<512x256xf32, #tpu.memory_space<any>>)
        %mul3A_1128 = arith.constant 512 : i32
        %mul3A_1129 = arith.muli %add3A_1115, %mul3A_1128 : i32
        %dma_wait3A_1130 = arith.constant 2 : i32
        %dma_wait3A_1131 = arith.constant 2 : i32
        %dma_wait3A_1132 = tpu.memref_slice %arg12[%dma_wait3A_1131] : memref<8x!tpu.dma_semaphore, #tpu.memory_space<semaphore_mem>> -> memref<1x!tpu.dma_semaphore, #tpu.memory_space<semaphore_mem>>
        %dma_wait3A_1133 = tpu.memref_squeeze %dma_wait3A_1132 : memref<1x!tpu.dma_semaphore, #tpu.memory_space<semaphore_mem>> -> memref<!tpu.dma_semaphore, #tpu.memory_space<semaphore_mem>>
        %dma_wait3A_1134 = arith.constant 0 : i32
        %dma_wait3A_1135 = tpu.memref_slice %arg4[%mul3A_1129, %dma_wait3A_1134] : memref<16384x256xf32, #tpu.memory_space<any>> -> memref<512x256xf32, #tpu.memory_space<any>>
        %dma_wait3A_1136 = arith.constant 0 : i32
        %dma_wait3A_1137 = arith.constant 0 : i32
        %dma_wait3A_1138 = tpu.memref_slice %arg8[%dma_wait3A_1130, %dma_wait3A_1136, %dma_wait3A_1137] : memref<8x512x256xf32, #tpu.memory_space<vmem>> -> memref<1x512x256xf32, #tpu.memory_space<vmem>>
        %dma_wait3A_1139 = tpu.memref_squeeze %dma_wait3A_1138 : memref<1x512x256xf32, #tpu.memory_space<vmem>> -> memref<512x256xf32, #tpu.memory_space<vmem>>
        tpu.wait_dma2 semaphore(%dma_wait3A_1133 : memref<!tpu.dma_semaphore, #tpu.memory_space<semaphore_mem>>) src(%dma_wait3A_1139 : memref<512x256xf32, #tpu.memory_space<vmem>>) dst(%dma_wait3A_1135 : memref<512x256xf32, #tpu.memory_space<any>>)
      } else {
      }
      %get3A_579 = arith.constant 2 : index
      %get3A_580 = arith.constant 0 : index
      %get3A_581 = arith.constant 0 : index
      %get3A_582 = vector.load %arg5[%get3A_579, %get3A_580, %get3A_581] : memref<8x512x256xf32, #tpu.memory_space<vmem>>, vector<1x512x256xf32>
      %get3A_583 = vector.shape_cast %get3A_582 : vector<1x512x256xf32> to vector<512x256xf32>
      %get3A_584 = arith.constant 2 : index
      %get3A_585 = arith.constant 0 : index
      %get3A_586 = arith.constant 0 : index
      %get3A_587 = vector.load %arg6[%get3A_584, %get3A_585, %get3A_586] : memref<8x512x256xf32, #tpu.memory_space<vmem>>, vector<1x512x256xf32>
      %get3A_588 = vector.shape_cast %get3A_587 : vector<1x512x256xf32> to vector<512x256xf32>
      %mul3A_589 = vector.broadcast %get3A_176 : vector<1x256xf32> to vector<512x256xf32>
      %mul3A_590 = arith.mulf %mul3A_589, %get3A_583 : vector<512x256xf32>
      %mul3A_591 = vector.broadcast %get3A_179 : vector<1x256xf32> to vector<512x256xf32>
      %mul3A_592 = arith.mulf %mul3A_591, %get3A_588 : vector<512x256xf32>
      %sub3A_593 = arith.subf %mul3A_590, %mul3A_592 : vector<512x256xf32>
      %mul3A_594 = vector.broadcast %get3A_182 : vector<1x256xf32> to vector<512x256xf32>
      %mul3A_595 = arith.mulf %mul3A_594, %sub3A_593 : vector<512x256xf32>
      %mul3A_596 = vector.broadcast %get3A_185 : vector<1x256xf32> to vector<512x256xf32>
      %mul3A_597 = arith.mulf %mul3A_596, %get3A_583 : vector<512x256xf32>
      %add3A_598 = arith.addf %mul3A_595, %mul3A_597 : vector<512x256xf32>
      %swap3A_599 = arith.constant 2 : index
      %swap3A_600 = arith.constant 0 : index
      %swap3A_601 = arith.constant 0 : index
      %swap3A_602 = vector.load %arg7[%swap3A_599, %swap3A_600, %swap3A_601] : memref<8x512x256xf32, #tpu.memory_space<vmem>>, vector<1x512x256xf32>
      %swap3A_603 = vector.shape_cast %swap3A_602 : vector<1x512x256xf32> to vector<512x256xf32>
      %swap3A_604 = vector.shape_cast %sub3A_593 : vector<512x256xf32> to vector<1x512x256xf32>
      tpu.vector_store %arg7[%swap3A_599, %swap3A_600, %swap3A_601], %swap3A_604 {strides = array<i32>} : memref<8x512x256xf32, #tpu.memory_space<vmem>>, vector<1x512x256xf32>,
      %swap3A_605 = arith.constant 2 : index
      %swap3A_606 = arith.constant 0 : index
      %swap3A_607 = arith.constant 0 : index
      %swap3A_608 = vector.load %arg8[%swap3A_605, %swap3A_606, %swap3A_607] : memref<8x512x256xf32, #tpu.memory_space<vmem>>, vector<1x512x256xf32>
      %swap3A_609 = vector.shape_cast %swap3A_608 : vector<1x512x256xf32> to vector<512x256xf32>
      %swap3A_610 = vector.shape_cast %add3A_598 : vector<512x256xf32> to vector<1x512x256xf32>
      tpu.vector_store %arg8[%swap3A_605, %swap3A_606, %swap3A_607], %swap3A_610 {strides = array<i32>} : memref<8x512x256xf32, #tpu.memory_space<vmem>>, vector<1x512x256xf32>,
      %mul3A_611 = arith.constant 512 : i32
      %mul3A_612 = arith.muli %add3A_549, %mul3A_611 : i32
      %dma_start3A_613 = arith.constant 2 : i32
      %dma_start3A_614 = arith.constant 2 : i32
      %dma_start3A_615 = tpu.memref_slice %arg11[%dma_start3A_614] : memref<8x!tpu.dma_semaphore, #tpu.memory_space<semaphore_mem>> -> memref<1x!tpu.dma_semaphore, #tpu.memory_space<semaphore_mem>>
      %dma_start3A_616 = tpu.memref_squeeze %dma_start3A_615 : memref<1x!tpu.dma_semaphore, #tpu.memory_space<semaphore_mem>> -> memref<!tpu.dma_semaphore, #tpu.memory_space<semaphore_mem>>
      %dma_start3A_617 = arith.constant 0 : i32
      %dma_start3A_618 = tpu.memref_slice %arg3[%mul3A_612, %dma_start3A_617] : memref<16384x256xf32, #tpu.memory_space<any>> -> memref<512x256xf32, #tpu.memory_space<any>>
      %dma_start3A_619 = arith.constant 0 : i32
      %dma_start3A_620 = arith.constant 0 : i32
      %dma_start3A_621 = tpu.memref_slice %arg7[%dma_start3A_613, %dma_start3A_619, %dma_start3A_620] : memref<8x512x256xf32, #tpu.memory_space<vmem>> -> memref<1x512x256xf32, #tpu.memory_space<vmem>>
      %dma_start3A_622 = tpu.memref_squeeze %dma_start3A_621 : memref<1x512x256xf32, #tpu.memory_space<vmem>> -> memref<512x256xf32, #tpu.memory_space<vmem>>
      tpu.enqueue_dma source(%dma_start3A_622 : memref<512x256xf32, #tpu.memory_space<vmem>>) target(%dma_start3A_618 : memref<512x256xf32, #tpu.memory_space<any>>) target_semaphore(%dma_start3A_616 : memref<!tpu.dma_semaphore, #tpu.memory_space<semaphore_mem>>)
      %mul3A_623 = arith.constant 512 : i32
      %mul3A_624 = arith.muli %add3A_549, %mul3A_623 : i32
      %dma_start3A_625 = arith.constant 2 : i32
      %dma_start3A_626 = arith.constant 2 : i32
      %dma_start3A_627 = tpu.memref_slice %arg12[%dma_start3A_626] : memref<8x!tpu.dma_semaphore, #tpu.memory_space<semaphore_mem>> -> memref<1x!tpu.dma_semaphore, #tpu.memory_space<semaphore_mem>>
      %dma_start3A_628 = tpu.memref_squeeze %dma_start3A_627 : memref<1x!tpu.dma_semaphore, #tpu.memory_space<semaphore_mem>> -> memref<!tpu.dma_semaphore, #tpu.memory_space<semaphore_mem>>
      %dma_start3A_629 = arith.constant 0 : i32
      %dma_start3A_630 = tpu.memref_slice %arg4[%mul3A_624, %dma_start3A_629] : memref<16384x256xf32, #tpu.memory_space<any>> -> memref<512x256xf32, #tpu.memory_space<any>>
      %dma_start3A_631 = arith.constant 0 : i32
      %dma_start3A_632 = arith.constant 0 : i32
      %dma_start3A_633 = tpu.memref_slice %arg8[%dma_start3A_625, %dma_start3A_631, %dma_start3A_632] : memref<8x512x256xf32, #tpu.memory_space<vmem>> -> memref<1x512x256xf32, #tpu.memory_space<vmem>>
      %dma_start3A_634 = tpu.memref_squeeze %dma_start3A_633 : memref<1x512x256xf32, #tpu.memory_space<vmem>> -> memref<512x256xf32, #tpu.memory_space<vmem>>
      tpu.enqueue_dma source(%dma_start3A_634 : memref<512x256xf32, #tpu.memory_space<vmem>>) target(%dma_start3A_630 : memref<512x256xf32, #tpu.memory_space<any>>) target_semaphore(%dma_start3A_628 : memref<!tpu.dma_semaphore, #tpu.memory_space<semaphore_mem>>)
      %lt3A_635 = arith.constant 3 : i32
      %lt3A_636 = arith.cmpi slt, %scan3A_365, %lt3A_635 : i32
      %convert_element_type3A_637 = arith.extui %lt3A_636 : i1 to i32
      %cond3A_638 = arith.constant 0 : i32
      %cond3A_639 = arith.cmpi ne, %convert_element_type3A_637, %cond3A_638 : i32
      scf.if %cond3A_639 {
        %add3A_1110 = arith.constant 1 : i32
        %add3A_1111 = arith.addi %scan3A_365, %add3A_1110 : i32
        %mul3A_1112 = arith.constant 8 : i32
        %mul3A_1113 = arith.muli %add3A_1111, %mul3A_1112 : i32
        %add3A_1114 = arith.constant 2 : i32
        %add3A_1115 = arith.addi %mul3A_1113, %add3A_1114 : i32
        %mul3A_1116 = arith.constant 512 : i32
        %mul3A_1117 = arith.muli %add3A_1115, %mul3A_1116 : i32
        %dma_start3A_1118 = arith.constant 2 : i32
        %dma_start3A_1119 = arith.constant 2 : i32
        %dma_start3A_1120 = tpu.memref_slice %arg9[%dma_start3A_1119] : memref<8x!tpu.dma_semaphore, #tpu.memory_space<semaphore_mem>> -> memref<1x!tpu.dma_semaphore, #tpu.memory_space<semaphore_mem>>
        %dma_start3A_1121 = tpu.memref_squeeze %dma_start3A_1120 : memref<1x!tpu.dma_semaphore, #tpu.memory_space<semaphore_mem>> -> memref<!tpu.dma_semaphore, #tpu.memory_space<semaphore_mem>>
        %dma_start3A_1122 = arith.constant 0 : i32
        %dma_start3A_1123 = arith.constant 0 : i32
        %dma_start3A_1124 = tpu.memref_slice %arg5[%dma_start3A_1118, %dma_start3A_1122, %dma_start3A_1123] : memref<8x512x256xf32, #tpu.memory_space<vmem>> -> memref<1x512x256xf32, #tpu.memory_space<vmem>>
        %dma_start3A_1125 = tpu.memref_squeeze %dma_start3A_1124 : memref<1x512x256xf32, #tpu.memory_space<vmem>> -> memref<512x256xf32, #tpu.memory_space<vmem>>
        %dma_start3A_1126 = arith.constant 0 : i32
        %dma_start3A_1127 = tpu.memref_slice %arg1[%mul3A_1117, %dma_start3A_1126] : memref<16384x256xf32, #tpu.memory_space<any>> -> memref<512x256xf32, #tpu.memory_space<any>>
        tpu.enqueue_dma source(%dma_start3A_1127 : memref<512x256xf32, #tpu.memory_space<any>>) target(%dma_start3A_1125 : memref<512x256xf32, #tpu.memory_space<vmem>>) target_semaphore(%dma_start3A_1121 : memref<!tpu.dma_semaphore, #tpu.memory_space<semaphore_mem>>)
        %mul3A_1128 = arith.constant 512 : i32
        %mul3A_1129 = arith.muli %add3A_1115, %mul3A_1128 : i32
        %dma_start3A_1130 = arith.constant 2 : i32
        %dma_start3A_1131 = arith.constant 2 : i32
        %dma_start3A_1132 = tpu.memref_slice %arg10[%dma_start3A_1131] : memref<8x!tpu.dma_semaphore, #tpu.memory_space<semaphore_mem>> -> memref<1x!tpu.dma_semaphore, #tpu.memory_space<semaphore_mem>>
        %dma_start3A_1133 = tpu.memref_squeeze %dma_start3A_1132 : memref<1x!tpu.dma_semaphore, #tpu.memory_space<semaphore_mem>> -> memref<!tpu.dma_semaphore, #tpu.memory_space<semaphore_mem>>
        %dma_start3A_1134 = arith.constant 0 : i32
        %dma_start3A_1135 = arith.constant 0 : i32
        %dma_start3A_1136 = tpu.memref_slice %arg6[%dma_start3A_1130, %dma_start3A_1134, %dma_start3A_1135] : memref<8x512x256xf32, #tpu.memory_space<vmem>> -> memref<1x512x256xf32, #tpu.memory_space<vmem>>
        %dma_start3A_1137 = tpu.memref_squeeze %dma_start3A_1136 : memref<1x512x256xf32, #tpu.memory_space<vmem>> -> memref<512x256xf32, #tpu.memory_space<vmem>>
        %dma_start3A_1138 = arith.constant 0 : i32
        %dma_start3A_1139 = tpu.memref_slice %arg2[%mul3A_1129, %dma_start3A_1138] : memref<16384x256xf32, #tpu.memory_space<any>> -> memref<512x256xf32, #tpu.memory_space<any>>
        tpu.enqueue_dma source(%dma_start3A_1139 : memref<512x256xf32, #tpu.memory_space<any>>) target(%dma_start3A_1137 : memref<512x256xf32, #tpu.memory_space<vmem>>) target_semaphore(%dma_start3A_1133 : memref<!tpu.dma_semaphore, #tpu.memory_space<semaphore_mem>>)
      } else {
      }
      %mul3A_640 = arith.constant 8 : i32
      %mul3A_641 = arith.muli %scan3A_365, %mul3A_640 : i32
      %add3A_642 = arith.constant 3 : i32
      %add3A_643 = arith.addi %mul3A_641, %add3A_642 : i32
      %mul3A_644 = arith.constant 512 : i32
      %mul3A_645 = arith.muli %add3A_643, %mul3A_644 : i32
      %dma_wait3A_646 = arith.constant 3 : i32
      %dma_wait3A_647 = arith.constant 3 : i32
      %dma_wait3A_648 = tpu.memref_slice %arg9[%dma_wait3A_647] : memref<8x!tpu.dma_semaphore, #tpu.memory_space<semaphore_mem>> -> memref<1x!tpu.dma_semaphore, #tpu.memory_space<semaphore_mem>>
      %dma_wait3A_649 = tpu.memref_squeeze %dma_wait3A_648 : memref<1x!tpu.dma_semaphore, #tpu.memory_space<semaphore_mem>> -> memref<!tpu.dma_semaphore, #tpu.memory_space<semaphore_mem>>
      %dma_wait3A_650 = arith.constant 0 : i32
      %dma_wait3A_651 = arith.constant 0 : i32
      %dma_wait3A_652 = tpu.memref_slice %arg5[%dma_wait3A_646, %dma_wait3A_650, %dma_wait3A_651] : memref<8x512x256xf32, #tpu.memory_space<vmem>> -> memref<1x512x256xf32, #tpu.memory_space<vmem>>
      %dma_wait3A_653 = tpu.memref_squeeze %dma_wait3A_652 : memref<1x512x256xf32, #tpu.memory_space<vmem>> -> memref<512x256xf32, #tpu.memory_space<vmem>>
      %dma_wait3A_654 = arith.constant 0 : i32
      %dma_wait3A_655 = tpu.memref_slice %arg1[%mul3A_645, %dma_wait3A_654] : memref<16384x256xf32, #tpu.memory_space<any>> -> memref<512x256xf32, #tpu.memory_space<any>>
      tpu.wait_dma2 semaphore(%dma_wait3A_649 : memref<!tpu.dma_semaphore, #tpu.memory_space<semaphore_mem>>) src(%dma_wait3A_655 : memref<512x256xf32, #tpu.memory_space<any>>) dst(%dma_wait3A_653 : memref<512x256xf32, #tpu.memory_space<vmem>>)
      %mul3A_656 = arith.constant 512 : i32
      %mul3A_657 = arith.muli %add3A_643, %mul3A_656 : i32
      %dma_wait3A_658 = arith.constant 3 : i32
      %dma_wait3A_659 = arith.constant 3 : i32
      %dma_wait3A_660 = tpu.memref_slice %arg10[%dma_wait3A_659] : memref<8x!tpu.dma_semaphore, #tpu.memory_space<semaphore_mem>> -> memref<1x!tpu.dma_semaphore, #tpu.memory_space<semaphore_mem>>
      %dma_wait3A_661 = tpu.memref_squeeze %dma_wait3A_660 : memref<1x!tpu.dma_semaphore, #tpu.memory_space<semaphore_mem>> -> memref<!tpu.dma_semaphore, #tpu.memory_space<semaphore_mem>>
      %dma_wait3A_662 = arith.constant 0 : i32
      %dma_wait3A_663 = arith.constant 0 : i32
      %dma_wait3A_664 = tpu.memref_slice %arg6[%dma_wait3A_658, %dma_wait3A_662, %dma_wait3A_663] : memref<8x512x256xf32, #tpu.memory_space<vmem>> -> memref<1x512x256xf32, #tpu.memory_space<vmem>>
      %dma_wait3A_665 = tpu.memref_squeeze %dma_wait3A_664 : memref<1x512x256xf32, #tpu.memory_space<vmem>> -> memref<512x256xf32, #tpu.memory_space<vmem>>
      %dma_wait3A_666 = arith.constant 0 : i32
      %dma_wait3A_667 = tpu.memref_slice %arg2[%mul3A_657, %dma_wait3A_666] : memref<16384x256xf32, #tpu.memory_space<any>> -> memref<512x256xf32, #tpu.memory_space<any>>
      tpu.wait_dma2 semaphore(%dma_wait3A_661 : memref<!tpu.dma_semaphore, #tpu.memory_space<semaphore_mem>>) src(%dma_wait3A_667 : memref<512x256xf32, #tpu.memory_space<any>>) dst(%dma_wait3A_665 : memref<512x256xf32, #tpu.memory_space<vmem>>)
      %gt3A_668 = arith.constant 0 : i32
      %gt3A_669 = arith.cmpi sgt, %scan3A_365, %gt3A_668 : i32
      %convert_element_type3A_670 = arith.extui %gt3A_669 : i1 to i32
      %cond3A_671 = arith.constant 0 : i32
      %cond3A_672 = arith.cmpi ne, %convert_element_type3A_670, %cond3A_671 : i32
      scf.if %cond3A_672 {
        %sub3A_1110 = arith.constant 1 : i32
        %sub3A_1111 = arith.subi %scan3A_365, %sub3A_1110 : i32
        %mul3A_1112 = arith.constant 8 : i32
        %mul3A_1113 = arith.muli %sub3A_1111, %mul3A_1112 : i32
        %add3A_1114 = arith.constant 3 : i32
        %add3A_1115 = arith.addi %mul3A_1113, %add3A_1114 : i32
        %mul3A_1116 = arith.constant 512 : i32
        %mul3A_1117 = arith.muli %add3A_1115, %mul3A_1116 : i32
        %dma_wait3A_1118 = arith.constant 3 : i32
        %dma_wait3A_1119 = arith.constant 3 : i32
        %dma_wait3A_1120 = tpu.memref_slice %arg11[%dma_wait3A_1119] : memref<8x!tpu.dma_semaphore, #tpu.memory_space<semaphore_mem>> -> memref<1x!tpu.dma_semaphore, #tpu.memory_space<semaphore_mem>>
        %dma_wait3A_1121 = tpu.memref_squeeze %dma_wait3A_1120 : memref<1x!tpu.dma_semaphore, #tpu.memory_space<semaphore_mem>> -> memref<!tpu.dma_semaphore, #tpu.memory_space<semaphore_mem>>
        %dma_wait3A_1122 = arith.constant 0 : i32
        %dma_wait3A_1123 = tpu.memref_slice %arg3[%mul3A_1117, %dma_wait3A_1122] : memref<16384x256xf32, #tpu.memory_space<any>> -> memref<512x256xf32, #tpu.memory_space<any>>
        %dma_wait3A_1124 = arith.constant 0 : i32
        %dma_wait3A_1125 = arith.constant 0 : i32
        %dma_wait3A_1126 = tpu.memref_slice %arg7[%dma_wait3A_1118, %dma_wait3A_1124, %dma_wait3A_1125] : memref<8x512x256xf32, #tpu.memory_space<vmem>> -> memref<1x512x256xf32, #tpu.memory_space<vmem>>
        %dma_wait3A_1127 = tpu.memref_squeeze %dma_wait3A_1126 : memref<1x512x256xf32, #tpu.memory_space<vmem>> -> memref<512x256xf32, #tpu.memory_space<vmem>>
        tpu.wait_dma2 semaphore(%dma_wait3A_1121 : memref<!tpu.dma_semaphore, #tpu.memory_space<semaphore_mem>>) src(%dma_wait3A_1127 : memref<512x256xf32, #tpu.memory_space<vmem>>) dst(%dma_wait3A_1123 : memref<512x256xf32, #tpu.memory_space<any>>)
        %mul3A_1128 = arith.constant 512 : i32
        %mul3A_1129 = arith.muli %add3A_1115, %mul3A_1128 : i32
        %dma_wait3A_1130 = arith.constant 3 : i32
        %dma_wait3A_1131 = arith.constant 3 : i32
        %dma_wait3A_1132 = tpu.memref_slice %arg12[%dma_wait3A_1131] : memref<8x!tpu.dma_semaphore, #tpu.memory_space<semaphore_mem>> -> memref<1x!tpu.dma_semaphore, #tpu.memory_space<semaphore_mem>>
        %dma_wait3A_1133 = tpu.memref_squeeze %dma_wait3A_1132 : memref<1x!tpu.dma_semaphore, #tpu.memory_space<semaphore_mem>> -> memref<!tpu.dma_semaphore, #tpu.memory_space<semaphore_mem>>
        %dma_wait3A_1134 = arith.constant 0 : i32
        %dma_wait3A_1135 = tpu.memref_slice %arg4[%mul3A_1129, %dma_wait3A_1134] : memref<16384x256xf32, #tpu.memory_space<any>> -> memref<512x256xf32, #tpu.memory_space<any>>
        %dma_wait3A_1136 = arith.constant 0 : i32
        %dma_wait3A_1137 = arith.constant 0 : i32
        %dma_wait3A_1138 = tpu.memref_slice %arg8[%dma_wait3A_1130, %dma_wait3A_1136, %dma_wait3A_1137] : memref<8x512x256xf32, #tpu.memory_space<vmem>> -> memref<1x512x256xf32, #tpu.memory_space<vmem>>
        %dma_wait3A_1139 = tpu.memref_squeeze %dma_wait3A_1138 : memref<1x512x256xf32, #tpu.memory_space<vmem>> -> memref<512x256xf32, #tpu.memory_space<vmem>>
        tpu.wait_dma2 semaphore(%dma_wait3A_1133 : memref<!tpu.dma_semaphore, #tpu.memory_space<semaphore_mem>>) src(%dma_wait3A_1139 : memref<512x256xf32, #tpu.memory_space<vmem>>) dst(%dma_wait3A_1135 : memref<512x256xf32, #tpu.memory_space<any>>)
      } else {
      }
      %get3A_673 = arith.constant 3 : index
      %get3A_674 = arith.constant 0 : index
      %get3A_675 = arith.constant 0 : index
      %get3A_676 = vector.load %arg5[%get3A_673, %get3A_674, %get3A_675] : memref<8x512x256xf32, #tpu.memory_space<vmem>>, vector<1x512x256xf32>
      %get3A_677 = vector.shape_cast %get3A_676 : vector<1x512x256xf32> to vector<512x256xf32>
      %get3A_678 = arith.constant 3 : index
      %get3A_679 = arith.constant 0 : index
      %get3A_680 = arith.constant 0 : index
      %get3A_681 = vector.load %arg6[%get3A_678, %get3A_679, %get3A_680] : memref<8x512x256xf32, #tpu.memory_space<vmem>>, vector<1x512x256xf32>
      %get3A_682 = vector.shape_cast %get3A_681 : vector<1x512x256xf32> to vector<512x256xf32>
      %mul3A_683 = vector.broadcast %get3A_176 : vector<1x256xf32> to vector<512x256xf32>
      %mul3A_684 = arith.mulf %mul3A_683, %get3A_677 : vector<512x256xf32>
      %mul3A_685 = vector.broadcast %get3A_179 : vector<1x256xf32> to vector<512x256xf32>
      %mul3A_686 = arith.mulf %mul3A_685, %get3A_682 : vector<512x256xf32>
      %sub3A_687 = arith.subf %mul3A_684, %mul3A_686 : vector<512x256xf32>
      %mul3A_688 = vector.broadcast %get3A_182 : vector<1x256xf32> to vector<512x256xf32>
      %mul3A_689 = arith.mulf %mul3A_688, %sub3A_687 : vector<512x256xf32>
      %mul3A_690 = vector.broadcast %get3A_185 : vector<1x256xf32> to vector<512x256xf32>
      %mul3A_691 = arith.mulf %mul3A_690, %get3A_677 : vector<512x256xf32>
      %add3A_692 = arith.addf %mul3A_689, %mul3A_691 : vector<512x256xf32>
      %swap3A_693 = arith.constant 3 : index
      %swap3A_694 = arith.constant 0 : index
      %swap3A_695 = arith.constant 0 : index
      %swap3A_696 = vector.load %arg7[%swap3A_693, %swap3A_694, %swap3A_695] : memref<8x512x256xf32, #tpu.memory_space<vmem>>, vector<1x512x256xf32>
      %swap3A_697 = vector.shape_cast %swap3A_696 : vector<1x512x256xf32> to vector<512x256xf32>
      %swap3A_698 = vector.shape_cast %sub3A_687 : vector<512x256xf32> to vector<1x512x256xf32>
      tpu.vector_store %arg7[%swap3A_693, %swap3A_694, %swap3A_695], %swap3A_698 {strides = array<i32>} : memref<8x512x256xf32, #tpu.memory_space<vmem>>, vector<1x512x256xf32>,
      %swap3A_699 = arith.constant 3 : index
      %swap3A_700 = arith.constant 0 : index
      %swap3A_701 = arith.constant 0 : index
      %swap3A_702 = vector.load %arg8[%swap3A_699, %swap3A_700, %swap3A_701] : memref<8x512x256xf32, #tpu.memory_space<vmem>>, vector<1x512x256xf32>
      %swap3A_703 = vector.shape_cast %swap3A_702 : vector<1x512x256xf32> to vector<512x256xf32>
      %swap3A_704 = vector.shape_cast %add3A_692 : vector<512x256xf32> to vector<1x512x256xf32>
      tpu.vector_store %arg8[%swap3A_699, %swap3A_700, %swap3A_701], %swap3A_704 {strides = array<i32>} : memref<8x512x256xf32, #tpu.memory_space<vmem>>, vector<1x512x256xf32>,
      %mul3A_705 = arith.constant 512 : i32
      %mul3A_706 = arith.muli %add3A_643, %mul3A_705 : i32
      %dma_start3A_707 = arith.constant 3 : i32
      %dma_start3A_708 = arith.constant 3 : i32
      %dma_start3A_709 = tpu.memref_slice %arg11[%dma_start3A_708] : memref<8x!tpu.dma_semaphore, #tpu.memory_space<semaphore_mem>> -> memref<1x!tpu.dma_semaphore, #tpu.memory_space<semaphore_mem>>
      %dma_start3A_710 = tpu.memref_squeeze %dma_start3A_709 : memref<1x!tpu.dma_semaphore, #tpu.memory_space<semaphore_mem>> -> memref<!tpu.dma_semaphore, #tpu.memory_space<semaphore_mem>>
      %dma_start3A_711 = arith.constant 0 : i32
      %dma_start3A_712 = tpu.memref_slice %arg3[%mul3A_706, %dma_start3A_711] : memref<16384x256xf32, #tpu.memory_space<any>> -> memref<512x256xf32, #tpu.memory_space<any>>
      %dma_start3A_713 = arith.constant 0 : i32
      %dma_start3A_714 = arith.constant 0 : i32
      %dma_start3A_715 = tpu.memref_slice %arg7[%dma_start3A_707, %dma_start3A_713, %dma_start3A_714] : memref<8x512x256xf32, #tpu.memory_space<vmem>> -> memref<1x512x256xf32, #tpu.memory_space<vmem>>
      %dma_start3A_716 = tpu.memref_squeeze %dma_start3A_715 : memref<1x512x256xf32, #tpu.memory_space<vmem>> -> memref<512x256xf32, #tpu.memory_space<vmem>>
      tpu.enqueue_dma source(%dma_start3A_716 : memref<512x256xf32, #tpu.memory_space<vmem>>) target(%dma_start3A_712 : memref<512x256xf32, #tpu.memory_space<any>>) target_semaphore(%dma_start3A_710 : memref<!tpu.dma_semaphore, #tpu.memory_space<semaphore_mem>>)
      %mul3A_717 = arith.constant 512 : i32
      %mul3A_718 = arith.muli %add3A_643, %mul3A_717 : i32
      %dma_start3A_719 = arith.constant 3 : i32
      %dma_start3A_720 = arith.constant 3 : i32
      %dma_start3A_721 = tpu.memref_slice %arg12[%dma_start3A_720] : memref<8x!tpu.dma_semaphore, #tpu.memory_space<semaphore_mem>> -> memref<1x!tpu.dma_semaphore, #tpu.memory_space<semaphore_mem>>
      %dma_start3A_722 = tpu.memref_squeeze %dma_start3A_721 : memref<1x!tpu.dma_semaphore, #tpu.memory_space<semaphore_mem>> -> memref<!tpu.dma_semaphore, #tpu.memory_space<semaphore_mem>>
      %dma_start3A_723 = arith.constant 0 : i32
      %dma_start3A_724 = tpu.memref_slice %arg4[%mul3A_718, %dma_start3A_723] : memref<16384x256xf32, #tpu.memory_space<any>> -> memref<512x256xf32, #tpu.memory_space<any>>
      %dma_start3A_725 = arith.constant 0 : i32
      %dma_start3A_726 = arith.constant 0 : i32
      %dma_start3A_727 = tpu.memref_slice %arg8[%dma_start3A_719, %dma_start3A_725, %dma_start3A_726] : memref<8x512x256xf32, #tpu.memory_space<vmem>> -> memref<1x512x256xf32, #tpu.memory_space<vmem>>
      %dma_start3A_728 = tpu.memref_squeeze %dma_start3A_727 : memref<1x512x256xf32, #tpu.memory_space<vmem>> -> memref<512x256xf32, #tpu.memory_space<vmem>>
      tpu.enqueue_dma source(%dma_start3A_728 : memref<512x256xf32, #tpu.memory_space<vmem>>) target(%dma_start3A_724 : memref<512x256xf32, #tpu.memory_space<any>>) target_semaphore(%dma_start3A_722 : memref<!tpu.dma_semaphore, #tpu.memory_space<semaphore_mem>>)
      %lt3A_729 = arith.constant 3 : i32
      %lt3A_730 = arith.cmpi slt, %scan3A_365, %lt3A_729 : i32
      %convert_element_type3A_731 = arith.extui %lt3A_730 : i1 to i32
      %cond3A_732 = arith.constant 0 : i32
      %cond3A_733 = arith.cmpi ne, %convert_element_type3A_731, %cond3A_732 : i32
      scf.if %cond3A_733 {
        %add3A_1110 = arith.constant 1 : i32
        %add3A_1111 = arith.addi %scan3A_365, %add3A_1110 : i32
        %mul3A_1112 = arith.constant 8 : i32
        %mul3A_1113 = arith.muli %add3A_1111, %mul3A_1112 : i32
        %add3A_1114 = arith.constant 3 : i32
        %add3A_1115 = arith.addi %mul3A_1113, %add3A_1114 : i32
        %mul3A_1116 = arith.constant 512 : i32
        %mul3A_1117 = arith.muli %add3A_1115, %mul3A_1116 : i32
        %dma_start3A_1118 = arith.constant 3 : i32
        %dma_start3A_1119 = arith.constant 3 : i32
        %dma_start3A_1120 = tpu.memref_slice %arg9[%dma_start3A_1119] : memref<8x!tpu.dma_semaphore, #tpu.memory_space<semaphore_mem>> -> memref<1x!tpu.dma_semaphore, #tpu.memory_space<semaphore_mem>>
        %dma_start3A_1121 = tpu.memref_squeeze %dma_start3A_1120 : memref<1x!tpu.dma_semaphore, #tpu.memory_space<semaphore_mem>> -> memref<!tpu.dma_semaphore, #tpu.memory_space<semaphore_mem>>
        %dma_start3A_1122 = arith.constant 0 : i32
        %dma_start3A_1123 = arith.constant 0 : i32
        %dma_start3A_1124 = tpu.memref_slice %arg5[%dma_start3A_1118, %dma_start3A_1122, %dma_start3A_1123] : memref<8x512x256xf32, #tpu.memory_space<vmem>> -> memref<1x512x256xf32, #tpu.memory_space<vmem>>
        %dma_start3A_1125 = tpu.memref_squeeze %dma_start3A_1124 : memref<1x512x256xf32, #tpu.memory_space<vmem>> -> memref<512x256xf32, #tpu.memory_space<vmem>>
        %dma_start3A_1126 = arith.constant 0 : i32
        %dma_start3A_1127 = tpu.memref_slice %arg1[%mul3A_1117, %dma_start3A_1126] : memref<16384x256xf32, #tpu.memory_space<any>> -> memref<512x256xf32, #tpu.memory_space<any>>
        tpu.enqueue_dma source(%dma_start3A_1127 : memref<512x256xf32, #tpu.memory_space<any>>) target(%dma_start3A_1125 : memref<512x256xf32, #tpu.memory_space<vmem>>) target_semaphore(%dma_start3A_1121 : memref<!tpu.dma_semaphore, #tpu.memory_space<semaphore_mem>>)
        %mul3A_1128 = arith.constant 512 : i32
        %mul3A_1129 = arith.muli %add3A_1115, %mul3A_1128 : i32
        %dma_start3A_1130 = arith.constant 3 : i32
        %dma_start3A_1131 = arith.constant 3 : i32
        %dma_start3A_1132 = tpu.memref_slice %arg10[%dma_start3A_1131] : memref<8x!tpu.dma_semaphore, #tpu.memory_space<semaphore_mem>> -> memref<1x!tpu.dma_semaphore, #tpu.memory_space<semaphore_mem>>
        %dma_start3A_1133 = tpu.memref_squeeze %dma_start3A_1132 : memref<1x!tpu.dma_semaphore, #tpu.memory_space<semaphore_mem>> -> memref<!tpu.dma_semaphore, #tpu.memory_space<semaphore_mem>>
        %dma_start3A_1134 = arith.constant 0 : i32
        %dma_start3A_1135 = arith.constant 0 : i32
        %dma_start3A_1136 = tpu.memref_slice %arg6[%dma_start3A_1130, %dma_start3A_1134, %dma_start3A_1135] : memref<8x512x256xf32, #tpu.memory_space<vmem>> -> memref<1x512x256xf32, #tpu.memory_space<vmem>>
        %dma_start3A_1137 = tpu.memref_squeeze %dma_start3A_1136 : memref<1x512x256xf32, #tpu.memory_space<vmem>> -> memref<512x256xf32, #tpu.memory_space<vmem>>
        %dma_start3A_1138 = arith.constant 0 : i32
        %dma_start3A_1139 = tpu.memref_slice %arg2[%mul3A_1129, %dma_start3A_1138] : memref<16384x256xf32, #tpu.memory_space<any>> -> memref<512x256xf32, #tpu.memory_space<any>>
        tpu.enqueue_dma source(%dma_start3A_1139 : memref<512x256xf32, #tpu.memory_space<any>>) target(%dma_start3A_1137 : memref<512x256xf32, #tpu.memory_space<vmem>>) target_semaphore(%dma_start3A_1133 : memref<!tpu.dma_semaphore, #tpu.memory_space<semaphore_mem>>)
      } else {
      }
      %mul3A_734 = arith.constant 8 : i32
      %mul3A_735 = arith.muli %scan3A_365, %mul3A_734 : i32
      %add3A_736 = arith.constant 4 : i32
      %add3A_737 = arith.addi %mul3A_735, %add3A_736 : i32
      %mul3A_738 = arith.constant 512 : i32
      %mul3A_739 = arith.muli %add3A_737, %mul3A_738 : i32
      %dma_wait3A_740 = arith.constant 4 : i32
      %dma_wait3A_741 = arith.constant 4 : i32
      %dma_wait3A_742 = tpu.memref_slice %arg9[%dma_wait3A_741] : memref<8x!tpu.dma_semaphore, #tpu.memory_space<semaphore_mem>> -> memref<1x!tpu.dma_semaphore, #tpu.memory_space<semaphore_mem>>
      %dma_wait3A_743 = tpu.memref_squeeze %dma_wait3A_742 : memref<1x!tpu.dma_semaphore, #tpu.memory_space<semaphore_mem>> -> memref<!tpu.dma_semaphore, #tpu.memory_space<semaphore_mem>>
      %dma_wait3A_744 = arith.constant 0 : i32
      %dma_wait3A_745 = arith.constant 0 : i32
      %dma_wait3A_746 = tpu.memref_slice %arg5[%dma_wait3A_740, %dma_wait3A_744, %dma_wait3A_745] : memref<8x512x256xf32, #tpu.memory_space<vmem>> -> memref<1x512x256xf32, #tpu.memory_space<vmem>>
      %dma_wait3A_747 = tpu.memref_squeeze %dma_wait3A_746 : memref<1x512x256xf32, #tpu.memory_space<vmem>> -> memref<512x256xf32, #tpu.memory_space<vmem>>
      %dma_wait3A_748 = arith.constant 0 : i32
      %dma_wait3A_749 = tpu.memref_slice %arg1[%mul3A_739, %dma_wait3A_748] : memref<16384x256xf32, #tpu.memory_space<any>> -> memref<512x256xf32, #tpu.memory_space<any>>
      tpu.wait_dma2 semaphore(%dma_wait3A_743 : memref<!tpu.dma_semaphore, #tpu.memory_space<semaphore_mem>>) src(%dma_wait3A_749 : memref<512x256xf32, #tpu.memory_space<any>>) dst(%dma_wait3A_747 : memref<512x256xf32, #tpu.memory_space<vmem>>)
      %mul3A_750 = arith.constant 512 : i32
      %mul3A_751 = arith.muli %add3A_737, %mul3A_750 : i32
      %dma_wait3A_752 = arith.constant 4 : i32
      %dma_wait3A_753 = arith.constant 4 : i32
      %dma_wait3A_754 = tpu.memref_slice %arg10[%dma_wait3A_753] : memref<8x!tpu.dma_semaphore, #tpu.memory_space<semaphore_mem>> -> memref<1x!tpu.dma_semaphore, #tpu.memory_space<semaphore_mem>>
      %dma_wait3A_755 = tpu.memref_squeeze %dma_wait3A_754 : memref<1x!tpu.dma_semaphore, #tpu.memory_space<semaphore_mem>> -> memref<!tpu.dma_semaphore, #tpu.memory_space<semaphore_mem>>
      %dma_wait3A_756 = arith.constant 0 : i32
      %dma_wait3A_757 = arith.constant 0 : i32
      %dma_wait3A_758 = tpu.memref_slice %arg6[%dma_wait3A_752, %dma_wait3A_756, %dma_wait3A_757] : memref<8x512x256xf32, #tpu.memory_space<vmem>> -> memref<1x512x256xf32, #tpu.memory_space<vmem>>
      %dma_wait3A_759 = tpu.memref_squeeze %dma_wait3A_758 : memref<1x512x256xf32, #tpu.memory_space<vmem>> -> memref<512x256xf32, #tpu.memory_space<vmem>>
      %dma_wait3A_760 = arith.constant 0 : i32
      %dma_wait3A_761 = tpu.memref_slice %arg2[%mul3A_751, %dma_wait3A_760] : memref<16384x256xf32, #tpu.memory_space<any>> -> memref<512x256xf32, #tpu.memory_space<any>>
      tpu.wait_dma2 semaphore(%dma_wait3A_755 : memref<!tpu.dma_semaphore, #tpu.memory_space<semaphore_mem>>) src(%dma_wait3A_761 : memref<512x256xf32, #tpu.memory_space<any>>) dst(%dma_wait3A_759 : memref<512x256xf32, #tpu.memory_space<vmem>>)
      %gt3A_762 = arith.constant 0 : i32
      %gt3A_763 = arith.cmpi sgt, %scan3A_365, %gt3A_762 : i32
      %convert_element_type3A_764 = arith.extui %gt3A_763 : i1 to i32
      %cond3A_765 = arith.constant 0 : i32
      %cond3A_766 = arith.cmpi ne, %convert_element_type3A_764, %cond3A_765 : i32
      scf.if %cond3A_766 {
        %sub3A_1110 = arith.constant 1 : i32
        %sub3A_1111 = arith.subi %scan3A_365, %sub3A_1110 : i32
        %mul3A_1112 = arith.constant 8 : i32
        %mul3A_1113 = arith.muli %sub3A_1111, %mul3A_1112 : i32
        %add3A_1114 = arith.constant 4 : i32
        %add3A_1115 = arith.addi %mul3A_1113, %add3A_1114 : i32
        %mul3A_1116 = arith.constant 512 : i32
        %mul3A_1117 = arith.muli %add3A_1115, %mul3A_1116 : i32
        %dma_wait3A_1118 = arith.constant 4 : i32
        %dma_wait3A_1119 = arith.constant 4 : i32
        %dma_wait3A_1120 = tpu.memref_slice %arg11[%dma_wait3A_1119] : memref<8x!tpu.dma_semaphore, #tpu.memory_space<semaphore_mem>> -> memref<1x!tpu.dma_semaphore, #tpu.memory_space<semaphore_mem>>
        %dma_wait3A_1121 = tpu.memref_squeeze %dma_wait3A_1120 : memref<1x!tpu.dma_semaphore, #tpu.memory_space<semaphore_mem>> -> memref<!tpu.dma_semaphore, #tpu.memory_space<semaphore_mem>>
        %dma_wait3A_1122 = arith.constant 0 : i32
        %dma_wait3A_1123 = tpu.memref_slice %arg3[%mul3A_1117, %dma_wait3A_1122] : memref<16384x256xf32, #tpu.memory_space<any>> -> memref<512x256xf32, #tpu.memory_space<any>>
        %dma_wait3A_1124 = arith.constant 0 : i32
        %dma_wait3A_1125 = arith.constant 0 : i32
        %dma_wait3A_1126 = tpu.memref_slice %arg7[%dma_wait3A_1118, %dma_wait3A_1124, %dma_wait3A_1125] : memref<8x512x256xf32, #tpu.memory_space<vmem>> -> memref<1x512x256xf32, #tpu.memory_space<vmem>>
        %dma_wait3A_1127 = tpu.memref_squeeze %dma_wait3A_1126 : memref<1x512x256xf32, #tpu.memory_space<vmem>> -> memref<512x256xf32, #tpu.memory_space<vmem>>
        tpu.wait_dma2 semaphore(%dma_wait3A_1121 : memref<!tpu.dma_semaphore, #tpu.memory_space<semaphore_mem>>) src(%dma_wait3A_1127 : memref<512x256xf32, #tpu.memory_space<vmem>>) dst(%dma_wait3A_1123 : memref<512x256xf32, #tpu.memory_space<any>>)
        %mul3A_1128 = arith.constant 512 : i32
        %mul3A_1129 = arith.muli %add3A_1115, %mul3A_1128 : i32
        %dma_wait3A_1130 = arith.constant 4 : i32
        %dma_wait3A_1131 = arith.constant 4 : i32
        %dma_wait3A_1132 = tpu.memref_slice %arg12[%dma_wait3A_1131] : memref<8x!tpu.dma_semaphore, #tpu.memory_space<semaphore_mem>> -> memref<1x!tpu.dma_semaphore, #tpu.memory_space<semaphore_mem>>
        %dma_wait3A_1133 = tpu.memref_squeeze %dma_wait3A_1132 : memref<1x!tpu.dma_semaphore, #tpu.memory_space<semaphore_mem>> -> memref<!tpu.dma_semaphore, #tpu.memory_space<semaphore_mem>>
        %dma_wait3A_1134 = arith.constant 0 : i32
        %dma_wait3A_1135 = tpu.memref_slice %arg4[%mul3A_1129, %dma_wait3A_1134] : memref<16384x256xf32, #tpu.memory_space<any>> -> memref<512x256xf32, #tpu.memory_space<any>>
        %dma_wait3A_1136 = arith.constant 0 : i32
        %dma_wait3A_1137 = arith.constant 0 : i32
        %dma_wait3A_1138 = tpu.memref_slice %arg8[%dma_wait3A_1130, %dma_wait3A_1136, %dma_wait3A_1137] : memref<8x512x256xf32, #tpu.memory_space<vmem>> -> memref<1x512x256xf32, #tpu.memory_space<vmem>>
        %dma_wait3A_1139 = tpu.memref_squeeze %dma_wait3A_1138 : memref<1x512x256xf32, #tpu.memory_space<vmem>> -> memref<512x256xf32, #tpu.memory_space<vmem>>
        tpu.wait_dma2 semaphore(%dma_wait3A_1133 : memref<!tpu.dma_semaphore, #tpu.memory_space<semaphore_mem>>) src(%dma_wait3A_1139 : memref<512x256xf32, #tpu.memory_space<vmem>>) dst(%dma_wait3A_1135 : memref<512x256xf32, #tpu.memory_space<any>>)
      } else {
      }
      %get3A_767 = arith.constant 4 : index
      %get3A_768 = arith.constant 0 : index
      %get3A_769 = arith.constant 0 : index
      %get3A_770 = vector.load %arg5[%get3A_767, %get3A_768, %get3A_769] : memref<8x512x256xf32, #tpu.memory_space<vmem>>, vector<1x512x256xf32>
      %get3A_771 = vector.shape_cast %get3A_770 : vector<1x512x256xf32> to vector<512x256xf32>
      %get3A_772 = arith.constant 4 : index
      %get3A_773 = arith.constant 0 : index
      %get3A_774 = arith.constant 0 : index
      %get3A_775 = vector.load %arg6[%get3A_772, %get3A_773, %get3A_774] : memref<8x512x256xf32, #tpu.memory_space<vmem>>, vector<1x512x256xf32>
      %get3A_776 = vector.shape_cast %get3A_775 : vector<1x512x256xf32> to vector<512x256xf32>
      %mul3A_777 = vector.broadcast %get3A_176 : vector<1x256xf32> to vector<512x256xf32>
      %mul3A_778 = arith.mulf %mul3A_777, %get3A_771 : vector<512x256xf32>
      %mul3A_779 = vector.broadcast %get3A_179 : vector<1x256xf32> to vector<512x256xf32>
      %mul3A_780 = arith.mulf %mul3A_779, %get3A_776 : vector<512x256xf32>
      %sub3A_781 = arith.subf %mul3A_778, %mul3A_780 : vector<512x256xf32>
      %mul3A_782 = vector.broadcast %get3A_182 : vector<1x256xf32> to vector<512x256xf32>
      %mul3A_783 = arith.mulf %mul3A_782, %sub3A_781 : vector<512x256xf32>
      %mul3A_784 = vector.broadcast %get3A_185 : vector<1x256xf32> to vector<512x256xf32>
      %mul3A_785 = arith.mulf %mul3A_784, %get3A_771 : vector<512x256xf32>
      %add3A_786 = arith.addf %mul3A_783, %mul3A_785 : vector<512x256xf32>
      %swap3A_787 = arith.constant 4 : index
      %swap3A_788 = arith.constant 0 : index
      %swap3A_789 = arith.constant 0 : index
      %swap3A_790 = vector.load %arg7[%swap3A_787, %swap3A_788, %swap3A_789] : memref<8x512x256xf32, #tpu.memory_space<vmem>>, vector<1x512x256xf32>
      %swap3A_791 = vector.shape_cast %swap3A_790 : vector<1x512x256xf32> to vector<512x256xf32>
      %swap3A_792 = vector.shape_cast %sub3A_781 : vector<512x256xf32> to vector<1x512x256xf32>
      tpu.vector_store %arg7[%swap3A_787, %swap3A_788, %swap3A_789], %swap3A_792 {strides = array<i32>} : memref<8x512x256xf32, #tpu.memory_space<vmem>>, vector<1x512x256xf32>,
      %swap3A_793 = arith.constant 4 : index
      %swap3A_794 = arith.constant 0 : index
      %swap3A_795 = arith.constant 0 : index
      %swap3A_796 = vector.load %arg8[%swap3A_793, %swap3A_794, %swap3A_795] : memref<8x512x256xf32, #tpu.memory_space<vmem>>, vector<1x512x256xf32>
      %swap3A_797 = vector.shape_cast %swap3A_796 : vector<1x512x256xf32> to vector<512x256xf32>
      %swap3A_798 = vector.shape_cast %add3A_786 : vector<512x256xf32> to vector<1x512x256xf32>
      tpu.vector_store %arg8[%swap3A_793, %swap3A_794, %swap3A_795], %swap3A_798 {strides = array<i32>} : memref<8x512x256xf32, #tpu.memory_space<vmem>>, vector<1x512x256xf32>,
      %mul3A_799 = arith.constant 512 : i32
      %mul3A_800 = arith.muli %add3A_737, %mul3A_799 : i32
      %dma_start3A_801 = arith.constant 4 : i32
      %dma_start3A_802 = arith.constant 4 : i32
      %dma_start3A_803 = tpu.memref_slice %arg11[%dma_start3A_802] : memref<8x!tpu.dma_semaphore, #tpu.memory_space<semaphore_mem>> -> memref<1x!tpu.dma_semaphore, #tpu.memory_space<semaphore_mem>>
      %dma_start3A_804 = tpu.memref_squeeze %dma_start3A_803 : memref<1x!tpu.dma_semaphore, #tpu.memory_space<semaphore_mem>> -> memref<!tpu.dma_semaphore, #tpu.memory_space<semaphore_mem>>
      %dma_start3A_805 = arith.constant 0 : i32
      %dma_start3A_806 = tpu.memref_slice %arg3[%mul3A_800, %dma_start3A_805] : memref<16384x256xf32, #tpu.memory_space<any>> -> memref<512x256xf32, #tpu.memory_space<any>>
      %dma_start3A_807 = arith.constant 0 : i32
      %dma_start3A_808 = arith.constant 0 : i32
      %dma_start3A_809 = tpu.memref_slice %arg7[%dma_start3A_801, %dma_start3A_807, %dma_start3A_808] : memref<8x512x256xf32, #tpu.memory_space<vmem>> -> memref<1x512x256xf32, #tpu.memory_space<vmem>>
      %dma_start3A_810 = tpu.memref_squeeze %dma_start3A_809 : memref<1x512x256xf32, #tpu.memory_space<vmem>> -> memref<512x256xf32, #tpu.memory_space<vmem>>
      tpu.enqueue_dma source(%dma_start3A_810 : memref<512x256xf32, #tpu.memory_space<vmem>>) target(%dma_start3A_806 : memref<512x256xf32, #tpu.memory_space<any>>) target_semaphore(%dma_start3A_804 : memref<!tpu.dma_semaphore, #tpu.memory_space<semaphore_mem>>)
      %mul3A_811 = arith.constant 512 : i32
      %mul3A_812 = arith.muli %add3A_737, %mul3A_811 : i32
      %dma_start3A_813 = arith.constant 4 : i32
      %dma_start3A_814 = arith.constant 4 : i32
      %dma_start3A_815 = tpu.memref_slice %arg12[%dma_start3A_814] : memref<8x!tpu.dma_semaphore, #tpu.memory_space<semaphore_mem>> -> memref<1x!tpu.dma_semaphore, #tpu.memory_space<semaphore_mem>>
      %dma_start3A_816 = tpu.memref_squeeze %dma_start3A_815 : memref<1x!tpu.dma_semaphore, #tpu.memory_space<semaphore_mem>> -> memref<!tpu.dma_semaphore, #tpu.memory_space<semaphore_mem>>
      %dma_start3A_817 = arith.constant 0 : i32
      %dma_start3A_818 = tpu.memref_slice %arg4[%mul3A_812, %dma_start3A_817] : memref<16384x256xf32, #tpu.memory_space<any>> -> memref<512x256xf32, #tpu.memory_space<any>>
      %dma_start3A_819 = arith.constant 0 : i32
      %dma_start3A_820 = arith.constant 0 : i32
      %dma_start3A_821 = tpu.memref_slice %arg8[%dma_start3A_813, %dma_start3A_819, %dma_start3A_820] : memref<8x512x256xf32, #tpu.memory_space<vmem>> -> memref<1x512x256xf32, #tpu.memory_space<vmem>>
      %dma_start3A_822 = tpu.memref_squeeze %dma_start3A_821 : memref<1x512x256xf32, #tpu.memory_space<vmem>> -> memref<512x256xf32, #tpu.memory_space<vmem>>
      tpu.enqueue_dma source(%dma_start3A_822 : memref<512x256xf32, #tpu.memory_space<vmem>>) target(%dma_start3A_818 : memref<512x256xf32, #tpu.memory_space<any>>) target_semaphore(%dma_start3A_816 : memref<!tpu.dma_semaphore, #tpu.memory_space<semaphore_mem>>)
      %lt3A_823 = arith.constant 3 : i32
      %lt3A_824 = arith.cmpi slt, %scan3A_365, %lt3A_823 : i32
      %convert_element_type3A_825 = arith.extui %lt3A_824 : i1 to i32
      %cond3A_826 = arith.constant 0 : i32
      %cond3A_827 = arith.cmpi ne, %convert_element_type3A_825, %cond3A_826 : i32
      scf.if %cond3A_827 {
        %add3A_1110 = arith.constant 1 : i32
        %add3A_1111 = arith.addi %scan3A_365, %add3A_1110 : i32
        %mul3A_1112 = arith.constant 8 : i32
        %mul3A_1113 = arith.muli %add3A_1111, %mul3A_1112 : i32
        %add3A_1114 = arith.constant 4 : i32
        %add3A_1115 = arith.addi %mul3A_1113, %add3A_1114 : i32
        %mul3A_1116 = arith.constant 512 : i32
        %mul3A_1117 = arith.muli %add3A_1115, %mul3A_1116 : i32
        %dma_start3A_1118 = arith.constant 4 : i32
        %dma_start3A_1119 = arith.constant 4 : i32
        %dma_start3A_1120 = tpu.memref_slice %arg9[%dma_start3A_1119] : memref<8x!tpu.dma_semaphore, #tpu.memory_space<semaphore_mem>> -> memref<1x!tpu.dma_semaphore, #tpu.memory_space<semaphore_mem>>
        %dma_start3A_1121 = tpu.memref_squeeze %dma_start3A_1120 : memref<1x!tpu.dma_semaphore, #tpu.memory_space<semaphore_mem>> -> memref<!tpu.dma_semaphore, #tpu.memory_space<semaphore_mem>>
        %dma_start3A_1122 = arith.constant 0 : i32
        %dma_start3A_1123 = arith.constant 0 : i32
        %dma_start3A_1124 = tpu.memref_slice %arg5[%dma_start3A_1118, %dma_start3A_1122, %dma_start3A_1123] : memref<8x512x256xf32, #tpu.memory_space<vmem>> -> memref<1x512x256xf32, #tpu.memory_space<vmem>>
        %dma_start3A_1125 = tpu.memref_squeeze %dma_start3A_1124 : memref<1x512x256xf32, #tpu.memory_space<vmem>> -> memref<512x256xf32, #tpu.memory_space<vmem>>
        %dma_start3A_1126 = arith.constant 0 : i32
        %dma_start3A_1127 = tpu.memref_slice %arg1[%mul3A_1117, %dma_start3A_1126] : memref<16384x256xf32, #tpu.memory_space<any>> -> memref<512x256xf32, #tpu.memory_space<any>>
        tpu.enqueue_dma source(%dma_start3A_1127 : memref<512x256xf32, #tpu.memory_space<any>>) target(%dma_start3A_1125 : memref<512x256xf32, #tpu.memory_space<vmem>>) target_semaphore(%dma_start3A_1121 : memref<!tpu.dma_semaphore, #tpu.memory_space<semaphore_mem>>)
        %mul3A_1128 = arith.constant 512 : i32
        %mul3A_1129 = arith.muli %add3A_1115, %mul3A_1128 : i32
        %dma_start3A_1130 = arith.constant 4 : i32
        %dma_start3A_1131 = arith.constant 4 : i32
        %dma_start3A_1132 = tpu.memref_slice %arg10[%dma_start3A_1131] : memref<8x!tpu.dma_semaphore, #tpu.memory_space<semaphore_mem>> -> memref<1x!tpu.dma_semaphore, #tpu.memory_space<semaphore_mem>>
        %dma_start3A_1133 = tpu.memref_squeeze %dma_start3A_1132 : memref<1x!tpu.dma_semaphore, #tpu.memory_space<semaphore_mem>> -> memref<!tpu.dma_semaphore, #tpu.memory_space<semaphore_mem>>
        %dma_start3A_1134 = arith.constant 0 : i32
        %dma_start3A_1135 = arith.constant 0 : i32
        %dma_start3A_1136 = tpu.memref_slice %arg6[%dma_start3A_1130, %dma_start3A_1134, %dma_start3A_1135] : memref<8x512x256xf32, #tpu.memory_space<vmem>> -> memref<1x512x256xf32, #tpu.memory_space<vmem>>
        %dma_start3A_1137 = tpu.memref_squeeze %dma_start3A_1136 : memref<1x512x256xf32, #tpu.memory_space<vmem>> -> memref<512x256xf32, #tpu.memory_space<vmem>>
        %dma_start3A_1138 = arith.constant 0 : i32
        %dma_start3A_1139 = tpu.memref_slice %arg2[%mul3A_1129, %dma_start3A_1138] : memref<16384x256xf32, #tpu.memory_space<any>> -> memref<512x256xf32, #tpu.memory_space<any>>
        tpu.enqueue_dma source(%dma_start3A_1139 : memref<512x256xf32, #tpu.memory_space<any>>) target(%dma_start3A_1137 : memref<512x256xf32, #tpu.memory_space<vmem>>) target_semaphore(%dma_start3A_1133 : memref<!tpu.dma_semaphore, #tpu.memory_space<semaphore_mem>>)
      } else {
      }
      %mul3A_828 = arith.constant 8 : i32
      %mul3A_829 = arith.muli %scan3A_365, %mul3A_828 : i32
      %add3A_830 = arith.constant 5 : i32
      %add3A_831 = arith.addi %mul3A_829, %add3A_830 : i32
      %mul3A_832 = arith.constant 512 : i32
      %mul3A_833 = arith.muli %add3A_831, %mul3A_832 : i32
      %dma_wait3A_834 = arith.constant 5 : i32
      %dma_wait3A_835 = arith.constant 5 : i32
      %dma_wait3A_836 = tpu.memref_slice %arg9[%dma_wait3A_835] : memref<8x!tpu.dma_semaphore, #tpu.memory_space<semaphore_mem>> -> memref<1x!tpu.dma_semaphore, #tpu.memory_space<semaphore_mem>>
      %dma_wait3A_837 = tpu.memref_squeeze %dma_wait3A_836 : memref<1x!tpu.dma_semaphore, #tpu.memory_space<semaphore_mem>> -> memref<!tpu.dma_semaphore, #tpu.memory_space<semaphore_mem>>
      %dma_wait3A_838 = arith.constant 0 : i32
      %dma_wait3A_839 = arith.constant 0 : i32
      %dma_wait3A_840 = tpu.memref_slice %arg5[%dma_wait3A_834, %dma_wait3A_838, %dma_wait3A_839] : memref<8x512x256xf32, #tpu.memory_space<vmem>> -> memref<1x512x256xf32, #tpu.memory_space<vmem>>
      %dma_wait3A_841 = tpu.memref_squeeze %dma_wait3A_840 : memref<1x512x256xf32, #tpu.memory_space<vmem>> -> memref<512x256xf32, #tpu.memory_space<vmem>>
      %dma_wait3A_842 = arith.constant 0 : i32
      %dma_wait3A_843 = tpu.memref_slice %arg1[%mul3A_833, %dma_wait3A_842] : memref<16384x256xf32, #tpu.memory_space<any>> -> memref<512x256xf32, #tpu.memory_space<any>>
      tpu.wait_dma2 semaphore(%dma_wait3A_837 : memref<!tpu.dma_semaphore, #tpu.memory_space<semaphore_mem>>) src(%dma_wait3A_843 : memref<512x256xf32, #tpu.memory_space<any>>) dst(%dma_wait3A_841 : memref<512x256xf32, #tpu.memory_space<vmem>>)
      %mul3A_844 = arith.constant 512 : i32
      %mul3A_845 = arith.muli %add3A_831, %mul3A_844 : i32
      %dma_wait3A_846 = arith.constant 5 : i32
      %dma_wait3A_847 = arith.constant 5 : i32
      %dma_wait3A_848 = tpu.memref_slice %arg10[%dma_wait3A_847] : memref<8x!tpu.dma_semaphore, #tpu.memory_space<semaphore_mem>> -> memref<1x!tpu.dma_semaphore, #tpu.memory_space<semaphore_mem>>
      %dma_wait3A_849 = tpu.memref_squeeze %dma_wait3A_848 : memref<1x!tpu.dma_semaphore, #tpu.memory_space<semaphore_mem>> -> memref<!tpu.dma_semaphore, #tpu.memory_space<semaphore_mem>>
      %dma_wait3A_850 = arith.constant 0 : i32
      %dma_wait3A_851 = arith.constant 0 : i32
      %dma_wait3A_852 = tpu.memref_slice %arg6[%dma_wait3A_846, %dma_wait3A_850, %dma_wait3A_851] : memref<8x512x256xf32, #tpu.memory_space<vmem>> -> memref<1x512x256xf32, #tpu.memory_space<vmem>>
      %dma_wait3A_853 = tpu.memref_squeeze %dma_wait3A_852 : memref<1x512x256xf32, #tpu.memory_space<vmem>> -> memref<512x256xf32, #tpu.memory_space<vmem>>
      %dma_wait3A_854 = arith.constant 0 : i32
      %dma_wait3A_855 = tpu.memref_slice %arg2[%mul3A_845, %dma_wait3A_854] : memref<16384x256xf32, #tpu.memory_space<any>> -> memref<512x256xf32, #tpu.memory_space<any>>
      tpu.wait_dma2 semaphore(%dma_wait3A_849 : memref<!tpu.dma_semaphore, #tpu.memory_space<semaphore_mem>>) src(%dma_wait3A_855 : memref<512x256xf32, #tpu.memory_space<any>>) dst(%dma_wait3A_853 : memref<512x256xf32, #tpu.memory_space<vmem>>)
      %gt3A_856 = arith.constant 0 : i32
      %gt3A_857 = arith.cmpi sgt, %scan3A_365, %gt3A_856 : i32
      %convert_element_type3A_858 = arith.extui %gt3A_857 : i1 to i32
      %cond3A_859 = arith.constant 0 : i32
      %cond3A_860 = arith.cmpi ne, %convert_element_type3A_858, %cond3A_859 : i32
      scf.if %cond3A_860 {
        %sub3A_1110 = arith.constant 1 : i32
        %sub3A_1111 = arith.subi %scan3A_365, %sub3A_1110 : i32
        %mul3A_1112 = arith.constant 8 : i32
        %mul3A_1113 = arith.muli %sub3A_1111, %mul3A_1112 : i32
        %add3A_1114 = arith.constant 5 : i32
        %add3A_1115 = arith.addi %mul3A_1113, %add3A_1114 : i32
        %mul3A_1116 = arith.constant 512 : i32
        %mul3A_1117 = arith.muli %add3A_1115, %mul3A_1116 : i32
        %dma_wait3A_1118 = arith.constant 5 : i32
        %dma_wait3A_1119 = arith.constant 5 : i32
        %dma_wait3A_1120 = tpu.memref_slice %arg11[%dma_wait3A_1119] : memref<8x!tpu.dma_semaphore, #tpu.memory_space<semaphore_mem>> -> memref<1x!tpu.dma_semaphore, #tpu.memory_space<semaphore_mem>>
        %dma_wait3A_1121 = tpu.memref_squeeze %dma_wait3A_1120 : memref<1x!tpu.dma_semaphore, #tpu.memory_space<semaphore_mem>> -> memref<!tpu.dma_semaphore, #tpu.memory_space<semaphore_mem>>
        %dma_wait3A_1122 = arith.constant 0 : i32
        %dma_wait3A_1123 = tpu.memref_slice %arg3[%mul3A_1117, %dma_wait3A_1122] : memref<16384x256xf32, #tpu.memory_space<any>> -> memref<512x256xf32, #tpu.memory_space<any>>
        %dma_wait3A_1124 = arith.constant 0 : i32
        %dma_wait3A_1125 = arith.constant 0 : i32
        %dma_wait3A_1126 = tpu.memref_slice %arg7[%dma_wait3A_1118, %dma_wait3A_1124, %dma_wait3A_1125] : memref<8x512x256xf32, #tpu.memory_space<vmem>> -> memref<1x512x256xf32, #tpu.memory_space<vmem>>
        %dma_wait3A_1127 = tpu.memref_squeeze %dma_wait3A_1126 : memref<1x512x256xf32, #tpu.memory_space<vmem>> -> memref<512x256xf32, #tpu.memory_space<vmem>>
        tpu.wait_dma2 semaphore(%dma_wait3A_1121 : memref<!tpu.dma_semaphore, #tpu.memory_space<semaphore_mem>>) src(%dma_wait3A_1127 : memref<512x256xf32, #tpu.memory_space<vmem>>) dst(%dma_wait3A_1123 : memref<512x256xf32, #tpu.memory_space<any>>)
        %mul3A_1128 = arith.constant 512 : i32
        %mul3A_1129 = arith.muli %add3A_1115, %mul3A_1128 : i32
        %dma_wait3A_1130 = arith.constant 5 : i32
        %dma_wait3A_1131 = arith.constant 5 : i32
        %dma_wait3A_1132 = tpu.memref_slice %arg12[%dma_wait3A_1131] : memref<8x!tpu.dma_semaphore, #tpu.memory_space<semaphore_mem>> -> memref<1x!tpu.dma_semaphore, #tpu.memory_space<semaphore_mem>>
        %dma_wait3A_1133 = tpu.memref_squeeze %dma_wait3A_1132 : memref<1x!tpu.dma_semaphore, #tpu.memory_space<semaphore_mem>> -> memref<!tpu.dma_semaphore, #tpu.memory_space<semaphore_mem>>
        %dma_wait3A_1134 = arith.constant 0 : i32
        %dma_wait3A_1135 = tpu.memref_slice %arg4[%mul3A_1129, %dma_wait3A_1134] : memref<16384x256xf32, #tpu.memory_space<any>> -> memref<512x256xf32, #tpu.memory_space<any>>
        %dma_wait3A_1136 = arith.constant 0 : i32
        %dma_wait3A_1137 = arith.constant 0 : i32
        %dma_wait3A_1138 = tpu.memref_slice %arg8[%dma_wait3A_1130, %dma_wait3A_1136, %dma_wait3A_1137] : memref<8x512x256xf32, #tpu.memory_space<vmem>> -> memref<1x512x256xf32, #tpu.memory_space<vmem>>
        %dma_wait3A_1139 = tpu.memref_squeeze %dma_wait3A_1138 : memref<1x512x256xf32, #tpu.memory_space<vmem>> -> memref<512x256xf32, #tpu.memory_space<vmem>>
        tpu.wait_dma2 semaphore(%dma_wait3A_1133 : memref<!tpu.dma_semaphore, #tpu.memory_space<semaphore_mem>>) src(%dma_wait3A_1139 : memref<512x256xf32, #tpu.memory_space<vmem>>) dst(%dma_wait3A_1135 : memref<512x256xf32, #tpu.memory_space<any>>)
      } else {
      }
      %get3A_861 = arith.constant 5 : index
      %get3A_862 = arith.constant 0 : index
      %get3A_863 = arith.constant 0 : index
      %get3A_864 = vector.load %arg5[%get3A_861, %get3A_862, %get3A_863] : memref<8x512x256xf32, #tpu.memory_space<vmem>>, vector<1x512x256xf32>
      %get3A_865 = vector.shape_cast %get3A_864 : vector<1x512x256xf32> to vector<512x256xf32>
      %get3A_866 = arith.constant 5 : index
      %get3A_867 = arith.constant 0 : index
      %get3A_868 = arith.constant 0 : index
      %get3A_869 = vector.load %arg6[%get3A_866, %get3A_867, %get3A_868] : memref<8x512x256xf32, #tpu.memory_space<vmem>>, vector<1x512x256xf32>
      %get3A_870 = vector.shape_cast %get3A_869 : vector<1x512x256xf32> to vector<512x256xf32>
      %mul3A_871 = vector.broadcast %get3A_176 : vector<1x256xf32> to vector<512x256xf32>
      %mul3A_872 = arith.mulf %mul3A_871, %get3A_865 : vector<512x256xf32>
      %mul3A_873 = vector.broadcast %get3A_179 : vector<1x256xf32> to vector<512x256xf32>
      %mul3A_874 = arith.mulf %mul3A_873, %get3A_870 : vector<512x256xf32>
      %sub3A_875 = arith.subf %mul3A_872, %mul3A_874 : vector<512x256xf32>
      %mul3A_876 = vector.broadcast %get3A_182 : vector<1x256xf32> to vector<512x256xf32>
      %mul3A_877 = arith.mulf %mul3A_876, %sub3A_875 : vector<512x256xf32>
      %mul3A_878 = vector.broadcast %get3A_185 : vector<1x256xf32> to vector<512x256xf32>
      %mul3A_879 = arith.mulf %mul3A_878, %get3A_865 : vector<512x256xf32>
      %add3A_880 = arith.addf %mul3A_877, %mul3A_879 : vector<512x256xf32>
      %swap3A_881 = arith.constant 5 : index
      %swap3A_882 = arith.constant 0 : index
      %swap3A_883 = arith.constant 0 : index
      %swap3A_884 = vector.load %arg7[%swap3A_881, %swap3A_882, %swap3A_883] : memref<8x512x256xf32, #tpu.memory_space<vmem>>, vector<1x512x256xf32>
      %swap3A_885 = vector.shape_cast %swap3A_884 : vector<1x512x256xf32> to vector<512x256xf32>
      %swap3A_886 = vector.shape_cast %sub3A_875 : vector<512x256xf32> to vector<1x512x256xf32>
      tpu.vector_store %arg7[%swap3A_881, %swap3A_882, %swap3A_883], %swap3A_886 {strides = array<i32>} : memref<8x512x256xf32, #tpu.memory_space<vmem>>, vector<1x512x256xf32>,
      %swap3A_887 = arith.constant 5 : index
      %swap3A_888 = arith.constant 0 : index
      %swap3A_889 = arith.constant 0 : index
      %swap3A_890 = vector.load %arg8[%swap3A_887, %swap3A_888, %swap3A_889] : memref<8x512x256xf32, #tpu.memory_space<vmem>>, vector<1x512x256xf32>
      %swap3A_891 = vector.shape_cast %swap3A_890 : vector<1x512x256xf32> to vector<512x256xf32>
      %swap3A_892 = vector.shape_cast %add3A_880 : vector<512x256xf32> to vector<1x512x256xf32>
      tpu.vector_store %arg8[%swap3A_887, %swap3A_888, %swap3A_889], %swap3A_892 {strides = array<i32>} : memref<8x512x256xf32, #tpu.memory_space<vmem>>, vector<1x512x256xf32>,
      %mul3A_893 = arith.constant 512 : i32
      %mul3A_894 = arith.muli %add3A_831, %mul3A_893 : i32
      %dma_start3A_895 = arith.constant 5 : i32
      %dma_start3A_896 = arith.constant 5 : i32
      %dma_start3A_897 = tpu.memref_slice %arg11[%dma_start3A_896] : memref<8x!tpu.dma_semaphore, #tpu.memory_space<semaphore_mem>> -> memref<1x!tpu.dma_semaphore, #tpu.memory_space<semaphore_mem>>
      %dma_start3A_898 = tpu.memref_squeeze %dma_start3A_897 : memref<1x!tpu.dma_semaphore, #tpu.memory_space<semaphore_mem>> -> memref<!tpu.dma_semaphore, #tpu.memory_space<semaphore_mem>>
      %dma_start3A_899 = arith.constant 0 : i32
      %dma_start3A_900 = tpu.memref_slice %arg3[%mul3A_894, %dma_start3A_899] : memref<16384x256xf32, #tpu.memory_space<any>> -> memref<512x256xf32, #tpu.memory_space<any>>
      %dma_start3A_901 = arith.constant 0 : i32
      %dma_start3A_902 = arith.constant 0 : i32
      %dma_start3A_903 = tpu.memref_slice %arg7[%dma_start3A_895, %dma_start3A_901, %dma_start3A_902] : memref<8x512x256xf32, #tpu.memory_space<vmem>> -> memref<1x512x256xf32, #tpu.memory_space<vmem>>
      %dma_start3A_904 = tpu.memref_squeeze %dma_start3A_903 : memref<1x512x256xf32, #tpu.memory_space<vmem>> -> memref<512x256xf32, #tpu.memory_space<vmem>>
      tpu.enqueue_dma source(%dma_start3A_904 : memref<512x256xf32, #tpu.memory_space<vmem>>) target(%dma_start3A_900 : memref<512x256xf32, #tpu.memory_space<any>>) target_semaphore(%dma_start3A_898 : memref<!tpu.dma_semaphore, #tpu.memory_space<semaphore_mem>>)
      %mul3A_905 = arith.constant 512 : i32
      %mul3A_906 = arith.muli %add3A_831, %mul3A_905 : i32
      %dma_start3A_907 = arith.constant 5 : i32
      %dma_start3A_908 = arith.constant 5 : i32
      %dma_start3A_909 = tpu.memref_slice %arg12[%dma_start3A_908] : memref<8x!tpu.dma_semaphore, #tpu.memory_space<semaphore_mem>> -> memref<1x!tpu.dma_semaphore, #tpu.memory_space<semaphore_mem>>
      %dma_start3A_910 = tpu.memref_squeeze %dma_start3A_909 : memref<1x!tpu.dma_semaphore, #tpu.memory_space<semaphore_mem>> -> memref<!tpu.dma_semaphore, #tpu.memory_space<semaphore_mem>>
      %dma_start3A_911 = arith.constant 0 : i32
      %dma_start3A_912 = tpu.memref_slice %arg4[%mul3A_906, %dma_start3A_911] : memref<16384x256xf32, #tpu.memory_space<any>> -> memref<512x256xf32, #tpu.memory_space<any>>
      %dma_start3A_913 = arith.constant 0 : i32
      %dma_start3A_914 = arith.constant 0 : i32
      %dma_start3A_915 = tpu.memref_slice %arg8[%dma_start3A_907, %dma_start3A_913, %dma_start3A_914] : memref<8x512x256xf32, #tpu.memory_space<vmem>> -> memref<1x512x256xf32, #tpu.memory_space<vmem>>
      %dma_start3A_916 = tpu.memref_squeeze %dma_start3A_915 : memref<1x512x256xf32, #tpu.memory_space<vmem>> -> memref<512x256xf32, #tpu.memory_space<vmem>>
      tpu.enqueue_dma source(%dma_start3A_916 : memref<512x256xf32, #tpu.memory_space<vmem>>) target(%dma_start3A_912 : memref<512x256xf32, #tpu.memory_space<any>>) target_semaphore(%dma_start3A_910 : memref<!tpu.dma_semaphore, #tpu.memory_space<semaphore_mem>>)
      %lt3A_917 = arith.constant 3 : i32
      %lt3A_918 = arith.cmpi slt, %scan3A_365, %lt3A_917 : i32
      %convert_element_type3A_919 = arith.extui %lt3A_918 : i1 to i32
      %cond3A_920 = arith.constant 0 : i32
      %cond3A_921 = arith.cmpi ne, %convert_element_type3A_919, %cond3A_920 : i32
      scf.if %cond3A_921 {
        %add3A_1110 = arith.constant 1 : i32
        %add3A_1111 = arith.addi %scan3A_365, %add3A_1110 : i32
        %mul3A_1112 = arith.constant 8 : i32
        %mul3A_1113 = arith.muli %add3A_1111, %mul3A_1112 : i32
        %add3A_1114 = arith.constant 5 : i32
        %add3A_1115 = arith.addi %mul3A_1113, %add3A_1114 : i32
        %mul3A_1116 = arith.constant 512 : i32
        %mul3A_1117 = arith.muli %add3A_1115, %mul3A_1116 : i32
        %dma_start3A_1118 = arith.constant 5 : i32
        %dma_start3A_1119 = arith.constant 5 : i32
        %dma_start3A_1120 = tpu.memref_slice %arg9[%dma_start3A_1119] : memref<8x!tpu.dma_semaphore, #tpu.memory_space<semaphore_mem>> -> memref<1x!tpu.dma_semaphore, #tpu.memory_space<semaphore_mem>>
        %dma_start3A_1121 = tpu.memref_squeeze %dma_start3A_1120 : memref<1x!tpu.dma_semaphore, #tpu.memory_space<semaphore_mem>> -> memref<!tpu.dma_semaphore, #tpu.memory_space<semaphore_mem>>
        %dma_start3A_1122 = arith.constant 0 : i32
        %dma_start3A_1123 = arith.constant 0 : i32
        %dma_start3A_1124 = tpu.memref_slice %arg5[%dma_start3A_1118, %dma_start3A_1122, %dma_start3A_1123] : memref<8x512x256xf32, #tpu.memory_space<vmem>> -> memref<1x512x256xf32, #tpu.memory_space<vmem>>
        %dma_start3A_1125 = tpu.memref_squeeze %dma_start3A_1124 : memref<1x512x256xf32, #tpu.memory_space<vmem>> -> memref<512x256xf32, #tpu.memory_space<vmem>>
        %dma_start3A_1126 = arith.constant 0 : i32
        %dma_start3A_1127 = tpu.memref_slice %arg1[%mul3A_1117, %dma_start3A_1126] : memref<16384x256xf32, #tpu.memory_space<any>> -> memref<512x256xf32, #tpu.memory_space<any>>
        tpu.enqueue_dma source(%dma_start3A_1127 : memref<512x256xf32, #tpu.memory_space<any>>) target(%dma_start3A_1125 : memref<512x256xf32, #tpu.memory_space<vmem>>) target_semaphore(%dma_start3A_1121 : memref<!tpu.dma_semaphore, #tpu.memory_space<semaphore_mem>>)
        %mul3A_1128 = arith.constant 512 : i32
        %mul3A_1129 = arith.muli %add3A_1115, %mul3A_1128 : i32
        %dma_start3A_1130 = arith.constant 5 : i32
        %dma_start3A_1131 = arith.constant 5 : i32
        %dma_start3A_1132 = tpu.memref_slice %arg10[%dma_start3A_1131] : memref<8x!tpu.dma_semaphore, #tpu.memory_space<semaphore_mem>> -> memref<1x!tpu.dma_semaphore, #tpu.memory_space<semaphore_mem>>
        %dma_start3A_1133 = tpu.memref_squeeze %dma_start3A_1132 : memref<1x!tpu.dma_semaphore, #tpu.memory_space<semaphore_mem>> -> memref<!tpu.dma_semaphore, #tpu.memory_space<semaphore_mem>>
        %dma_start3A_1134 = arith.constant 0 : i32
        %dma_start3A_1135 = arith.constant 0 : i32
        %dma_start3A_1136 = tpu.memref_slice %arg6[%dma_start3A_1130, %dma_start3A_1134, %dma_start3A_1135] : memref<8x512x256xf32, #tpu.memory_space<vmem>> -> memref<1x512x256xf32, #tpu.memory_space<vmem>>
        %dma_start3A_1137 = tpu.memref_squeeze %dma_start3A_1136 : memref<1x512x256xf32, #tpu.memory_space<vmem>> -> memref<512x256xf32, #tpu.memory_space<vmem>>
        %dma_start3A_1138 = arith.constant 0 : i32
        %dma_start3A_1139 = tpu.memref_slice %arg2[%mul3A_1129, %dma_start3A_1138] : memref<16384x256xf32, #tpu.memory_space<any>> -> memref<512x256xf32, #tpu.memory_space<any>>
        tpu.enqueue_dma source(%dma_start3A_1139 : memref<512x256xf32, #tpu.memory_space<any>>) target(%dma_start3A_1137 : memref<512x256xf32, #tpu.memory_space<vmem>>) target_semaphore(%dma_start3A_1133 : memref<!tpu.dma_semaphore, #tpu.memory_space<semaphore_mem>>)
      } else {
      }
      %mul3A_922 = arith.constant 8 : i32
      %mul3A_923 = arith.muli %scan3A_365, %mul3A_922 : i32
      %add3A_924 = arith.constant 6 : i32
      %add3A_925 = arith.addi %mul3A_923, %add3A_924 : i32
      %mul3A_926 = arith.constant 512 : i32
      %mul3A_927 = arith.muli %add3A_925, %mul3A_926 : i32
      %dma_wait3A_928 = arith.constant 6 : i32
      %dma_wait3A_929 = arith.constant 6 : i32
      %dma_wait3A_930 = tpu.memref_slice %arg9[%dma_wait3A_929] : memref<8x!tpu.dma_semaphore, #tpu.memory_space<semaphore_mem>> -> memref<1x!tpu.dma_semaphore, #tpu.memory_space<semaphore_mem>>
      %dma_wait3A_931 = tpu.memref_squeeze %dma_wait3A_930 : memref<1x!tpu.dma_semaphore, #tpu.memory_space<semaphore_mem>> -> memref<!tpu.dma_semaphore, #tpu.memory_space<semaphore_mem>>
      %dma_wait3A_932 = arith.constant 0 : i32
      %dma_wait3A_933 = arith.constant 0 : i32
      %dma_wait3A_934 = tpu.memref_slice %arg5[%dma_wait3A_928, %dma_wait3A_932, %dma_wait3A_933] : memref<8x512x256xf32, #tpu.memory_space<vmem>> -> memref<1x512x256xf32, #tpu.memory_space<vmem>>
      %dma_wait3A_935 = tpu.memref_squeeze %dma_wait3A_934 : memref<1x512x256xf32, #tpu.memory_space<vmem>> -> memref<512x256xf32, #tpu.memory_space<vmem>>
      %dma_wait3A_936 = arith.constant 0 : i32
      %dma_wait3A_937 = tpu.memref_slice %arg1[%mul3A_927, %dma_wait3A_936] : memref<16384x256xf32, #tpu.memory_space<any>> -> memref<512x256xf32, #tpu.memory_space<any>>
      tpu.wait_dma2 semaphore(%dma_wait3A_931 : memref<!tpu.dma_semaphore, #tpu.memory_space<semaphore_mem>>) src(%dma_wait3A_937 : memref<512x256xf32, #tpu.memory_space<any>>) dst(%dma_wait3A_935 : memref<512x256xf32, #tpu.memory_space<vmem>>)
      %mul3A_938 = arith.constant 512 : i32
      %mul3A_939 = arith.muli %add3A_925, %mul3A_938 : i32
      %dma_wait3A_940 = arith.constant 6 : i32
      %dma_wait3A_941 = arith.constant 6 : i32
      %dma_wait3A_942 = tpu.memref_slice %arg10[%dma_wait3A_941] : memref<8x!tpu.dma_semaphore, #tpu.memory_space<semaphore_mem>> -> memref<1x!tpu.dma_semaphore, #tpu.memory_space<semaphore_mem>>
      %dma_wait3A_943 = tpu.memref_squeeze %dma_wait3A_942 : memref<1x!tpu.dma_semaphore, #tpu.memory_space<semaphore_mem>> -> memref<!tpu.dma_semaphore, #tpu.memory_space<semaphore_mem>>
      %dma_wait3A_944 = arith.constant 0 : i32
      %dma_wait3A_945 = arith.constant 0 : i32
      %dma_wait3A_946 = tpu.memref_slice %arg6[%dma_wait3A_940, %dma_wait3A_944, %dma_wait3A_945] : memref<8x512x256xf32, #tpu.memory_space<vmem>> -> memref<1x512x256xf32, #tpu.memory_space<vmem>>
      %dma_wait3A_947 = tpu.memref_squeeze %dma_wait3A_946 : memref<1x512x256xf32, #tpu.memory_space<vmem>> -> memref<512x256xf32, #tpu.memory_space<vmem>>
      %dma_wait3A_948 = arith.constant 0 : i32
      %dma_wait3A_949 = tpu.memref_slice %arg2[%mul3A_939, %dma_wait3A_948] : memref<16384x256xf32, #tpu.memory_space<any>> -> memref<512x256xf32, #tpu.memory_space<any>>
      tpu.wait_dma2 semaphore(%dma_wait3A_943 : memref<!tpu.dma_semaphore, #tpu.memory_space<semaphore_mem>>) src(%dma_wait3A_949 : memref<512x256xf32, #tpu.memory_space<any>>) dst(%dma_wait3A_947 : memref<512x256xf32, #tpu.memory_space<vmem>>)
      %gt3A_950 = arith.constant 0 : i32
      %gt3A_951 = arith.cmpi sgt, %scan3A_365, %gt3A_950 : i32
      %convert_element_type3A_952 = arith.extui %gt3A_951 : i1 to i32
      %cond3A_953 = arith.constant 0 : i32
      %cond3A_954 = arith.cmpi ne, %convert_element_type3A_952, %cond3A_953 : i32
      scf.if %cond3A_954 {
        %sub3A_1110 = arith.constant 1 : i32
        %sub3A_1111 = arith.subi %scan3A_365, %sub3A_1110 : i32
        %mul3A_1112 = arith.constant 8 : i32
        %mul3A_1113 = arith.muli %sub3A_1111, %mul3A_1112 : i32
        %add3A_1114 = arith.constant 6 : i32
        %add3A_1115 = arith.addi %mul3A_1113, %add3A_1114 : i32
        %mul3A_1116 = arith.constant 512 : i32
        %mul3A_1117 = arith.muli %add3A_1115, %mul3A_1116 : i32
        %dma_wait3A_1118 = arith.constant 6 : i32
        %dma_wait3A_1119 = arith.constant 6 : i32
        %dma_wait3A_1120 = tpu.memref_slice %arg11[%dma_wait3A_1119] : memref<8x!tpu.dma_semaphore, #tpu.memory_space<semaphore_mem>> -> memref<1x!tpu.dma_semaphore, #tpu.memory_space<semaphore_mem>>
        %dma_wait3A_1121 = tpu.memref_squeeze %dma_wait3A_1120 : memref<1x!tpu.dma_semaphore, #tpu.memory_space<semaphore_mem>> -> memref<!tpu.dma_semaphore, #tpu.memory_space<semaphore_mem>>
        %dma_wait3A_1122 = arith.constant 0 : i32
        %dma_wait3A_1123 = tpu.memref_slice %arg3[%mul3A_1117, %dma_wait3A_1122] : memref<16384x256xf32, #tpu.memory_space<any>> -> memref<512x256xf32, #tpu.memory_space<any>>
        %dma_wait3A_1124 = arith.constant 0 : i32
        %dma_wait3A_1125 = arith.constant 0 : i32
        %dma_wait3A_1126 = tpu.memref_slice %arg7[%dma_wait3A_1118, %dma_wait3A_1124, %dma_wait3A_1125] : memref<8x512x256xf32, #tpu.memory_space<vmem>> -> memref<1x512x256xf32, #tpu.memory_space<vmem>>
        %dma_wait3A_1127 = tpu.memref_squeeze %dma_wait3A_1126 : memref<1x512x256xf32, #tpu.memory_space<vmem>> -> memref<512x256xf32, #tpu.memory_space<vmem>>
        tpu.wait_dma2 semaphore(%dma_wait3A_1121 : memref<!tpu.dma_semaphore, #tpu.memory_space<semaphore_mem>>) src(%dma_wait3A_1127 : memref<512x256xf32, #tpu.memory_space<vmem>>) dst(%dma_wait3A_1123 : memref<512x256xf32, #tpu.memory_space<any>>)
        %mul3A_1128 = arith.constant 512 : i32
        %mul3A_1129 = arith.muli %add3A_1115, %mul3A_1128 : i32
        %dma_wait3A_1130 = arith.constant 6 : i32
        %dma_wait3A_1131 = arith.constant 6 : i32
        %dma_wait3A_1132 = tpu.memref_slice %arg12[%dma_wait3A_1131] : memref<8x!tpu.dma_semaphore, #tpu.memory_space<semaphore_mem>> -> memref<1x!tpu.dma_semaphore, #tpu.memory_space<semaphore_mem>>
        %dma_wait3A_1133 = tpu.memref_squeeze %dma_wait3A_1132 : memref<1x!tpu.dma_semaphore, #tpu.memory_space<semaphore_mem>> -> memref<!tpu.dma_semaphore, #tpu.memory_space<semaphore_mem>>
        %dma_wait3A_1134 = arith.constant 0 : i32
        %dma_wait3A_1135 = tpu.memref_slice %arg4[%mul3A_1129, %dma_wait3A_1134] : memref<16384x256xf32, #tpu.memory_space<any>> -> memref<512x256xf32, #tpu.memory_space<any>>
        %dma_wait3A_1136 = arith.constant 0 : i32
        %dma_wait3A_1137 = arith.constant 0 : i32
        %dma_wait3A_1138 = tpu.memref_slice %arg8[%dma_wait3A_1130, %dma_wait3A_1136, %dma_wait3A_1137] : memref<8x512x256xf32, #tpu.memory_space<vmem>> -> memref<1x512x256xf32, #tpu.memory_space<vmem>>
        %dma_wait3A_1139 = tpu.memref_squeeze %dma_wait3A_1138 : memref<1x512x256xf32, #tpu.memory_space<vmem>> -> memref<512x256xf32, #tpu.memory_space<vmem>>
        tpu.wait_dma2 semaphore(%dma_wait3A_1133 : memref<!tpu.dma_semaphore, #tpu.memory_space<semaphore_mem>>) src(%dma_wait3A_1139 : memref<512x256xf32, #tpu.memory_space<vmem>>) dst(%dma_wait3A_1135 : memref<512x256xf32, #tpu.memory_space<any>>)
      } else {
      }
      %get3A_955 = arith.constant 6 : index
      %get3A_956 = arith.constant 0 : index
      %get3A_957 = arith.constant 0 : index
      %get3A_958 = vector.load %arg5[%get3A_955, %get3A_956, %get3A_957] : memref<8x512x256xf32, #tpu.memory_space<vmem>>, vector<1x512x256xf32>
      %get3A_959 = vector.shape_cast %get3A_958 : vector<1x512x256xf32> to vector<512x256xf32>
      %get3A_960 = arith.constant 6 : index
      %get3A_961 = arith.constant 0 : index
      %get3A_962 = arith.constant 0 : index
      %get3A_963 = vector.load %arg6[%get3A_960, %get3A_961, %get3A_962] : memref<8x512x256xf32, #tpu.memory_space<vmem>>, vector<1x512x256xf32>
      %get3A_964 = vector.shape_cast %get3A_963 : vector<1x512x256xf32> to vector<512x256xf32>
      %mul3A_965 = vector.broadcast %get3A_176 : vector<1x256xf32> to vector<512x256xf32>
      %mul3A_966 = arith.mulf %mul3A_965, %get3A_959 : vector<512x256xf32>
      %mul3A_967 = vector.broadcast %get3A_179 : vector<1x256xf32> to vector<512x256xf32>
      %mul3A_968 = arith.mulf %mul3A_967, %get3A_964 : vector<512x256xf32>
      %sub3A_969 = arith.subf %mul3A_966, %mul3A_968 : vector<512x256xf32>
      %mul3A_970 = vector.broadcast %get3A_182 : vector<1x256xf32> to vector<512x256xf32>
      %mul3A_971 = arith.mulf %mul3A_970, %sub3A_969 : vector<512x256xf32>
      %mul3A_972 = vector.broadcast %get3A_185 : vector<1x256xf32> to vector<512x256xf32>
      %mul3A_973 = arith.mulf %mul3A_972, %get3A_959 : vector<512x256xf32>
      %add3A_974 = arith.addf %mul3A_971, %mul3A_973 : vector<512x256xf32>
      %swap3A_975 = arith.constant 6 : index
      %swap3A_976 = arith.constant 0 : index
      %swap3A_977 = arith.constant 0 : index
      %swap3A_978 = vector.load %arg7[%swap3A_975, %swap3A_976, %swap3A_977] : memref<8x512x256xf32, #tpu.memory_space<vmem>>, vector<1x512x256xf32>
      %swap3A_979 = vector.shape_cast %swap3A_978 : vector<1x512x256xf32> to vector<512x256xf32>
      %swap3A_980 = vector.shape_cast %sub3A_969 : vector<512x256xf32> to vector<1x512x256xf32>
      tpu.vector_store %arg7[%swap3A_975, %swap3A_976, %swap3A_977], %swap3A_980 {strides = array<i32>} : memref<8x512x256xf32, #tpu.memory_space<vmem>>, vector<1x512x256xf32>,
      %swap3A_981 = arith.constant 6 : index
      %swap3A_982 = arith.constant 0 : index
      %swap3A_983 = arith.constant 0 : index
      %swap3A_984 = vector.load %arg8[%swap3A_981, %swap3A_982, %swap3A_983] : memref<8x512x256xf32, #tpu.memory_space<vmem>>, vector<1x512x256xf32>
      %swap3A_985 = vector.shape_cast %swap3A_984 : vector<1x512x256xf32> to vector<512x256xf32>
      %swap3A_986 = vector.shape_cast %add3A_974 : vector<512x256xf32> to vector<1x512x256xf32>
      tpu.vector_store %arg8[%swap3A_981, %swap3A_982, %swap3A_983], %swap3A_986 {strides = array<i32>} : memref<8x512x256xf32, #tpu.memory_space<vmem>>, vector<1x512x256xf32>,
      %mul3A_987 = arith.constant 512 : i32
      %mul3A_988 = arith.muli %add3A_925, %mul3A_987 : i32
      %dma_start3A_989 = arith.constant 6 : i32
      %dma_start3A_990 = arith.constant 6 : i32
      %dma_start3A_991 = tpu.memref_slice %arg11[%dma_start3A_990] : memref<8x!tpu.dma_semaphore, #tpu.memory_space<semaphore_mem>> -> memref<1x!tpu.dma_semaphore, #tpu.memory_space<semaphore_mem>>
      %dma_start3A_992 = tpu.memref_squeeze %dma_start3A_991 : memref<1x!tpu.dma_semaphore, #tpu.memory_space<semaphore_mem>> -> memref<!tpu.dma_semaphore, #tpu.memory_space<semaphore_mem>>
      %dma_start3A_993 = arith.constant 0 : i32
      %dma_start3A_994 = tpu.memref_slice %arg3[%mul3A_988, %dma_start3A_993] : memref<16384x256xf32, #tpu.memory_space<any>> -> memref<512x256xf32, #tpu.memory_space<any>>
      %dma_start3A_995 = arith.constant 0 : i32
      %dma_start3A_996 = arith.constant 0 : i32
      %dma_start3A_997 = tpu.memref_slice %arg7[%dma_start3A_989, %dma_start3A_995, %dma_start3A_996] : memref<8x512x256xf32, #tpu.memory_space<vmem>> -> memref<1x512x256xf32, #tpu.memory_space<vmem>>
      %dma_start3A_998 = tpu.memref_squeeze %dma_start3A_997 : memref<1x512x256xf32, #tpu.memory_space<vmem>> -> memref<512x256xf32, #tpu.memory_space<vmem>>
      tpu.enqueue_dma source(%dma_start3A_998 : memref<512x256xf32, #tpu.memory_space<vmem>>) target(%dma_start3A_994 : memref<512x256xf32, #tpu.memory_space<any>>) target_semaphore(%dma_start3A_992 : memref<!tpu.dma_semaphore, #tpu.memory_space<semaphore_mem>>)
      %mul3A_999 = arith.constant 512 : i32
      %mul3A_1000 = arith.muli %add3A_925, %mul3A_999 : i32
      %dma_start3A_1001 = arith.constant 6 : i32
      %dma_start3A_1002 = arith.constant 6 : i32
      %dma_start3A_1003 = tpu.memref_slice %arg12[%dma_start3A_1002] : memref<8x!tpu.dma_semaphore, #tpu.memory_space<semaphore_mem>> -> memref<1x!tpu.dma_semaphore, #tpu.memory_space<semaphore_mem>>
      %dma_start3A_1004 = tpu.memref_squeeze %dma_start3A_1003 : memref<1x!tpu.dma_semaphore, #tpu.memory_space<semaphore_mem>> -> memref<!tpu.dma_semaphore, #tpu.memory_space<semaphore_mem>>
      %dma_start3A_1005 = arith.constant 0 : i32
      %dma_start3A_1006 = tpu.memref_slice %arg4[%mul3A_1000, %dma_start3A_1005] : memref<16384x256xf32, #tpu.memory_space<any>> -> memref<512x256xf32, #tpu.memory_space<any>>
      %dma_start3A_1007 = arith.constant 0 : i32
      %dma_start3A_1008 = arith.constant 0 : i32
      %dma_start3A_1009 = tpu.memref_slice %arg8[%dma_start3A_1001, %dma_start3A_1007, %dma_start3A_1008] : memref<8x512x256xf32, #tpu.memory_space<vmem>> -> memref<1x512x256xf32, #tpu.memory_space<vmem>>
      %dma_start3A_1010 = tpu.memref_squeeze %dma_start3A_1009 : memref<1x512x256xf32, #tpu.memory_space<vmem>> -> memref<512x256xf32, #tpu.memory_space<vmem>>
      tpu.enqueue_dma source(%dma_start3A_1010 : memref<512x256xf32, #tpu.memory_space<vmem>>) target(%dma_start3A_1006 : memref<512x256xf32, #tpu.memory_space<any>>) target_semaphore(%dma_start3A_1004 : memref<!tpu.dma_semaphore, #tpu.memory_space<semaphore_mem>>)
      %lt3A_1011 = arith.constant 3 : i32
      %lt3A_1012 = arith.cmpi slt, %scan3A_365, %lt3A_1011 : i32
      %convert_element_type3A_1013 = arith.extui %lt3A_1012 : i1 to i32
      %cond3A_1014 = arith.constant 0 : i32
      %cond3A_1015 = arith.cmpi ne, %convert_element_type3A_1013, %cond3A_1014 : i32
      scf.if %cond3A_1015 {
        %add3A_1110 = arith.constant 1 : i32
        %add3A_1111 = arith.addi %scan3A_365, %add3A_1110 : i32
        %mul3A_1112 = arith.constant 8 : i32
        %mul3A_1113 = arith.muli %add3A_1111, %mul3A_1112 : i32
        %add3A_1114 = arith.constant 6 : i32
        %add3A_1115 = arith.addi %mul3A_1113, %add3A_1114 : i32
        %mul3A_1116 = arith.constant 512 : i32
        %mul3A_1117 = arith.muli %add3A_1115, %mul3A_1116 : i32
        %dma_start3A_1118 = arith.constant 6 : i32
        %dma_start3A_1119 = arith.constant 6 : i32
        %dma_start3A_1120 = tpu.memref_slice %arg9[%dma_start3A_1119] : memref<8x!tpu.dma_semaphore, #tpu.memory_space<semaphore_mem>> -> memref<1x!tpu.dma_semaphore, #tpu.memory_space<semaphore_mem>>
        %dma_start3A_1121 = tpu.memref_squeeze %dma_start3A_1120 : memref<1x!tpu.dma_semaphore, #tpu.memory_space<semaphore_mem>> -> memref<!tpu.dma_semaphore, #tpu.memory_space<semaphore_mem>>
        %dma_start3A_1122 = arith.constant 0 : i32
        %dma_start3A_1123 = arith.constant 0 : i32
        %dma_start3A_1124 = tpu.memref_slice %arg5[%dma_start3A_1118, %dma_start3A_1122, %dma_start3A_1123] : memref<8x512x256xf32, #tpu.memory_space<vmem>> -> memref<1x512x256xf32, #tpu.memory_space<vmem>>
        %dma_start3A_1125 = tpu.memref_squeeze %dma_start3A_1124 : memref<1x512x256xf32, #tpu.memory_space<vmem>> -> memref<512x256xf32, #tpu.memory_space<vmem>>
        %dma_start3A_1126 = arith.constant 0 : i32
        %dma_start3A_1127 = tpu.memref_slice %arg1[%mul3A_1117, %dma_start3A_1126] : memref<16384x256xf32, #tpu.memory_space<any>> -> memref<512x256xf32, #tpu.memory_space<any>>
        tpu.enqueue_dma source(%dma_start3A_1127 : memref<512x256xf32, #tpu.memory_space<any>>) target(%dma_start3A_1125 : memref<512x256xf32, #tpu.memory_space<vmem>>) target_semaphore(%dma_start3A_1121 : memref<!tpu.dma_semaphore, #tpu.memory_space<semaphore_mem>>)
        %mul3A_1128 = arith.constant 512 : i32
        %mul3A_1129 = arith.muli %add3A_1115, %mul3A_1128 : i32
        %dma_start3A_1130 = arith.constant 6 : i32
        %dma_start3A_1131 = arith.constant 6 : i32
        %dma_start3A_1132 = tpu.memref_slice %arg10[%dma_start3A_1131] : memref<8x!tpu.dma_semaphore, #tpu.memory_space<semaphore_mem>> -> memref<1x!tpu.dma_semaphore, #tpu.memory_space<semaphore_mem>>
        %dma_start3A_1133 = tpu.memref_squeeze %dma_start3A_1132 : memref<1x!tpu.dma_semaphore, #tpu.memory_space<semaphore_mem>> -> memref<!tpu.dma_semaphore, #tpu.memory_space<semaphore_mem>>
        %dma_start3A_1134 = arith.constant 0 : i32
        %dma_start3A_1135 = arith.constant 0 : i32
        %dma_start3A_1136 = tpu.memref_slice %arg6[%dma_start3A_1130, %dma_start3A_1134, %dma_start3A_1135] : memref<8x512x256xf32, #tpu.memory_space<vmem>> -> memref<1x512x256xf32, #tpu.memory_space<vmem>>
        %dma_start3A_1137 = tpu.memref_squeeze %dma_start3A_1136 : memref<1x512x256xf32, #tpu.memory_space<vmem>> -> memref<512x256xf32, #tpu.memory_space<vmem>>
        %dma_start3A_1138 = arith.constant 0 : i32
        %dma_start3A_1139 = tpu.memref_slice %arg2[%mul3A_1129, %dma_start3A_1138] : memref<16384x256xf32, #tpu.memory_space<any>> -> memref<512x256xf32, #tpu.memory_space<any>>
        tpu.enqueue_dma source(%dma_start3A_1139 : memref<512x256xf32, #tpu.memory_space<any>>) target(%dma_start3A_1137 : memref<512x256xf32, #tpu.memory_space<vmem>>) target_semaphore(%dma_start3A_1133 : memref<!tpu.dma_semaphore, #tpu.memory_space<semaphore_mem>>)
      } else {
      }
      %mul3A_1016 = arith.constant 8 : i32
      %mul3A_1017 = arith.muli %scan3A_365, %mul3A_1016 : i32
      %add3A_1018 = arith.constant 7 : i32
      %add3A_1019 = arith.addi %mul3A_1017, %add3A_1018 : i32
      %mul3A_1020 = arith.constant 512 : i32
      %mul3A_1021 = arith.muli %add3A_1019, %mul3A_1020 : i32
      %dma_wait3A_1022 = arith.constant 7 : i32
      %dma_wait3A_1023 = arith.constant 7 : i32
      %dma_wait3A_1024 = tpu.memref_slice %arg9[%dma_wait3A_1023] : memref<8x!tpu.dma_semaphore, #tpu.memory_space<semaphore_mem>> -> memref<1x!tpu.dma_semaphore, #tpu.memory_space<semaphore_mem>>
      %dma_wait3A_1025 = tpu.memref_squeeze %dma_wait3A_1024 : memref<1x!tpu.dma_semaphore, #tpu.memory_space<semaphore_mem>> -> memref<!tpu.dma_semaphore, #tpu.memory_space<semaphore_mem>>
      %dma_wait3A_1026 = arith.constant 0 : i32
      %dma_wait3A_1027 = arith.constant 0 : i32
      %dma_wait3A_1028 = tpu.memref_slice %arg5[%dma_wait3A_1022, %dma_wait3A_1026, %dma_wait3A_1027] : memref<8x512x256xf32, #tpu.memory_space<vmem>> -> memref<1x512x256xf32, #tpu.memory_space<vmem>>
      %dma_wait3A_1029 = tpu.memref_squeeze %dma_wait3A_1028 : memref<1x512x256xf32, #tpu.memory_space<vmem>> -> memref<512x256xf32, #tpu.memory_space<vmem>>
      %dma_wait3A_1030 = arith.constant 0 : i32
      %dma_wait3A_1031 = tpu.memref_slice %arg1[%mul3A_1021, %dma_wait3A_1030] : memref<16384x256xf32, #tpu.memory_space<any>> -> memref<512x256xf32, #tpu.memory_space<any>>
      tpu.wait_dma2 semaphore(%dma_wait3A_1025 : memref<!tpu.dma_semaphore, #tpu.memory_space<semaphore_mem>>) src(%dma_wait3A_1031 : memref<512x256xf32, #tpu.memory_space<any>>) dst(%dma_wait3A_1029 : memref<512x256xf32, #tpu.memory_space<vmem>>)
      %mul3A_1032 = arith.constant 512 : i32
      %mul3A_1033 = arith.muli %add3A_1019, %mul3A_1032 : i32
      %dma_wait3A_1034 = arith.constant 7 : i32
      %dma_wait3A_1035 = arith.constant 7 : i32
      %dma_wait3A_1036 = tpu.memref_slice %arg10[%dma_wait3A_1035] : memref<8x!tpu.dma_semaphore, #tpu.memory_space<semaphore_mem>> -> memref<1x!tpu.dma_semaphore, #tpu.memory_space<semaphore_mem>>
      %dma_wait3A_1037 = tpu.memref_squeeze %dma_wait3A_1036 : memref<1x!tpu.dma_semaphore, #tpu.memory_space<semaphore_mem>> -> memref<!tpu.dma_semaphore, #tpu.memory_space<semaphore_mem>>
      %dma_wait3A_1038 = arith.constant 0 : i32
      %dma_wait3A_1039 = arith.constant 0 : i32
      %dma_wait3A_1040 = tpu.memref_slice %arg6[%dma_wait3A_1034, %dma_wait3A_1038, %dma_wait3A_1039] : memref<8x512x256xf32, #tpu.memory_space<vmem>> -> memref<1x512x256xf32, #tpu.memory_space<vmem>>
      %dma_wait3A_1041 = tpu.memref_squeeze %dma_wait3A_1040 : memref<1x512x256xf32, #tpu.memory_space<vmem>> -> memref<512x256xf32, #tpu.memory_space<vmem>>
      %dma_wait3A_1042 = arith.constant 0 : i32
      %dma_wait3A_1043 = tpu.memref_slice %arg2[%mul3A_1033, %dma_wait3A_1042] : memref<16384x256xf32, #tpu.memory_space<any>> -> memref<512x256xf32, #tpu.memory_space<any>>
      tpu.wait_dma2 semaphore(%dma_wait3A_1037 : memref<!tpu.dma_semaphore, #tpu.memory_space<semaphore_mem>>) src(%dma_wait3A_1043 : memref<512x256xf32, #tpu.memory_space<any>>) dst(%dma_wait3A_1041 : memref<512x256xf32, #tpu.memory_space<vmem>>)
      %gt3A_1044 = arith.constant 0 : i32
      %gt3A_1045 = arith.cmpi sgt, %scan3A_365, %gt3A_1044 : i32
      %convert_element_type3A_1046 = arith.extui %gt3A_1045 : i1 to i32
      %cond3A_1047 = arith.constant 0 : i32
      %cond3A_1048 = arith.cmpi ne, %convert_element_type3A_1046, %cond3A_1047 : i32
      scf.if %cond3A_1048 {
        %sub3A_1110 = arith.constant 1 : i32
        %sub3A_1111 = arith.subi %scan3A_365, %sub3A_1110 : i32
        %mul3A_1112 = arith.constant 8 : i32
        %mul3A_1113 = arith.muli %sub3A_1111, %mul3A_1112 : i32
        %add3A_1114 = arith.constant 7 : i32
        %add3A_1115 = arith.addi %mul3A_1113, %add3A_1114 : i32
        %mul3A_1116 = arith.constant 512 : i32
        %mul3A_1117 = arith.muli %add3A_1115, %mul3A_1116 : i32
        %dma_wait3A_1118 = arith.constant 7 : i32
        %dma_wait3A_1119 = arith.constant 7 : i32
        %dma_wait3A_1120 = tpu.memref_slice %arg11[%dma_wait3A_1119] : memref<8x!tpu.dma_semaphore, #tpu.memory_space<semaphore_mem>> -> memref<1x!tpu.dma_semaphore, #tpu.memory_space<semaphore_mem>>
        %dma_wait3A_1121 = tpu.memref_squeeze %dma_wait3A_1120 : memref<1x!tpu.dma_semaphore, #tpu.memory_space<semaphore_mem>> -> memref<!tpu.dma_semaphore, #tpu.memory_space<semaphore_mem>>
        %dma_wait3A_1122 = arith.constant 0 : i32
        %dma_wait3A_1123 = tpu.memref_slice %arg3[%mul3A_1117, %dma_wait3A_1122] : memref<16384x256xf32, #tpu.memory_space<any>> -> memref<512x256xf32, #tpu.memory_space<any>>
        %dma_wait3A_1124 = arith.constant 0 : i32
        %dma_wait3A_1125 = arith.constant 0 : i32
        %dma_wait3A_1126 = tpu.memref_slice %arg7[%dma_wait3A_1118, %dma_wait3A_1124, %dma_wait3A_1125] : memref<8x512x256xf32, #tpu.memory_space<vmem>> -> memref<1x512x256xf32, #tpu.memory_space<vmem>>
        %dma_wait3A_1127 = tpu.memref_squeeze %dma_wait3A_1126 : memref<1x512x256xf32, #tpu.memory_space<vmem>> -> memref<512x256xf32, #tpu.memory_space<vmem>>
        tpu.wait_dma2 semaphore(%dma_wait3A_1121 : memref<!tpu.dma_semaphore, #tpu.memory_space<semaphore_mem>>) src(%dma_wait3A_1127 : memref<512x256xf32, #tpu.memory_space<vmem>>) dst(%dma_wait3A_1123 : memref<512x256xf32, #tpu.memory_space<any>>)
        %mul3A_1128 = arith.constant 512 : i32
        %mul3A_1129 = arith.muli %add3A_1115, %mul3A_1128 : i32
        %dma_wait3A_1130 = arith.constant 7 : i32
        %dma_wait3A_1131 = arith.constant 7 : i32
        %dma_wait3A_1132 = tpu.memref_slice %arg12[%dma_wait3A_1131] : memref<8x!tpu.dma_semaphore, #tpu.memory_space<semaphore_mem>> -> memref<1x!tpu.dma_semaphore, #tpu.memory_space<semaphore_mem>>
        %dma_wait3A_1133 = tpu.memref_squeeze %dma_wait3A_1132 : memref<1x!tpu.dma_semaphore, #tpu.memory_space<semaphore_mem>> -> memref<!tpu.dma_semaphore, #tpu.memory_space<semaphore_mem>>
        %dma_wait3A_1134 = arith.constant 0 : i32
        %dma_wait3A_1135 = tpu.memref_slice %arg4[%mul3A_1129, %dma_wait3A_1134] : memref<16384x256xf32, #tpu.memory_space<any>> -> memref<512x256xf32, #tpu.memory_space<any>>
        %dma_wait3A_1136 = arith.constant 0 : i32
        %dma_wait3A_1137 = arith.constant 0 : i32
        %dma_wait3A_1138 = tpu.memref_slice %arg8[%dma_wait3A_1130, %dma_wait3A_1136, %dma_wait3A_1137] : memref<8x512x256xf32, #tpu.memory_space<vmem>> -> memref<1x512x256xf32, #tpu.memory_space<vmem>>
        %dma_wait3A_1139 = tpu.memref_squeeze %dma_wait3A_1138 : memref<1x512x256xf32, #tpu.memory_space<vmem>> -> memref<512x256xf32, #tpu.memory_space<vmem>>
        tpu.wait_dma2 semaphore(%dma_wait3A_1133 : memref<!tpu.dma_semaphore, #tpu.memory_space<semaphore_mem>>) src(%dma_wait3A_1139 : memref<512x256xf32, #tpu.memory_space<vmem>>) dst(%dma_wait3A_1135 : memref<512x256xf32, #tpu.memory_space<any>>)
      } else {
      }
      %get3A_1049 = arith.constant 7 : index
      %get3A_1050 = arith.constant 0 : index
      %get3A_1051 = arith.constant 0 : index
      %get3A_1052 = vector.load %arg5[%get3A_1049, %get3A_1050, %get3A_1051] : memref<8x512x256xf32, #tpu.memory_space<vmem>>, vector<1x512x256xf32>
      %get3A_1053 = vector.shape_cast %get3A_1052 : vector<1x512x256xf32> to vector<512x256xf32>
      %get3A_1054 = arith.constant 7 : index
      %get3A_1055 = arith.constant 0 : index
      %get3A_1056 = arith.constant 0 : index
      %get3A_1057 = vector.load %arg6[%get3A_1054, %get3A_1055, %get3A_1056] : memref<8x512x256xf32, #tpu.memory_space<vmem>>, vector<1x512x256xf32>
      %get3A_1058 = vector.shape_cast %get3A_1057 : vector<1x512x256xf32> to vector<512x256xf32>
      %mul3A_1059 = vector.broadcast %get3A_176 : vector<1x256xf32> to vector<512x256xf32>
      %mul3A_1060 = arith.mulf %mul3A_1059, %get3A_1053 : vector<512x256xf32>
      %mul3A_1061 = vector.broadcast %get3A_179 : vector<1x256xf32> to vector<512x256xf32>
      %mul3A_1062 = arith.mulf %mul3A_1061, %get3A_1058 : vector<512x256xf32>
      %sub3A_1063 = arith.subf %mul3A_1060, %mul3A_1062 : vector<512x256xf32>
      %mul3A_1064 = vector.broadcast %get3A_182 : vector<1x256xf32> to vector<512x256xf32>
      %mul3A_1065 = arith.mulf %mul3A_1064, %sub3A_1063 : vector<512x256xf32>
      %mul3A_1066 = vector.broadcast %get3A_185 : vector<1x256xf32> to vector<512x256xf32>
      %mul3A_1067 = arith.mulf %mul3A_1066, %get3A_1053 : vector<512x256xf32>
      %add3A_1068 = arith.addf %mul3A_1065, %mul3A_1067 : vector<512x256xf32>
      %swap3A_1069 = arith.constant 7 : index
      %swap3A_1070 = arith.constant 0 : index
      %swap3A_1071 = arith.constant 0 : index
      %swap3A_1072 = vector.load %arg7[%swap3A_1069, %swap3A_1070, %swap3A_1071] : memref<8x512x256xf32, #tpu.memory_space<vmem>>, vector<1x512x256xf32>
      %swap3A_1073 = vector.shape_cast %swap3A_1072 : vector<1x512x256xf32> to vector<512x256xf32>
      %swap3A_1074 = vector.shape_cast %sub3A_1063 : vector<512x256xf32> to vector<1x512x256xf32>
      tpu.vector_store %arg7[%swap3A_1069, %swap3A_1070, %swap3A_1071], %swap3A_1074 {strides = array<i32>} : memref<8x512x256xf32, #tpu.memory_space<vmem>>, vector<1x512x256xf32>,
      %swap3A_1075 = arith.constant 7 : index
      %swap3A_1076 = arith.constant 0 : index
      %swap3A_1077 = arith.constant 0 : index
      %swap3A_1078 = vector.load %arg8[%swap3A_1075, %swap3A_1076, %swap3A_1077] : memref<8x512x256xf32, #tpu.memory_space<vmem>>, vector<1x512x256xf32>
      %swap3A_1079 = vector.shape_cast %swap3A_1078 : vector<1x512x256xf32> to vector<512x256xf32>
      %swap3A_1080 = vector.shape_cast %add3A_1068 : vector<512x256xf32> to vector<1x512x256xf32>
      tpu.vector_store %arg8[%swap3A_1075, %swap3A_1076, %swap3A_1077], %swap3A_1080 {strides = array<i32>} : memref<8x512x256xf32, #tpu.memory_space<vmem>>, vector<1x512x256xf32>,
      %mul3A_1081 = arith.constant 512 : i32
      %mul3A_1082 = arith.muli %add3A_1019, %mul3A_1081 : i32
      %dma_start3A_1083 = arith.constant 7 : i32
      %dma_start3A_1084 = arith.constant 7 : i32
      %dma_start3A_1085 = tpu.memref_slice %arg11[%dma_start3A_1084] : memref<8x!tpu.dma_semaphore, #tpu.memory_space<semaphore_mem>> -> memref<1x!tpu.dma_semaphore, #tpu.memory_space<semaphore_mem>>
      %dma_start3A_1086 = tpu.memref_squeeze %dma_start3A_1085 : memref<1x!tpu.dma_semaphore, #tpu.memory_space<semaphore_mem>> -> memref<!tpu.dma_semaphore, #tpu.memory_space<semaphore_mem>>
      %dma_start3A_1087 = arith.constant 0 : i32
      %dma_start3A_1088 = tpu.memref_slice %arg3[%mul3A_1082, %dma_start3A_1087] : memref<16384x256xf32, #tpu.memory_space<any>> -> memref<512x256xf32, #tpu.memory_space<any>>
      %dma_start3A_1089 = arith.constant 0 : i32
      %dma_start3A_1090 = arith.constant 0 : i32
      %dma_start3A_1091 = tpu.memref_slice %arg7[%dma_start3A_1083, %dma_start3A_1089, %dma_start3A_1090] : memref<8x512x256xf32, #tpu.memory_space<vmem>> -> memref<1x512x256xf32, #tpu.memory_space<vmem>>
      %dma_start3A_1092 = tpu.memref_squeeze %dma_start3A_1091 : memref<1x512x256xf32, #tpu.memory_space<vmem>> -> memref<512x256xf32, #tpu.memory_space<vmem>>
      tpu.enqueue_dma source(%dma_start3A_1092 : memref<512x256xf32, #tpu.memory_space<vmem>>) target(%dma_start3A_1088 : memref<512x256xf32, #tpu.memory_space<any>>) target_semaphore(%dma_start3A_1086 : memref<!tpu.dma_semaphore, #tpu.memory_space<semaphore_mem>>)
      %mul3A_1093 = arith.constant 512 : i32
      %mul3A_1094 = arith.muli %add3A_1019, %mul3A_1093 : i32
      %dma_start3A_1095 = arith.constant 7 : i32
      %dma_start3A_1096 = arith.constant 7 : i32
      %dma_start3A_1097 = tpu.memref_slice %arg12[%dma_start3A_1096] : memref<8x!tpu.dma_semaphore, #tpu.memory_space<semaphore_mem>> -> memref<1x!tpu.dma_semaphore, #tpu.memory_space<semaphore_mem>>
      %dma_start3A_1098 = tpu.memref_squeeze %dma_start3A_1097 : memref<1x!tpu.dma_semaphore, #tpu.memory_space<semaphore_mem>> -> memref<!tpu.dma_semaphore, #tpu.memory_space<semaphore_mem>>
      %dma_start3A_1099 = arith.constant 0 : i32
      %dma_start3A_1100 = tpu.memref_slice %arg4[%mul3A_1094, %dma_start3A_1099] : memref<16384x256xf32, #tpu.memory_space<any>> -> memref<512x256xf32, #tpu.memory_space<any>>
      %dma_start3A_1101 = arith.constant 0 : i32
      %dma_start3A_1102 = arith.constant 0 : i32
      %dma_start3A_1103 = tpu.memref_slice %arg8[%dma_start3A_1095, %dma_start3A_1101, %dma_start3A_1102] : memref<8x512x256xf32, #tpu.memory_space<vmem>> -> memref<1x512x256xf32, #tpu.memory_space<vmem>>
      %dma_start3A_1104 = tpu.memref_squeeze %dma_start3A_1103 : memref<1x512x256xf32, #tpu.memory_space<vmem>> -> memref<512x256xf32, #tpu.memory_space<vmem>>
      tpu.enqueue_dma source(%dma_start3A_1104 : memref<512x256xf32, #tpu.memory_space<vmem>>) target(%dma_start3A_1100 : memref<512x256xf32, #tpu.memory_space<any>>) target_semaphore(%dma_start3A_1098 : memref<!tpu.dma_semaphore, #tpu.memory_space<semaphore_mem>>)
      %lt3A_1105 = arith.constant 3 : i32
      %lt3A_1106 = arith.cmpi slt, %scan3A_365, %lt3A_1105 : i32
      %convert_element_type3A_1107 = arith.extui %lt3A_1106 : i1 to i32
      %cond3A_1108 = arith.constant 0 : i32
      %cond3A_1109 = arith.cmpi ne, %convert_element_type3A_1107, %cond3A_1108 : i32
      scf.if %cond3A_1109 {
        %add3A_1110 = arith.constant 1 : i32
        %add3A_1111 = arith.addi %scan3A_365, %add3A_1110 : i32
        %mul3A_1112 = arith.constant 8 : i32
        %mul3A_1113 = arith.muli %add3A_1111, %mul3A_1112 : i32
        %add3A_1114 = arith.constant 7 : i32
        %add3A_1115 = arith.addi %mul3A_1113, %add3A_1114 : i32
        %mul3A_1116 = arith.constant 512 : i32
        %mul3A_1117 = arith.muli %add3A_1115, %mul3A_1116 : i32
        %dma_start3A_1118 = arith.constant 7 : i32
        %dma_start3A_1119 = arith.constant 7 : i32
        %dma_start3A_1120 = tpu.memref_slice %arg9[%dma_start3A_1119] : memref<8x!tpu.dma_semaphore, #tpu.memory_space<semaphore_mem>> -> memref<1x!tpu.dma_semaphore, #tpu.memory_space<semaphore_mem>>
        %dma_start3A_1121 = tpu.memref_squeeze %dma_start3A_1120 : memref<1x!tpu.dma_semaphore, #tpu.memory_space<semaphore_mem>> -> memref<!tpu.dma_semaphore, #tpu.memory_space<semaphore_mem>>
        %dma_start3A_1122 = arith.constant 0 : i32
        %dma_start3A_1123 = arith.constant 0 : i32
        %dma_start3A_1124 = tpu.memref_slice %arg5[%dma_start3A_1118, %dma_start3A_1122, %dma_start3A_1123] : memref<8x512x256xf32, #tpu.memory_space<vmem>> -> memref<1x512x256xf32, #tpu.memory_space<vmem>>
        %dma_start3A_1125 = tpu.memref_squeeze %dma_start3A_1124 : memref<1x512x256xf32, #tpu.memory_space<vmem>> -> memref<512x256xf32, #tpu.memory_space<vmem>>
        %dma_start3A_1126 = arith.constant 0 : i32
        %dma_start3A_1127 = tpu.memref_slice %arg1[%mul3A_1117, %dma_start3A_1126] : memref<16384x256xf32, #tpu.memory_space<any>> -> memref<512x256xf32, #tpu.memory_space<any>>
        tpu.enqueue_dma source(%dma_start3A_1127 : memref<512x256xf32, #tpu.memory_space<any>>) target(%dma_start3A_1125 : memref<512x256xf32, #tpu.memory_space<vmem>>) target_semaphore(%dma_start3A_1121 : memref<!tpu.dma_semaphore, #tpu.memory_space<semaphore_mem>>)
        %mul3A_1128 = arith.constant 512 : i32
        %mul3A_1129 = arith.muli %add3A_1115, %mul3A_1128 : i32
        %dma_start3A_1130 = arith.constant 7 : i32
        %dma_start3A_1131 = arith.constant 7 : i32
        %dma_start3A_1132 = tpu.memref_slice %arg10[%dma_start3A_1131] : memref<8x!tpu.dma_semaphore, #tpu.memory_space<semaphore_mem>> -> memref<1x!tpu.dma_semaphore, #tpu.memory_space<semaphore_mem>>
        %dma_start3A_1133 = tpu.memref_squeeze %dma_start3A_1132 : memref<1x!tpu.dma_semaphore, #tpu.memory_space<semaphore_mem>> -> memref<!tpu.dma_semaphore, #tpu.memory_space<semaphore_mem>>
        %dma_start3A_1134 = arith.constant 0 : i32
        %dma_start3A_1135 = arith.constant 0 : i32
        %dma_start3A_1136 = tpu.memref_slice %arg6[%dma_start3A_1130, %dma_start3A_1134, %dma_start3A_1135] : memref<8x512x256xf32, #tpu.memory_space<vmem>> -> memref<1x512x256xf32, #tpu.memory_space<vmem>>
        %dma_start3A_1137 = tpu.memref_squeeze %dma_start3A_1136 : memref<1x512x256xf32, #tpu.memory_space<vmem>> -> memref<512x256xf32, #tpu.memory_space<vmem>>
        %dma_start3A_1138 = arith.constant 0 : i32
        %dma_start3A_1139 = tpu.memref_slice %arg2[%mul3A_1129, %dma_start3A_1138] : memref<16384x256xf32, #tpu.memory_space<any>> -> memref<512x256xf32, #tpu.memory_space<any>>
        tpu.enqueue_dma source(%dma_start3A_1139 : memref<512x256xf32, #tpu.memory_space<any>>) target(%dma_start3A_1137 : memref<512x256xf32, #tpu.memory_space<vmem>>) target_semaphore(%dma_start3A_1133 : memref<!tpu.dma_semaphore, #tpu.memory_space<semaphore_mem>>)
      } else {
      }
    }
    %scan3A_189 = arith.constant 4 : i32
    %dma_wait3A = arith.constant 0 : i32
    %dma_wait3A_190 = arith.constant 0 : i32
    %dma_wait3A_191 = tpu.memref_slice %arg11[%dma_wait3A_190] : memref<8x!tpu.dma_semaphore, #tpu.memory_space<semaphore_mem>> -> memref<1x!tpu.dma_semaphore, #tpu.memory_space<semaphore_mem>>
    %dma_wait3A_192 = tpu.memref_squeeze %dma_wait3A_191 : memref<1x!tpu.dma_semaphore, #tpu.memory_space<semaphore_mem>> -> memref<!tpu.dma_semaphore, #tpu.memory_space<semaphore_mem>>
    %dma_wait3A_193 = arith.constant 12288 : i32
    %dma_wait3A_194 = arith.constant 0 : i32
    %dma_wait3A_195 = tpu.memref_slice %arg3[%dma_wait3A_193, %dma_wait3A_194] : memref<16384x256xf32, #tpu.memory_space<any>> -> memref<512x256xf32, #tpu.memory_space<any>>
    %dma_wait3A_196 = arith.constant 0 : i32
    %dma_wait3A_197 = arith.constant 0 : i32
    %dma_wait3A_198 = tpu.memref_slice %arg7[%dma_wait3A, %dma_wait3A_196, %dma_wait3A_197] : memref<8x512x256xf32, #tpu.memory_space<vmem>> -> memref<1x512x256xf32, #tpu.memory_space<vmem>>
    %dma_wait3A_199 = tpu.memref_squeeze %dma_wait3A_198 : memref<1x512x256xf32, #tpu.memory_space<vmem>> -> memref<512x256xf32, #tpu.memory_space<vmem>>
    tpu.wait_dma2 semaphore(%dma_wait3A_192 : memref<!tpu.dma_semaphore, #tpu.memory_space<semaphore_mem>>) src(%dma_wait3A_199 : memref<512x256xf32, #tpu.memory_space<vmem>>) dst(%dma_wait3A_195 : memref<512x256xf32, #tpu.memory_space<any>>)
    %dma_wait3A_200 = arith.constant 0 : i32
    %dma_wait3A_201 = arith.constant 0 : i32
    %dma_wait3A_202 = tpu.memref_slice %arg12[%dma_wait3A_201] : memref<8x!tpu.dma_semaphore, #tpu.memory_space<semaphore_mem>> -> memref<1x!tpu.dma_semaphore, #tpu.memory_space<semaphore_mem>>
    %dma_wait3A_203 = tpu.memref_squeeze %dma_wait3A_202 : memref<1x!tpu.dma_semaphore, #tpu.memory_space<semaphore_mem>> -> memref<!tpu.dma_semaphore, #tpu.memory_space<semaphore_mem>>
    %dma_wait3A_204 = arith.constant 12288 : i32
    %dma_wait3A_205 = arith.constant 0 : i32
    %dma_wait3A_206 = tpu.memref_slice %arg4[%dma_wait3A_204, %dma_wait3A_205] : memref<16384x256xf32, #tpu.memory_space<any>> -> memref<512x256xf32, #tpu.memory_space<any>>
    %dma_wait3A_207 = arith.constant 0 : i32
    %dma_wait3A_208 = arith.constant 0 : i32
    %dma_wait3A_209 = tpu.memref_slice %arg8[%dma_wait3A_200, %dma_wait3A_207, %dma_wait3A_208] : memref<8x512x256xf32, #tpu.memory_space<vmem>> -> memref<1x512x256xf32, #tpu.memory_space<vmem>>
    %dma_wait3A_210 = tpu.memref_squeeze %dma_wait3A_209 : memref<1x512x256xf32, #tpu.memory_space<vmem>> -> memref<512x256xf32, #tpu.memory_space<vmem>>
    tpu.wait_dma2 semaphore(%dma_wait3A_203 : memref<!tpu.dma_semaphore, #tpu.memory_space<semaphore_mem>>) src(%dma_wait3A_210 : memref<512x256xf32, #tpu.memory_space<vmem>>) dst(%dma_wait3A_206 : memref<512x256xf32, #tpu.memory_space<any>>)
    %dma_wait3A_211 = arith.constant 1 : i32
    %dma_wait3A_212 = arith.constant 1 : i32
    %dma_wait3A_213 = tpu.memref_slice %arg11[%dma_wait3A_212] : memref<8x!tpu.dma_semaphore, #tpu.memory_space<semaphore_mem>> -> memref<1x!tpu.dma_semaphore, #tpu.memory_space<semaphore_mem>>
    %dma_wait3A_214 = tpu.memref_squeeze %dma_wait3A_213 : memref<1x!tpu.dma_semaphore, #tpu.memory_space<semaphore_mem>> -> memref<!tpu.dma_semaphore, #tpu.memory_space<semaphore_mem>>
    %dma_wait3A_215 = arith.constant 12800 : i32
    %dma_wait3A_216 = arith.constant 0 : i32
    %dma_wait3A_217 = tpu.memref_slice %arg3[%dma_wait3A_215, %dma_wait3A_216] : memref<16384x256xf32, #tpu.memory_space<any>> -> memref<512x256xf32, #tpu.memory_space<any>>
    %dma_wait3A_218 = arith.constant 0 : i32
    %dma_wait3A_219 = arith.constant 0 : i32
    %dma_wait3A_220 = tpu.memref_slice %arg7[%dma_wait3A_211, %dma_wait3A_218, %dma_wait3A_219] : memref<8x512x256xf32, #tpu.memory_space<vmem>> -> memref<1x512x256xf32, #tpu.memory_space<vmem>>
    %dma_wait3A_221 = tpu.memref_squeeze %dma_wait3A_220 : memref<1x512x256xf32, #tpu.memory_space<vmem>> -> memref<512x256xf32, #tpu.memory_space<vmem>>
    tpu.wait_dma2 semaphore(%dma_wait3A_214 : memref<!tpu.dma_semaphore, #tpu.memory_space<semaphore_mem>>) src(%dma_wait3A_221 : memref<512x256xf32, #tpu.memory_space<vmem>>) dst(%dma_wait3A_217 : memref<512x256xf32, #tpu.memory_space<any>>)
    %dma_wait3A_222 = arith.constant 1 : i32
    %dma_wait3A_223 = arith.constant 1 : i32
    %dma_wait3A_224 = tpu.memref_slice %arg12[%dma_wait3A_223] : memref<8x!tpu.dma_semaphore, #tpu.memory_space<semaphore_mem>> -> memref<1x!tpu.dma_semaphore, #tpu.memory_space<semaphore_mem>>
    %dma_wait3A_225 = tpu.memref_squeeze %dma_wait3A_224 : memref<1x!tpu.dma_semaphore, #tpu.memory_space<semaphore_mem>> -> memref<!tpu.dma_semaphore, #tpu.memory_space<semaphore_mem>>
    %dma_wait3A_226 = arith.constant 12800 : i32
    %dma_wait3A_227 = arith.constant 0 : i32
    %dma_wait3A_228 = tpu.memref_slice %arg4[%dma_wait3A_226, %dma_wait3A_227] : memref<16384x256xf32, #tpu.memory_space<any>> -> memref<512x256xf32, #tpu.memory_space<any>>
    %dma_wait3A_229 = arith.constant 0 : i32
    %dma_wait3A_230 = arith.constant 0 : i32
    %dma_wait3A_231 = tpu.memref_slice %arg8[%dma_wait3A_222, %dma_wait3A_229, %dma_wait3A_230] : memref<8x512x256xf32, #tpu.memory_space<vmem>> -> memref<1x512x256xf32, #tpu.memory_space<vmem>>
    %dma_wait3A_232 = tpu.memref_squeeze %dma_wait3A_231 : memref<1x512x256xf32, #tpu.memory_space<vmem>> -> memref<512x256xf32, #tpu.memory_space<vmem>>
    tpu.wait_dma2 semaphore(%dma_wait3A_225 : memref<!tpu.dma_semaphore, #tpu.memory_space<semaphore_mem>>) src(%dma_wait3A_232 : memref<512x256xf32, #tpu.memory_space<vmem>>) dst(%dma_wait3A_228 : memref<512x256xf32, #tpu.memory_space<any>>)
    %dma_wait3A_233 = arith.constant 2 : i32
    %dma_wait3A_234 = arith.constant 2 : i32
    %dma_wait3A_235 = tpu.memref_slice %arg11[%dma_wait3A_234] : memref<8x!tpu.dma_semaphore, #tpu.memory_space<semaphore_mem>> -> memref<1x!tpu.dma_semaphore, #tpu.memory_space<semaphore_mem>>
    %dma_wait3A_236 = tpu.memref_squeeze %dma_wait3A_235 : memref<1x!tpu.dma_semaphore, #tpu.memory_space<semaphore_mem>> -> memref<!tpu.dma_semaphore, #tpu.memory_space<semaphore_mem>>
    %dma_wait3A_237 = arith.constant 13312 : i32
    %dma_wait3A_238 = arith.constant 0 : i32
    %dma_wait3A_239 = tpu.memref_slice %arg3[%dma_wait3A_237, %dma_wait3A_238] : memref<16384x256xf32, #tpu.memory_space<any>> -> memref<512x256xf32, #tpu.memory_space<any>>
    %dma_wait3A_240 = arith.constant 0 : i32
    %dma_wait3A_241 = arith.constant 0 : i32
    %dma_wait3A_242 = tpu.memref_slice %arg7[%dma_wait3A_233, %dma_wait3A_240, %dma_wait3A_241] : memref<8x512x256xf32, #tpu.memory_space<vmem>> -> memref<1x512x256xf32, #tpu.memory_space<vmem>>
    %dma_wait3A_243 = tpu.memref_squeeze %dma_wait3A_242 : memref<1x512x256xf32, #tpu.memory_space<vmem>> -> memref<512x256xf32, #tpu.memory_space<vmem>>
    tpu.wait_dma2 semaphore(%dma_wait3A_236 : memref<!tpu.dma_semaphore, #tpu.memory_space<semaphore_mem>>) src(%dma_wait3A_243 : memref<512x256xf32, #tpu.memory_space<vmem>>) dst(%dma_wait3A_239 : memref<512x256xf32, #tpu.memory_space<any>>)
    %dma_wait3A_244 = arith.constant 2 : i32
    %dma_wait3A_245 = arith.constant 2 : i32
    %dma_wait3A_246 = tpu.memref_slice %arg12[%dma_wait3A_245] : memref<8x!tpu.dma_semaphore, #tpu.memory_space<semaphore_mem>> -> memref<1x!tpu.dma_semaphore, #tpu.memory_space<semaphore_mem>>
    %dma_wait3A_247 = tpu.memref_squeeze %dma_wait3A_246 : memref<1x!tpu.dma_semaphore, #tpu.memory_space<semaphore_mem>> -> memref<!tpu.dma_semaphore, #tpu.memory_space<semaphore_mem>>
    %dma_wait3A_248 = arith.constant 13312 : i32
    %dma_wait3A_249 = arith.constant 0 : i32
    %dma_wait3A_250 = tpu.memref_slice %arg4[%dma_wait3A_248, %dma_wait3A_249] : memref<16384x256xf32, #tpu.memory_space<any>> -> memref<512x256xf32, #tpu.memory_space<any>>
    %dma_wait3A_251 = arith.constant 0 : i32
    %dma_wait3A_252 = arith.constant 0 : i32
    %dma_wait3A_253 = tpu.memref_slice %arg8[%dma_wait3A_244, %dma_wait3A_251, %dma_wait3A_252] : memref<8x512x256xf32, #tpu.memory_space<vmem>> -> memref<1x512x256xf32, #tpu.memory_space<vmem>>
    %dma_wait3A_254 = tpu.memref_squeeze %dma_wait3A_253 : memref<1x512x256xf32, #tpu.memory_space<vmem>> -> memref<512x256xf32, #tpu.memory_space<vmem>>
    tpu.wait_dma2 semaphore(%dma_wait3A_247 : memref<!tpu.dma_semaphore, #tpu.memory_space<semaphore_mem>>) src(%dma_wait3A_254 : memref<512x256xf32, #tpu.memory_space<vmem>>) dst(%dma_wait3A_250 : memref<512x256xf32, #tpu.memory_space<any>>)
    %dma_wait3A_255 = arith.constant 3 : i32
    %dma_wait3A_256 = arith.constant 3 : i32
    %dma_wait3A_257 = tpu.memref_slice %arg11[%dma_wait3A_256] : memref<8x!tpu.dma_semaphore, #tpu.memory_space<semaphore_mem>> -> memref<1x!tpu.dma_semaphore, #tpu.memory_space<semaphore_mem>>
    %dma_wait3A_258 = tpu.memref_squeeze %dma_wait3A_257 : memref<1x!tpu.dma_semaphore, #tpu.memory_space<semaphore_mem>> -> memref<!tpu.dma_semaphore, #tpu.memory_space<semaphore_mem>>
    %dma_wait3A_259 = arith.constant 13824 : i32
    %dma_wait3A_260 = arith.constant 0 : i32
    %dma_wait3A_261 = tpu.memref_slice %arg3[%dma_wait3A_259, %dma_wait3A_260] : memref<16384x256xf32, #tpu.memory_space<any>> -> memref<512x256xf32, #tpu.memory_space<any>>
    %dma_wait3A_262 = arith.constant 0 : i32
    %dma_wait3A_263 = arith.constant 0 : i32
    %dma_wait3A_264 = tpu.memref_slice %arg7[%dma_wait3A_255, %dma_wait3A_262, %dma_wait3A_263] : memref<8x512x256xf32, #tpu.memory_space<vmem>> -> memref<1x512x256xf32, #tpu.memory_space<vmem>>
    %dma_wait3A_265 = tpu.memref_squeeze %dma_wait3A_264 : memref<1x512x256xf32, #tpu.memory_space<vmem>> -> memref<512x256xf32, #tpu.memory_space<vmem>>
    tpu.wait_dma2 semaphore(%dma_wait3A_258 : memref<!tpu.dma_semaphore, #tpu.memory_space<semaphore_mem>>) src(%dma_wait3A_265 : memref<512x256xf32, #tpu.memory_space<vmem>>) dst(%dma_wait3A_261 : memref<512x256xf32, #tpu.memory_space<any>>)
    %dma_wait3A_266 = arith.constant 3 : i32
    %dma_wait3A_267 = arith.constant 3 : i32
    %dma_wait3A_268 = tpu.memref_slice %arg12[%dma_wait3A_267] : memref<8x!tpu.dma_semaphore, #tpu.memory_space<semaphore_mem>> -> memref<1x!tpu.dma_semaphore, #tpu.memory_space<semaphore_mem>>
    %dma_wait3A_269 = tpu.memref_squeeze %dma_wait3A_268 : memref<1x!tpu.dma_semaphore, #tpu.memory_space<semaphore_mem>> -> memref<!tpu.dma_semaphore, #tpu.memory_space<semaphore_mem>>
    %dma_wait3A_270 = arith.constant 13824 : i32
    %dma_wait3A_271 = arith.constant 0 : i32
    %dma_wait3A_272 = tpu.memref_slice %arg4[%dma_wait3A_270, %dma_wait3A_271] : memref<16384x256xf32, #tpu.memory_space<any>> -> memref<512x256xf32, #tpu.memory_space<any>>
    %dma_wait3A_273 = arith.constant 0 : i32
    %dma_wait3A_274 = arith.constant 0 : i32
    %dma_wait3A_275 = tpu.memref_slice %arg8[%dma_wait3A_266, %dma_wait3A_273, %dma_wait3A_274] : memref<8x512x256xf32, #tpu.memory_space<vmem>> -> memref<1x512x256xf32, #tpu.memory_space<vmem>>
    %dma_wait3A_276 = tpu.memref_squeeze %dma_wait3A_275 : memref<1x512x256xf32, #tpu.memory_space<vmem>> -> memref<512x256xf32, #tpu.memory_space<vmem>>
    tpu.wait_dma2 semaphore(%dma_wait3A_269 : memref<!tpu.dma_semaphore, #tpu.memory_space<semaphore_mem>>) src(%dma_wait3A_276 : memref<512x256xf32, #tpu.memory_space<vmem>>) dst(%dma_wait3A_272 : memref<512x256xf32, #tpu.memory_space<any>>)
    %dma_wait3A_277 = arith.constant 4 : i32
    %dma_wait3A_278 = arith.constant 4 : i32
    %dma_wait3A_279 = tpu.memref_slice %arg11[%dma_wait3A_278] : memref<8x!tpu.dma_semaphore, #tpu.memory_space<semaphore_mem>> -> memref<1x!tpu.dma_semaphore, #tpu.memory_space<semaphore_mem>>
    %dma_wait3A_280 = tpu.memref_squeeze %dma_wait3A_279 : memref<1x!tpu.dma_semaphore, #tpu.memory_space<semaphore_mem>> -> memref<!tpu.dma_semaphore, #tpu.memory_space<semaphore_mem>>
    %dma_wait3A_281 = arith.constant 14336 : i32
    %dma_wait3A_282 = arith.constant 0 : i32
    %dma_wait3A_283 = tpu.memref_slice %arg3[%dma_wait3A_281, %dma_wait3A_282] : memref<16384x256xf32, #tpu.memory_space<any>> -> memref<512x256xf32, #tpu.memory_space<any>>
    %dma_wait3A_284 = arith.constant 0 : i32
    %dma_wait3A_285 = arith.constant 0 : i32
    %dma_wait3A_286 = tpu.memref_slice %arg7[%dma_wait3A_277, %dma_wait3A_284, %dma_wait3A_285] : memref<8x512x256xf32, #tpu.memory_space<vmem>> -> memref<1x512x256xf32, #tpu.memory_space<vmem>>
    %dma_wait3A_287 = tpu.memref_squeeze %dma_wait3A_286 : memref<1x512x256xf32, #tpu.memory_space<vmem>> -> memref<512x256xf32, #tpu.memory_space<vmem>>
    tpu.wait_dma2 semaphore(%dma_wait3A_280 : memref<!tpu.dma_semaphore, #tpu.memory_space<semaphore_mem>>) src(%dma_wait3A_287 : memref<512x256xf32, #tpu.memory_space<vmem>>) dst(%dma_wait3A_283 : memref<512x256xf32, #tpu.memory_space<any>>)
    %dma_wait3A_288 = arith.constant 4 : i32
    %dma_wait3A_289 = arith.constant 4 : i32
    %dma_wait3A_290 = tpu.memref_slice %arg12[%dma_wait3A_289] : memref<8x!tpu.dma_semaphore, #tpu.memory_space<semaphore_mem>> -> memref<1x!tpu.dma_semaphore, #tpu.memory_space<semaphore_mem>>
    %dma_wait3A_291 = tpu.memref_squeeze %dma_wait3A_290 : memref<1x!tpu.dma_semaphore, #tpu.memory_space<semaphore_mem>> -> memref<!tpu.dma_semaphore, #tpu.memory_space<semaphore_mem>>
    %dma_wait3A_292 = arith.constant 14336 : i32
    %dma_wait3A_293 = arith.constant 0 : i32
    %dma_wait3A_294 = tpu.memref_slice %arg4[%dma_wait3A_292, %dma_wait3A_293] : memref<16384x256xf32, #tpu.memory_space<any>> -> memref<512x256xf32, #tpu.memory_space<any>>
    %dma_wait3A_295 = arith.constant 0 : i32
    %dma_wait3A_296 = arith.constant 0 : i32
    %dma_wait3A_297 = tpu.memref_slice %arg8[%dma_wait3A_288, %dma_wait3A_295, %dma_wait3A_296] : memref<8x512x256xf32, #tpu.memory_space<vmem>> -> memref<1x512x256xf32, #tpu.memory_space<vmem>>
    %dma_wait3A_298 = tpu.memref_squeeze %dma_wait3A_297 : memref<1x512x256xf32, #tpu.memory_space<vmem>> -> memref<512x256xf32, #tpu.memory_space<vmem>>
    tpu.wait_dma2 semaphore(%dma_wait3A_291 : memref<!tpu.dma_semaphore, #tpu.memory_space<semaphore_mem>>) src(%dma_wait3A_298 : memref<512x256xf32, #tpu.memory_space<vmem>>) dst(%dma_wait3A_294 : memref<512x256xf32, #tpu.memory_space<any>>)
    %dma_wait3A_299 = arith.constant 5 : i32
    %dma_wait3A_300 = arith.constant 5 : i32
    %dma_wait3A_301 = tpu.memref_slice %arg11[%dma_wait3A_300] : memref<8x!tpu.dma_semaphore, #tpu.memory_space<semaphore_mem>> -> memref<1x!tpu.dma_semaphore, #tpu.memory_space<semaphore_mem>>
    %dma_wait3A_302 = tpu.memref_squeeze %dma_wait3A_301 : memref<1x!tpu.dma_semaphore, #tpu.memory_space<semaphore_mem>> -> memref<!tpu.dma_semaphore, #tpu.memory_space<semaphore_mem>>
    %dma_wait3A_303 = arith.constant 14848 : i32
    %dma_wait3A_304 = arith.constant 0 : i32
    %dma_wait3A_305 = tpu.memref_slice %arg3[%dma_wait3A_303, %dma_wait3A_304] : memref<16384x256xf32, #tpu.memory_space<any>> -> memref<512x256xf32, #tpu.memory_space<any>>
    %dma_wait3A_306 = arith.constant 0 : i32
    %dma_wait3A_307 = arith.constant 0 : i32
    %dma_wait3A_308 = tpu.memref_slice %arg7[%dma_wait3A_299, %dma_wait3A_306, %dma_wait3A_307] : memref<8x512x256xf32, #tpu.memory_space<vmem>> -> memref<1x512x256xf32, #tpu.memory_space<vmem>>
    %dma_wait3A_309 = tpu.memref_squeeze %dma_wait3A_308 : memref<1x512x256xf32, #tpu.memory_space<vmem>> -> memref<512x256xf32, #tpu.memory_space<vmem>>
    tpu.wait_dma2 semaphore(%dma_wait3A_302 : memref<!tpu.dma_semaphore, #tpu.memory_space<semaphore_mem>>) src(%dma_wait3A_309 : memref<512x256xf32, #tpu.memory_space<vmem>>) dst(%dma_wait3A_305 : memref<512x256xf32, #tpu.memory_space<any>>)
    %dma_wait3A_310 = arith.constant 5 : i32
    %dma_wait3A_311 = arith.constant 5 : i32
    %dma_wait3A_312 = tpu.memref_slice %arg12[%dma_wait3A_311] : memref<8x!tpu.dma_semaphore, #tpu.memory_space<semaphore_mem>> -> memref<1x!tpu.dma_semaphore, #tpu.memory_space<semaphore_mem>>
    %dma_wait3A_313 = tpu.memref_squeeze %dma_wait3A_312 : memref<1x!tpu.dma_semaphore, #tpu.memory_space<semaphore_mem>> -> memref<!tpu.dma_semaphore, #tpu.memory_space<semaphore_mem>>
    %dma_wait3A_314 = arith.constant 14848 : i32
    %dma_wait3A_315 = arith.constant 0 : i32
    %dma_wait3A_316 = tpu.memref_slice %arg4[%dma_wait3A_314, %dma_wait3A_315] : memref<16384x256xf32, #tpu.memory_space<any>> -> memref<512x256xf32, #tpu.memory_space<any>>
    %dma_wait3A_317 = arith.constant 0 : i32
    %dma_wait3A_318 = arith.constant 0 : i32
    %dma_wait3A_319 = tpu.memref_slice %arg8[%dma_wait3A_310, %dma_wait3A_317, %dma_wait3A_318] : memref<8x512x256xf32, #tpu.memory_space<vmem>> -> memref<1x512x256xf32, #tpu.memory_space<vmem>>
    %dma_wait3A_320 = tpu.memref_squeeze %dma_wait3A_319 : memref<1x512x256xf32, #tpu.memory_space<vmem>> -> memref<512x256xf32, #tpu.memory_space<vmem>>
    tpu.wait_dma2 semaphore(%dma_wait3A_313 : memref<!tpu.dma_semaphore, #tpu.memory_space<semaphore_mem>>) src(%dma_wait3A_320 : memref<512x256xf32, #tpu.memory_space<vmem>>) dst(%dma_wait3A_316 : memref<512x256xf32, #tpu.memory_space<any>>)
    %dma_wait3A_321 = arith.constant 6 : i32
    %dma_wait3A_322 = arith.constant 6 : i32
    %dma_wait3A_323 = tpu.memref_slice %arg11[%dma_wait3A_322] : memref<8x!tpu.dma_semaphore, #tpu.memory_space<semaphore_mem>> -> memref<1x!tpu.dma_semaphore, #tpu.memory_space<semaphore_mem>>
    %dma_wait3A_324 = tpu.memref_squeeze %dma_wait3A_323 : memref<1x!tpu.dma_semaphore, #tpu.memory_space<semaphore_mem>> -> memref<!tpu.dma_semaphore, #tpu.memory_space<semaphore_mem>>
    %dma_wait3A_325 = arith.constant 15360 : i32
    %dma_wait3A_326 = arith.constant 0 : i32
    %dma_wait3A_327 = tpu.memref_slice %arg3[%dma_wait3A_325, %dma_wait3A_326] : memref<16384x256xf32, #tpu.memory_space<any>> -> memref<512x256xf32, #tpu.memory_space<any>>
    %dma_wait3A_328 = arith.constant 0 : i32
    %dma_wait3A_329 = arith.constant 0 : i32
    %dma_wait3A_330 = tpu.memref_slice %arg7[%dma_wait3A_321, %dma_wait3A_328, %dma_wait3A_329] : memref<8x512x256xf32, #tpu.memory_space<vmem>> -> memref<1x512x256xf32, #tpu.memory_space<vmem>>
    %dma_wait3A_331 = tpu.memref_squeeze %dma_wait3A_330 : memref<1x512x256xf32, #tpu.memory_space<vmem>> -> memref<512x256xf32, #tpu.memory_space<vmem>>
    tpu.wait_dma2 semaphore(%dma_wait3A_324 : memref<!tpu.dma_semaphore, #tpu.memory_space<semaphore_mem>>) src(%dma_wait3A_331 : memref<512x256xf32, #tpu.memory_space<vmem>>) dst(%dma_wait3A_327 : memref<512x256xf32, #tpu.memory_space<any>>)
    %dma_wait3A_332 = arith.constant 6 : i32
    %dma_wait3A_333 = arith.constant 6 : i32
    %dma_wait3A_334 = tpu.memref_slice %arg12[%dma_wait3A_333] : memref<8x!tpu.dma_semaphore, #tpu.memory_space<semaphore_mem>> -> memref<1x!tpu.dma_semaphore, #tpu.memory_space<semaphore_mem>>
    %dma_wait3A_335 = tpu.memref_squeeze %dma_wait3A_334 : memref<1x!tpu.dma_semaphore, #tpu.memory_space<semaphore_mem>> -> memref<!tpu.dma_semaphore, #tpu.memory_space<semaphore_mem>>
    %dma_wait3A_336 = arith.constant 15360 : i32
    %dma_wait3A_337 = arith.constant 0 : i32
    %dma_wait3A_338 = tpu.memref_slice %arg4[%dma_wait3A_336, %dma_wait3A_337] : memref<16384x256xf32, #tpu.memory_space<any>> -> memref<512x256xf32, #tpu.memory_space<any>>
    %dma_wait3A_339 = arith.constant 0 : i32
    %dma_wait3A_340 = arith.constant 0 : i32
    %dma_wait3A_341 = tpu.memref_slice %arg8[%dma_wait3A_332, %dma_wait3A_339, %dma_wait3A_340] : memref<8x512x256xf32, #tpu.memory_space<vmem>> -> memref<1x512x256xf32, #tpu.memory_space<vmem>>
    %dma_wait3A_342 = tpu.memref_squeeze %dma_wait3A_341 : memref<1x512x256xf32, #tpu.memory_space<vmem>> -> memref<512x256xf32, #tpu.memory_space<vmem>>
    tpu.wait_dma2 semaphore(%dma_wait3A_335 : memref<!tpu.dma_semaphore, #tpu.memory_space<semaphore_mem>>) src(%dma_wait3A_342 : memref<512x256xf32, #tpu.memory_space<vmem>>) dst(%dma_wait3A_338 : memref<512x256xf32, #tpu.memory_space<any>>)
    %dma_wait3A_343 = arith.constant 7 : i32
    %dma_wait3A_344 = arith.constant 7 : i32
    %dma_wait3A_345 = tpu.memref_slice %arg11[%dma_wait3A_344] : memref<8x!tpu.dma_semaphore, #tpu.memory_space<semaphore_mem>> -> memref<1x!tpu.dma_semaphore, #tpu.memory_space<semaphore_mem>>
    %dma_wait3A_346 = tpu.memref_squeeze %dma_wait3A_345 : memref<1x!tpu.dma_semaphore, #tpu.memory_space<semaphore_mem>> -> memref<!tpu.dma_semaphore, #tpu.memory_space<semaphore_mem>>
    %dma_wait3A_347 = arith.constant 15872 : i32
    %dma_wait3A_348 = arith.constant 0 : i32
    %dma_wait3A_349 = tpu.memref_slice %arg3[%dma_wait3A_347, %dma_wait3A_348] : memref<16384x256xf32, #tpu.memory_space<any>> -> memref<512x256xf32, #tpu.memory_space<any>>
    %dma_wait3A_350 = arith.constant 0 : i32
    %dma_wait3A_351 = arith.constant 0 : i32
    %dma_wait3A_352 = tpu.memref_slice %arg7[%dma_wait3A_343, %dma_wait3A_350, %dma_wait3A_351] : memref<8x512x256xf32, #tpu.memory_space<vmem>> -> memref<1x512x256xf32, #tpu.memory_space<vmem>>
    %dma_wait3A_353 = tpu.memref_squeeze %dma_wait3A_352 : memref<1x512x256xf32, #tpu.memory_space<vmem>> -> memref<512x256xf32, #tpu.memory_space<vmem>>
    tpu.wait_dma2 semaphore(%dma_wait3A_346 : memref<!tpu.dma_semaphore, #tpu.memory_space<semaphore_mem>>) src(%dma_wait3A_353 : memref<512x256xf32, #tpu.memory_space<vmem>>) dst(%dma_wait3A_349 : memref<512x256xf32, #tpu.memory_space<any>>)
    %dma_wait3A_354 = arith.constant 7 : i32
    %dma_wait3A_355 = arith.constant 7 : i32
    %dma_wait3A_356 = tpu.memref_slice %arg12[%dma_wait3A_355] : memref<8x!tpu.dma_semaphore, #tpu.memory_space<semaphore_mem>> -> memref<1x!tpu.dma_semaphore, #tpu.memory_space<semaphore_mem>>
    %dma_wait3A_357 = tpu.memref_squeeze %dma_wait3A_356 : memref<1x!tpu.dma_semaphore, #tpu.memory_space<semaphore_mem>> -> memref<!tpu.dma_semaphore, #tpu.memory_space<semaphore_mem>>
    %dma_wait3A_358 = arith.constant 15872 : i32
    %dma_wait3A_359 = arith.constant 0 : i32
    %dma_wait3A_360 = tpu.memref_slice %arg4[%dma_wait3A_358, %dma_wait3A_359] : memref<16384x256xf32, #tpu.memory_space<any>> -> memref<512x256xf32, #tpu.memory_space<any>>
    %dma_wait3A_361 = arith.constant 0 : i32
    %dma_wait3A_362 = arith.constant 0 : i32
    %dma_wait3A_363 = tpu.memref_slice %arg8[%dma_wait3A_354, %dma_wait3A_361, %dma_wait3A_362] : memref<8x512x256xf32, #tpu.memory_space<vmem>> -> memref<1x512x256xf32, #tpu.memory_space<vmem>>
    %dma_wait3A_364 = tpu.memref_squeeze %dma_wait3A_363 : memref<1x512x256xf32, #tpu.memory_space<vmem>> -> memref<512x256xf32, #tpu.memory_space<vmem>>
    tpu.wait_dma2 semaphore(%dma_wait3A_357 : memref<!tpu.dma_semaphore, #tpu.memory_space<semaphore_mem>>) src(%dma_wait3A_364 : memref<512x256xf32, #tpu.memory_space<vmem>>) dst(%dma_wait3A_360 : memref<512x256xf32, #tpu.memory_space<any>>)
    return
  }
}

</mosaic_0001>

<sc_bundles>
// kernel: kernel.5.cloned.1.call-start
scs
__scs_entry_jumppad:
0x0: {  	(pc) =	sbr.rel $0x88, $3  }
0x1: {  	(tag) =	ssettag $0x0;
	lr =	simm.s32 $0x1  }
0x2: {  	[smem:$0x3F9D] =	sst lr;
	_ =	strace $0xD0000000  }
0x3: {  	_ = 	snop  }
0x4: {  	_ = 	snop  }
0x5: {  	_ = 	snop  }
0x6: {  	_ = 	snop  }
0x7: {  	_ = 	snop  }
__scs_overlays_trampoline_lowered:
0x8: {  	[smem:$0x3FAC] =	sst s0  }
0x9: {  	[smem:$0x3FAD] =	sst s1  }
0xa: {  	[smem:$0x3FAE] =	sst s2  }
0xb: {  	[smem:$0x3FAF] =	sst s3  }
0xc: {  	[smem:$0x3FB0] =	sst s4  }
0xd: {  	[smem:$0x3FB1] =	sst s5  }
0xe: {  	[smem:$0x3FB2] =	sst s6  }
0xf: {  	[smem:$0x3FB3] =	sst s7  }
0x10: {  	[smem:$0x3FB4] =	sst s8  }
0x11: {  	[smem:$0x3FB5] =	sst s9;
	s0 =	simm.s32 @!p0 $0x0  }
0x12: {  	s1 =	sld [smem:$0x3F9B];
	s0 =	simm.s32 @p0 $0x1  }
0x13: {  	[smem:$0x3FB6] =	sst s0;
	s0 =	simm.s32 @!p1 $0x0  }
0x14: {  	s2 =	sld [smem:$0x3F9A];
	s0 =	simm.s32 @p1 $0x1  }
0x15: {  	[smem:$0x3FB7] =	sst s0;
	s0 =	simm.s32 @!p2 $0x0  }
0x16: {  	s3 =	sld [smem:$0x3FDB];
	s0 =	simm.s32 @p2 $0x1  }
0x17: {  	s4 =	simm.s32 $0x1BF5;
	[smem:$0x3FB9] =	sst s0  }
0x18: {  	s0 =	sld [smem:$0x3F9C];
	_ =	swait.ge [sflag:s4], $0x0  }
0x19: {  	s7 =	sld [smem:$0x3F9D]  }
0x1a: {  	s8 =	sadd.s32 $0xFFFFE003, lr  }
0x1b: {  	s9 =	sadd.s32 $0xFFFFFEF7, lr;
	s5 =	simm.s32 $0xFFFFFFFF;
	p2 =	slt.u32 s8, $0xFFFFF086  }
0x1c: {  	p1 =	slt.u32 s9, $0xF7A;
	s5 =	simm.s32 @!p2 $0x0  }
0x1d: {  	s5 =	simm.s32 @p1 $0x1;
	p0 =	seq.s32 s7, s2  }
0x1e: {  	s7 =	smul.u32 @!p0 $0xF7A, s2;
	p2 =	seq.s32 @!p0 s5, $0x0  }
0x1f: {  	s9 =	smul.u32 $0xF7A, s1;
	s8 =	simm.s32 @!p0 $0x1BF5;
	p2 =	por !p2, p0  }
0x20: {  	[sflag:s8] =	ssyncset.s32 @!p0 $0xFFFFF086;
	s6 =	sadd.s32 @!p0 s3, s7;
	s7 =	simm.s32 @!p0 $0x108  }
0x21: {  	s3 =	sadd.s32 s3, s9;
	s6 =	sadd.s32 @!p0 $0x88, s6;
	s7 =	simm.s32 @p2 $0x1082  }
0x22: {  	[simem:s7], [sflag:s8] =	dma.local @!p0 [hbm:s6], $0xF7A  }
0x23: {  	s9 =	sor.u32 $0xD0000000, s2;
	s6 =	simm.s32 $0x108;
	_ =	swait.ge @!p0 [sflag:s8], $0x0  }
0x24: {  	s3 =	sadd.s32 $0x88, s3;
	s6 =	simm.s32 @!p1 $0x1082;
	[sflag:s4] =	ssyncset.s32 $0xFFFFF086  }
0x25: {  	[simem:s6], [sflag:s4] =	dma.local [hbm:s3], $0xF7A  }
0x26: {  	[smem:$0x3F9D] =	sst s1;
	(tag) =	ssettag s2;
	_ =	strace s9  }
0x27: {  	s1 =	sld [smem:$0x3FAD]  }
0x28: {  	s2 =	sld [smem:$0x3FAE]  }
0x29: {  	s4 =	sld [smem:$0x3FB0]  }
0x2a: {  	p0 =	seq.s32 s5, $0x0;
	s5 =	sld [smem:$0x3FB1]  }
0x2b: {  	s6 =	sld [smem:$0x3FB2]  }
0x2c: {  	s7 =	sld [smem:$0x3FB3]  }
0x2d: {  	s3 =	simm.s32 $0x108;
	s8 =	sld [smem:$0x3FB4]  }
0x2e: {  	s3 =	simm.s32 @!p0 $0x1082;
	s9 =	sld [smem:$0x3FB5]  }
0x2f: {  	lr =	sadd.s32 s0, s3;
	s0 =	sld [smem:$0x3FAC]  }
0x30: {  	s3 =	sld [smem:$0x3FAF]  }
0x31: {  	[smem:$0x3FB8] =	sst s10  }
0x32: {  	s10 =	sld [smem:$0x3FB6];
	_ =	sdelay $0x3  }
0x33: {  	p0 =	seq.s32 s10, $0x1;
	s10 =	sld [smem:$0x3FB8];
	_ =	sdelay $0x3  }
0x34: {  	[smem:$0x3FB8] =	sst s10  }
0x35: {  	s10 =	sld [smem:$0x3FB7];
	_ =	sdelay $0x3  }
0x36: {  	p1 =	seq.s32 s10, $0x1;
	s10 =	sld [smem:$0x3FB8];
	_ =	sdelay $0x3  }
0x37: {  	[smem:$0x3FB8] =	sst s10  }
0x38: {  	s10 =	sld [smem:$0x3FB9]  }
0x39: {  	_ = 	snop;
	(pc) =	sbr.ind lr, $3  }
0x3a: {  	_ = 	snop  }
0x3b: {  	_ = 	snop  }
0x3c: {  	p2 =	seq.s32 s10, $0x1;
	s10 =	sld [smem:$0x3FB8]  }
0x3d: {  	_ =	shalt  }
0x3e: {  	_ =	shalt  }
0x3f: {  	_ =	shalt  }
0x40: {  	_ =	shalt  }
0x41: {  	_ =	shalt  }
0x42: {  	_ =	shalt  }
0x43: {  	_ =	shalt  }
0x44: {  	_ =	shalt  }
0x45: {  	_ =	shalt  }
0x46: {  	_ =	shalt  }
0x47: {  	_ =	shalt  }
0x48: {  	_ =	shalt  }
0x49: {  	_ =	shalt  }
0x4a: {  	_ =	shalt  }
0x4b: {  	_ =	shalt  }
0x4c: {  	_ =	shalt  }
0x4d: {  	_ =	shalt  }
0x4e: {  	_ =	shalt  }
0x4f: {  	_ =	shalt  }
0x50: {  	_ =	shalt  }
0x51: {  	_ =	shalt  }
0x52: {  	_ =	shalt  }
0x53: {  	_ =	shalt  }
0x54: {  	_ =	shalt  }
0x55: {  	_ =	shalt  }
0x56: {  	_ =	shalt  }
0x57: {  	_ =	shalt  }
0x58: {  	_ =	shalt  }
0x59: {  	_ =	shalt  }
0x5a: {  	_ =	shalt  }
0x5b: {  	_ =	shalt  }
0x5c: {  	_ =	shalt  }
0x5d: {  	_ =	shalt  }
0x5e: {  	_ =	shalt  }
0x5f: {  	_ =	shalt  }
0x60: {  	_ =	shalt  }
0x61: {  	_ =	shalt  }
0x62: {  	_ =	shalt  }
0x63: {  	_ =	shalt  }
0x64: {  	_ =	shalt  }
0x65: {  	_ =	shalt  }
0x66: {  	_ =	shalt  }
0x67: {  	_ =	shalt  }
0x68: {  	_ =	shalt  }
0x69: {  	_ =	shalt  }
0x6a: {  	_ =	shalt  }
0x6b: {  	_ =	shalt  }
0x6c: {  	_ =	shalt  }
0x6d: {  	_ =	shalt  }
0x6e: {  	_ =	shalt  }
0x6f: {  	_ =	shalt  }
0x70: {  	_ =	shalt  }
0x71: {  	_ =	shalt  }
0x72: {  	_ =	shalt  }
0x73: {  	_ =	shalt  }
0x74: {  	_ =	shalt  }
0x75: {  	_ =	shalt  }
0x76: {  	_ =	shalt  }
0x77: {  	_ =	shalt  }
0x78: {  	_ =	shalt  }
0x79: {  	_ =	shalt  }
0x7a: {  	_ =	shalt  }
0x7b: {  	_ =	shalt  }
0x7c: {  	_ =	shalt  }
0x7d: {  	_ =	shalt  }
0x7e: {  	_ =	shalt  }
0x7f: {  	_ =	shalt  }
0x80: {  	_ =	shalt  }
0x81: {  	_ =	shalt  }
0x82: {  	_ =	shalt  }
0x83: {  	_ =	shalt  }
0x84: {  	_ =	shalt  }
0x85: {  	_ =	shalt  }
0x86: {  	_ =	shalt  }
0x87: {  	_ =	shalt  }
.Lfunc_end0:
.L_simem_size_0:
called_computation_lowered:
.L_overlay_start_0:
0x88: {  	s2 =	sld [smem:$0x3FD9]  }
0x89: {  	s3 =	sld [smem:$0x3FFE];
	_ =	sdelay $0x1  }
0x8a: {  	s1 =	srdreg.scid  }
0x8b: {  	s0 =	sand.u32 $0x1, s1  }
0x8c: {  	s14 =	sshll.u32 s0, $0xA;
	s2 =	sadd.s32 s3, s2  }
0x8d: {  	s2 =	sadd.s32 s2, s14  }
0x8e: {  	[smem:$0x3FC4] =	sst s2  }
0x8f: {  	_ = 	snop  }
0x90: {  	s2 =	sld [smem:$0x3FD0];
	_ =	sdelay $0x2  }
0x91: {  	s4 =	simm.s32 $0xA;
	s5 =	simm.s32 $0x10;
	s15 =	sld [smem:$0x3FC6]  }
0x92: {  	[smem:s5], [sflag:s4] =	dma.local [hbm:s2], $0x1  }
0x93: {  	_ =	swait.eq [sflag:s4], $0x1  }
0x94: {  	[sflag:s4] =	ssyncset.done $0x0  }
0x95: {  	s16 =	sld [smem:$0x12];
	[sflag:s4] =	ssyncadd.s32 $0xFFFFFFFF  }
0x96: {  	s17 =	sld [smem:$0x13];
	(tm) =	ssettm $0x1  }
0x97: {  	s18 =	sld [smem:$0x3FFB];
	_ =	sdelay $0x3  }
0x98: {  	_ =	strace s18  }
0x99: {  	s5 =	sld [smem:$0x3FFC];
	_ =	sdelay $0x3  }
0x9a: {  	_ =	strace s5  }
0x9b: {  	s5 =	sld [smem:$0x3FFD];
	_ =	sdelay $0x3  }
0x9c: {  	_ =	strace s5  }
0x9d: {  	_ =	strace $0x8FFFFFFF  }
0x9e: {  	s19 =	sld [smem:$0x3FDB];
	_ =	sdelay $0x1  }
0x9f: {  	s6 =	simm.s32 $_scs_section_size  }
0xa0: {  	s7 =	simm.s32 $_size__tile_overlayer_lowered;
	s8 =	simm.s32 $_tile_overlayer_lowered  }
0xa1: {  	s22 =	simm.s32 $0x1BFF;
	s21 =	sshll.u32 s8, $0x1;
	s5 =	sadd.s32 s6, s19  }
0xa2: {  	s9 =	simm.s32 $0x0;
	s20 =	sshll.u32 s7, $0x1;
	s7 =	sadd.s32 s21, s5  }
0xa3: {  	[timem:s9], [sflag:s22] =	dma.local [hbm:s7], s20  }
0xa4: {  	_ =	swait.ge [sflag:s22], s20  }
0xa5: {  	s6 =	ssub.s32 $0x0, s20;
	[sflag:s22] =	ssyncset.done $0x0  }
0xa6: {  	[sflag:s22] =	ssyncadd.s32 s6;
	_ =	sdelay $0x1  }
0xa7: {  	s23 =	simm.s32 $0x1B8B  }
0xa8: {  	_ =	swait.ge [sflag:s23], $0x1  }
0xa9: {  	[sflag:s23] =	ssyncset.done $0x0  }
0xaa: {  	s25 =	simm.s32 $0x1B8E;
	s24 =	sld [smem:$0x3FFE];
	[sflag:s23] =	ssyncadd.s32 $0xFFFFFFFF  }
0xab: {  	s26 =	simm.s32 $execute0_lowered;
	[smem:$0x3FD2] =	sst s25  }
0xac: {  	s7 =	sshll.u32 s26, $0x1;
	_ =	strace $0x80000046;
	[dreg:$0x1] =	wrdreg $0xFFFFFFFF  }
0xad: {  	s28 =	simm.s32 $_size_execute0_lowered;
	s5 =	sadd.s32 s5, s7;
	[dreg:$0x0] =	wrdreg $0x0  }
0xae: {  	s7 =	sshll.u32 s28, $0x1;
	[dreg:$0x2] =	wrdreg s5  }
0xaf: {  	[dreg:$0x3] =	wrdreg s7  }
0xb0: {  	[dreg:$0x4] =	wrdreg $0xC0  }
0xb1: {  	_ =	task [dreg:s9], $0x5FFFF  }
0xb2: {  	[dreg:$0x1] =	wrdreg $0xFFFFFFFF  }
0xb3: {  	[dreg:$0x0] =	wrdreg $0x60  }
0xb4: {  	[dreg:$0x2] =	wrdreg s24  }
0xb5: {  	[dreg:$0x3] =	wrdreg s15  }
0xb6: {  	[dreg:$0x4] =	wrdreg s16  }
0xb7: {  	[dreg:$0x5] =	wrdreg s17  }
0xb8: {  	[dreg:$0x6] =	wrdreg $0x9  }
0xb9: {  	_ =	task.clear_ibuf [dreg:s9], $0x7FFFF;
	_ =	strace $0x90000046  }
0xba: {  	s29 =	simm.s32 $0x9;
	_ =	strace $0x80000048  }
0xbb: {  	_ =	swait.ge [sflag:s29], $0x1  }
0xbc: {  	[sflag:s29] =	ssyncadd.s32 $0xFFFFFFFF  }
0xbd: {  	_ =	strace $0x90000048  }
0xbe: {  	_ =	sfence  }
0xbf: {  	s30 =	sld [smem:$0x0];
	_ =	sdelay $0x2  }
0xc0: {  	s31 =	sshll.u32 s1, $0xD;
	s1 =	sshrl.u32 s1, $0x2  }
0xc1: {  	s3 =	sand.u32 $0x4000, s31;
	s1 =	sadd.s32 s1, s30  }
0xc2: {  	s0 =	sor.u32 s3, s0;
	s1 =	sshll.u32 s1, $0x11  }
0xc3: {  	s0 =	sor.u32 s1, s0  }
0xc4: {  	s0 =	sadd.s32 $0x8F2B, s0  }
0xc5: {  	[sflag:s0] =	ssyncadd.remote.s32 $0x1  }
0xc6: {  	_ =	sfence.sel $0xFFFF  }
0xc7: {  	[dreg:$0x0] =	wrdreg $0xFFFFFFFF;
	(pc) =	sbr.abs _section_cstart, $3  }
0xc8: {  	[dreg:$0x1] =	wrdreg $0xFFFFFFFF  }
0xc9: {  	_ =	task.clear_ibuf [dreg:s9], $0x2FFFF;
	_ =	strace $0x9FFFFFFF  }
0xca: {  	(tm) =	ssettm $0x7FFFFFFF  }
0xcb: {  	_ =	shalt  }
tec
execute0_lowered:
.L_overlay_start_1:
0x0: {  	(tag) =	ssettag $0x1  }
0x1: {  	s0 =	rddreg [dreg:$0x0]  }
0x2: {  	s1 =	rddreg [dreg:$0x1]  }
0x3: {  	s2 =	rddreg [dreg:$0x2]  }
0x4: {  	s3 =	rddreg [dreg:$0x3];
	s4 =	srdreg.scid  }
0x5: {  	s5 =	rddreg [dreg:$0x4];
	s4 =	sand.u32 $0x1, s4  }
0x6: {  	s6 =	simm.s32 $0x0;
	s7 =	stileid.u32;
	p0 =	seq.s32 s4, $0x1  }
0x7: {  	[smem:$0x7FF] =	sst s6;
	s4 =	sshll.u32 @!p0 s7, $0x1  }
0x8: {  	_ =	strace $0x80000047;
	s6 =	simm.s32 @!p0 $0x0;
	s1 =	sadd.s32 @!p0 s1, s4  }
0x9: {  	[tilespmem:s6], [sflag:$0x2] =	stream.linear.gather @!p0 [hbm4b:s1+s6], $0x10, $0x38;
	[tilespmem:$0x200] =	vst v63  }
0xa: {  	s1 =	simm.s32 @!p0 $0x2  }
0xb: {  	_ =	swait.ge @!p0 [sflag:s1], $0x10  }
0xc: {  	[sflag:s1] =	ssyncset.done @!p0 $0x0  }
0xd: {  	[sflag:s1] =	ssyncadd.s32 @!p0 $0xFFFFFFF0  }
0xe: {  	v0 =	vld @!p0 [tilespmem:$0x0];
	_ =	sdelay $0x4  }
0xf: {  	s0 =	sadd.s32 $0x1000, s0;
	v0 =	vadd.s32 @!p0 $0x400, v0  }
0x10: {  	s8 =	simm.s32 @!p0 $0x10;
	s9 =	simm.s32 @!p0 $0x100;
	s10 =	simm.s32 @!p0 $0x1;
	[tilespmem:$0x80] =	vst @!p0 v0  }
0x11: {  	[tilespmem:s9], [sflag:$0x1] =	stream.indirect.gather @!p0 [hbm4b:s0+s8], $0x1, s6, s8, $0xb8;
	[tilespmem:$0x200] =	vst v63  }
0x12: {  	_ =	swait.ge @!p0 [sflag:s10], $0x10  }
0x13: {  	[sflag:s10] =	ssyncset.done @!p0 $0x0  }
0x14: {  	s11 =	simm.s32 @!p0 $0x80;
	s12 =	simm.s32 @!p0 $0x180;
	[sflag:s10] =	ssyncadd.s32 @!p0 $0xFFFFFFF0  }
0x15: {  	[tilespmem:s12], [sflag:$0x1] =	stream.indirect.gather @!p0 [hbm4b:s0+s8], $0x1, s11, s8, $0xb8;
	[tilespmem:$0x200] =	vst v63  }
0x16: {  	_ =	swait.ge @!p0 [sflag:s10], $0x10  }
0x17: {  	[sflag:s10] =	ssyncset.done @!p0 $0x0  }
0x18: {  	s0 =	sadd.s32 @!p0 s2, s4;
	[sflag:s10] =	ssyncadd.s32 @!p0 $0xFFFFFFF0  }
0x19: {  	[hbm4b:s0+s6] =	stream.linear.scatter @!p0 [tilespmem:s9], [sflag:$0x2], $0x10, $0x38;
	[tilespmem:$0x200] =	vst v63  }
0x1a: {  	_ =	swait.ge @!p0 [sflag:s1], $0x10  }
0x1b: {  	[sflag:s1] =	ssyncset.done @!p0 $0x0  }
0x1c: {  	s0 =	sadd.s32 @!p0 s3, s4;
	[sflag:s1] =	ssyncadd.s32 @!p0 $0xFFFFFFF0  }
0x1d: {  	[hbm4b:s0+s6] =	stream.linear.scatter @!p0 [tilespmem:s12], [sflag:$0x2], $0x10, $0x38;
	[tilespmem:$0x200] =	vst v63  }
0x1e: {  	_ =	swait.ge @!p0 [sflag:s1], $0x10  }
0x1f: {  	[sflag:s1] =	ssyncset.done @!p0 $0x0  }
0x20: {  	[sflag:s1] =	ssyncadd.s32 @!p0 $0xFFFFFFF0  }
0x21: {  	_ =	sfence.sel $0x180000  }
0x22: {  	[bflag:$0x0] =	sbarrier.arrive $0xFFFF  }
0x23: {  	p0 =	sne.s32 s7, $0x0;
	_ =	strace $0x90000047  }
0x24: {  	s0 =	sadd.s32 @!p0 $0x100000, s5;
	[bflag:$0x2] =	sbarrier.arrive $0xFFFF  }
0x25: {  	[sflag:s0] =	ssyncadd.tile.s32 @!p0 $0x1;
	_ =	shalt  }
.Lfunc_end2:
_tile_overlayer_lowered:
.L_overlay_start_2:
0x26: {  	(tag) =	ssettag $0x2  }
0x27: {  	s0 =	rddreg [dreg:$0x0];
	s2 =	stileid.u32  }
0x28: {  	s1 =	rddreg [dreg:$0x1];
	p0 =	sne.s32 s2, $0x0  }
0x29: {  	s3 =	rddreg [dreg:$0x2];
	[bflag:$0x3] =	sbarrier.arrive $0xFFFF;
	s2 =	simm.s32 @!p0 $0x1C02  }
0x2a: {  	[timem:s3], [sflag:s2] =	dma.local @!p0 [hbm:s0], s1  }
0x2b: {  	s0 =	simm.s32 @!p0 $0x2  }
0x2c: {  	_ =	swait.ge @!p0 [sflag:s0], s1  }
0x2d: {  	s1 =	ssub.s32 @!p0 $0x0, s1;
	[sflag:s0] =	ssyncset.done @!p0 $0x0  }
0x2e: {  	[sflag:s0] =	ssyncadd.s32 @!p0 s1  }
0x2f: {  	[bflag:$0x3] =	sbarrier.arrive $0xFFFF  }
0x30: {  	_ =	shalt  }

</sc_bundles>
